<compile_context>
chip_gen: v7x
topology: tpu7x:2x2x1
jax: 0.10.2.dev20260603
libtpu: 0.0.44.dev20260713+nightly
codegen_flags: <defaults>
</compile_context>

<pallas_src>
import jax
import jax.numpy as jnp
from jax import lax
from jax.experimental import pallas as pl
from jax.experimental.pallas import tpu as pltpu
from jax.experimental.pallas import tpu_sc as plsc

_VOCAB = 1000000
_D = 32
_DP = 32
_B = 16384
_L = 50

_NC = 2
_NS = 16
_NW = _NC * _NS
_BPW = _B // _NW
_ITEMS = _BPW * _L
_IDXROW = 2 * _L
_IDXROWS_W = _ITEMS // _IDXROW
_GB = 8
_GROUP_ITEMS = _GB * _L
_GROUP_DMAS = _GROUP_ITEMS // _IDXROW
_NG = _BPW // _GB
_CROWS_W = _BPW * _D // 128


def _sc_scores_body(cvec_hbm, ctx_hbm, out_hbm, scores_hbm,
                    ctr_v, cxidx_v, ctx_a, ctx_b, sbuf_v,
                    sem_a, sem_b):
    wid = lax.axis_index("s") * _NC + lax.axis_index("c")
    iota = lax.iota(jnp.int32, 16)

    pltpu.sync_copy(cvec_hbm.at[pl.ds(wid * _CROWS_W, _CROWS_W)], ctr_v)
    pltpu.sync_copy(ctx_hbm.at[pl.ds(wid * _IDXROWS_W, _IDXROWS_W)], cxidx_v)

    def fire_ctx(g, ctx_buf, sem):
        for j in range(_GROUP_DMAS):
            pltpu.make_async_copy(
                out_hbm.at[cxidx_v.at[g * _GROUP_DMAS + j]],
                ctx_buf.at[pl.ds(j * _IDXROW, _IDXROW)],
                sem).start()

    def drain_ctx(g, ctx_buf, sem):
        for j in range(_GROUP_DMAS):
            pltpu.make_async_copy(
                out_hbm.at[cxidx_v.at[g * _GROUP_DMAS + j]],
                ctx_buf.at[pl.ds(j * _IDXROW, _IDXROW)],
                sem).wait()

    brow = lax.shift_right_logical(iota, 1)
    par = lax.rem(iota, 2)
    crow = lax.shift_right_logical(iota, 3)
    ccol = lax.mul(lax.rem(brow, 4), 32)
    rbase = brow * _L + par

    def compute_group(g, ctx_buf):
        b0 = g * _GB
        cvec = [
            plsc.load_gather(ctr_v, [b0 // 4 + crow, ccol + d])
            for d in range(_D)
        ]
        sbase = g * _GROUP_ITEMS + rbase

        def l_body(l, carry):
            ridx = rbase + 2 * l
            prods = [
                cvec[d] * plsc.load_gather(
                    ctx_buf, [ridx, jnp.full((16,), d, jnp.int32)])
                for d in range(_D)
            ]
            while len(prods) > 1:
                prods = [a + b for a, b in zip(prods[0::2], prods[1::2])]
            plsc.store_scatter(sbuf_v, [sbase + 2 * l], prods[0])
            return carry

        lax.fori_loop(0, _L // 2, l_body, 0)

    fire_ctx(0, ctx_a, sem_a)

    def outer(k, carry):
        g0 = 2 * k
        fire_ctx(g0 + 1, ctx_b, sem_b)
        drain_ctx(g0, ctx_a, sem_a)
        compute_group(g0, ctx_a)

        @pl.when(k < _NG // 2 - 1)
        def _():
            fire_ctx(g0 + 2, ctx_a, sem_a)

        drain_ctx(g0 + 1, ctx_b, sem_b)
        compute_group(g0 + 1, ctx_b)
        return carry

    lax.fori_loop(0, _NG // 2, outer, 0)
    pltpu.sync_copy(sbuf_v, scores_hbm.at[pl.ds(wid * _ITEMS, _ITEMS)])


def _sc_scores(cvec2d, ctx2d, out_embed_p):
    mesh = plsc.VectorSubcoreMesh(core_axis_name="c", subcore_axis_name="s")
    fn = pl.kernel(
        _sc_scores_body,
        out_type=jax.ShapeDtypeStruct((_B * _L,), jnp.float32),
        mesh=mesh,
        scratch_types=[
            pltpu.VMEM((_CROWS_W, 128), jnp.float32),
            pltpu.VMEM((_IDXROWS_W, _IDXROW), jnp.int32),
            pltpu.VMEM((_GROUP_ITEMS, _DP), jnp.float32),
            pltpu.VMEM((_GROUP_ITEMS, _DP), jnp.float32),
            pltpu.VMEM((_ITEMS,), jnp.float32),
            pltpu.SemaphoreType.DMA,
            pltpu.SemaphoreType.DMA,
        ],
        compiler_params=pltpu.CompilerParams(
            needs_layout_passes=False, use_tc_tiling_on_sc=False),
    )
    return fn(cvec2d, ctx2d, out_embed_p)


_TCHUNK = 8192
_TCBLKS = pl.cdiv(_VOCAB, 4 * _TCHUNK)


def _tc_padt_body(x_ref, o_ref):
    for q in range(4):
        o_ref[:, 32 * q:32 * q + _D] = (
            x_ref[:, q * _TCHUNK:(q + 1) * _TCHUNK].T)


def _tc_padt(table_t):
    return pl.pallas_call(
        _tc_padt_body,
        grid=(_TCBLKS,),
        in_specs=[pl.BlockSpec((_D, 4 * _TCHUNK), lambda i: (0, i))],
        out_specs=pl.BlockSpec((_TCHUNK, 128), lambda i: (i, 0)),
        out_shape=jax.ShapeDtypeStruct((_TCBLKS * _TCHUNK, 128), jnp.float32),
    )(table_t)


def _tc_loss_body(x_ref, o_ref):
    t = -x_ref[...]
    sp = jnp.maximum(t, 0.0) + jnp.log(1.0 + jnp.exp(-jnp.abs(t)))
    o_ref[0, 0] = jnp.sum(sp) * (1.0 / (_B * _L))


def _tc_loss(scores2d):
    return pl.pallas_call(
        _tc_loss_body,
        out_shape=jax.ShapeDtypeStruct((1, 1), jnp.float32),
        out_specs=pl.BlockSpec(memory_space=pltpu.SMEM),
    )(scores2d)


def kernel(center_ids, context_ids, in_embed, out_embed):
    v = context_ids.astype(jnp.int32)
    gid = (((v >> 15) << 13) | (v & (_TCHUNK - 1))) * 4 + ((v >> 13) & 3)
    ctx2d = gid.reshape(_B * _L // _IDXROW, _IDXROW)
    center_vec = jnp.take(in_embed, center_ids.astype(jnp.int32), axis=0)
    cvec2d = center_vec.reshape(_B * _D // 128, 128)
    out_p = _tc_padt(out_embed.T).reshape(4 * _TCBLKS * _TCHUNK, _DP)
    scores = _sc_scores(cvec2d, ctx2d, out_p)
    loss2d = _tc_loss(scores.reshape(_B * _L // 128, 128))
    return loss2d[0, 0]

# --- scband reference (transcript-rebuilt; emitter-appended) ---
"""Pipeline reference for scband-block2-vec-5832565588591 (READ-ONLY COPY).

The authoritative reference and input builder live on the scoring server;
editing this copy changes nothing except your own understanding.
"""

import jax, jax.numpy as jnp
import numpy as np

VOCAB = 1000000
EMBED_DIM = 32
BATCH = 16384
CTX_LEN = 50

def setup_inputs(seed: int = 0) -> dict:
    key = jax.random.key(seed)
    k1, k2, k3, k4 = jax.random.split(key, 4)
    center_ids = jax.random.randint(k1, (BATCH,), 0, VOCAB, dtype=jnp.int64 if jax.config.jax_enable_x64 else jnp.int32)
    context_ids = jax.random.randint(k2, (BATCH, CTX_LEN), 0, VOCAB, dtype=jnp.int64 if jax.config.jax_enable_x64 else jnp.int32)
    in_embed = jax.random.normal(k3, (VOCAB, EMBED_DIM), dtype=jnp.float32)
    out_embed = jax.random.normal(k4, (VOCAB, EMBED_DIM), dtype=jnp.float32)
    return {"center_ids": center_ids, "context_ids": context_ids, "in_embed": in_embed, "out_embed": out_embed}

def reference(center_ids, context_ids, in_embed, out_embed):
    batch_size, context_len = context_ids.shape
    # center_ids.unsqueeze(1).expand(-1, L).reshape(-1)
    center_ids_expanded = jnp.repeat(center_ids, context_len)
    context_ids_flat = context_ids.reshape(-1)
    center_vec = jnp.take(in_embed, center_ids_expanded, axis=0)
    context_vec = jnp.take(out_embed, context_ids_flat, axis=0)
    scores = (center_vec * context_vec).sum(axis=1)
    # F.binary_cross_entropy_with_logits(scores, ones) == mean(softplus(-scores))
    loss = jnp.mean(jax.nn.softplus(-scores))
    return loss

if __name__ == "__main__":
    import jax
    _d = setup_inputs()
    print(jax.jit(kernel)(*tuple(_d.values())))

</pallas_src>

<mosaic_0001>
#map = affine_map<(d0, d1) -> (0, 0)>
#map1 = affine_map<(d0, d1) -> (0)>
module attributes {stable_mosaic.version = 14 : i64} {
  func.func @_sc_scores_body(%arg0: i32, %arg1: i32, %arg2: memref<4096x128xf32, #tpu.memory_space<hbm>>, %arg3: memref<8192x100xi32, #tpu.memory_space<hbm>>, %arg4: memref<1015808x32xf32, #tpu.memory_space<hbm>>, %arg5: memref<819200xf32, #tpu.memory_space<hbm>>, %arg6: memref<128x128xf32, #tpu.memory_space<vmem>>, %arg7: memref<256x100xi32, #tpu.memory_space<vmem>>, %arg8: memref<400x32xf32, #tpu.memory_space<vmem>>, %arg9: memref<400x32xf32, #tpu.memory_space<vmem>>, %arg10: memref<25600xf32, #tpu.memory_space<vmem>>, %arg11: memref<!tpu.dma_semaphore, #tpu.memory_space<semaphore_mem>>, %arg12: memref<!tpu.dma_semaphore, #tpu.memory_space<semaphore_mem>>) attributes {dimension_semantics = [#tpu.dimension_semantics<core_parallel>, #tpu.dimension_semantics<subcore_parallel>], iteration_bounds = array<i64: 2, 16>, scalar_prefetch = 0 : i64, scratch_operands = 7 : i64, tpu.core_type = #tpu.core_type<sc_vector_subcore>, window_params = [{transform_indices = #map}, {transform_indices = #map}, {transform_indices = #map}, {transform_indices = #map1}]} {
    %mul3A = arith.constant 2 : i32
    %mul3A_0 = arith.muli %arg1, %mul3A : i32
    %add3A = arith.addi %mul3A_0, %arg0 : i32
    %iota3A = tpu.iota {dimensions = array<i32: 0>} : vector<16xi32>
    %mul3A_1 = arith.constant 128 : i32
    %mul3A_2 = arith.muli %add3A, %mul3A_1 : i32
    "tpu.region"() ({
      %run_scoped3A = tpu.sem_alloc : memref<!tpu.dma_semaphore, #tpu.memory_space<semaphore_mem>>
      %dma_start3A_68 = arith.constant 0 : i32
      %dma_start3A_69 = tpu.memref_slice %arg2[%mul3A_2, %dma_start3A_68] : memref<4096x128xf32, #tpu.memory_space<hbm>> -> memref<128x128xf32, #tpu.memory_space<hbm>>
      %dma_start3A_70 = arith.constant 0 : i32
      %dma_start3A_71 = tpu.memref_slice %arg2[%mul3A_2, %dma_start3A_70] : memref<4096x128xf32, #tpu.memory_space<hbm>> -> memref<128x128xf32, #tpu.memory_space<hbm>>
      tpu.enqueue_dma source(%dma_start3A_71 : memref<128x128xf32, #tpu.memory_space<hbm>>) target(%arg6 : memref<128x128xf32, #tpu.memory_space<vmem>>) target_semaphore(%run_scoped3A : memref<!tpu.dma_semaphore, #tpu.memory_space<semaphore_mem>>)
      %dma_wait3A = arith.constant 0 : i32
      %dma_wait3A_72 = tpu.memref_slice %arg2[%mul3A_2, %dma_wait3A] : memref<4096x128xf32, #tpu.memory_space<hbm>> -> memref<128x128xf32, #tpu.memory_space<hbm>>
      %dma_wait3A_73 = arith.constant 0 : i32
      %dma_wait3A_74 = tpu.memref_slice %arg2[%mul3A_2, %dma_wait3A_73] : memref<4096x128xf32, #tpu.memory_space<hbm>> -> memref<128x128xf32, #tpu.memory_space<hbm>>
      tpu.wait_dma2 semaphore(%run_scoped3A : memref<!tpu.dma_semaphore, #tpu.memory_space<semaphore_mem>>) src(%dma_wait3A_74 : memref<128x128xf32, #tpu.memory_space<hbm>>) dst(%arg6 : memref<128x128xf32, #tpu.memory_space<vmem>>)
      tpu.yield
    }) : () -> ()
    %mul3A_3 = arith.constant 256 : i32
    %mul3A_4 = arith.muli %add3A, %mul3A_3 : i32
    "tpu.region"() ({
      %run_scoped3A = tpu.sem_alloc : memref<!tpu.dma_semaphore, #tpu.memory_space<semaphore_mem>>
      %dma_start3A_68 = arith.constant 0 : i32
      %dma_start3A_69 = tpu.memref_slice %arg3[%mul3A_4, %dma_start3A_68] : memref<8192x100xi32, #tpu.memory_space<hbm>> -> memref<256x100xi32, #tpu.memory_space<hbm>>
      %dma_start3A_70 = arith.constant 0 : i32
      %dma_start3A_71 = tpu.memref_slice %arg3[%mul3A_4, %dma_start3A_70] : memref<8192x100xi32, #tpu.memory_space<hbm>> -> memref<256x100xi32, #tpu.memory_space<hbm>>
      tpu.enqueue_dma source(%dma_start3A_71 : memref<256x100xi32, #tpu.memory_space<hbm>>) target(%arg7 : memref<256x100xi32, #tpu.memory_space<vmem>>) target_semaphore(%run_scoped3A : memref<!tpu.dma_semaphore, #tpu.memory_space<semaphore_mem>>)
      %dma_wait3A = arith.constant 0 : i32
      %dma_wait3A_72 = tpu.memref_slice %arg3[%mul3A_4, %dma_wait3A] : memref<8192x100xi32, #tpu.memory_space<hbm>> -> memref<256x100xi32, #tpu.memory_space<hbm>>
      %dma_wait3A_73 = arith.constant 0 : i32
      %dma_wait3A_74 = tpu.memref_slice %arg3[%mul3A_4, %dma_wait3A_73] : memref<8192x100xi32, #tpu.memory_space<hbm>> -> memref<256x100xi32, #tpu.memory_space<hbm>>
      tpu.wait_dma2 semaphore(%run_scoped3A : memref<!tpu.dma_semaphore, #tpu.memory_space<semaphore_mem>>) src(%dma_wait3A_74 : memref<256x100xi32, #tpu.memory_space<hbm>>) dst(%arg7 : memref<256x100xi32, #tpu.memory_space<vmem>>)
      tpu.yield
    }) : () -> ()
    %shift_right_logical3A = arith.constant 1 : i32
    %shift_right_logical3A_5 = vector.broadcast %shift_right_logical3A : i32 to vector<16xi32>
    %shift_right_logical3A_6 = arith.shrui %iota3A, %shift_right_logical3A_5 : vector<16xi32>
    %rem3A = arith.constant 2 : i32
    %rem3A_7 = vector.broadcast %rem3A : i32 to vector<16xi32>
    %rem3A_8 = arith.remsi %iota3A, %rem3A_7 : vector<16xi32>
    %shift_right_logical3A_9 = arith.constant 3 : i32
    %shift_right_logical3A_10 = vector.broadcast %shift_right_logical3A_9 : i32 to vector<16xi32>
    %shift_right_logical3A_11 = arith.shrui %iota3A, %shift_right_logical3A_10 : vector<16xi32>
    %rem3A_12 = arith.constant 4 : i32
    %rem3A_13 = vector.broadcast %rem3A_12 : i32 to vector<16xi32>
    %rem3A_14 = arith.remsi %shift_right_logical3A_6, %rem3A_13 : vector<16xi32>
    %mul3A_15 = arith.constant 32 : i32
    %mul3A_16 = vector.broadcast %mul3A_15 : i32 to vector<16xi32>
    %mul3A_17 = arith.muli %rem3A_14, %mul3A_16 : vector<16xi32>
    %mul3A_18 = arith.constant 50 : i32
    %mul3A_19 = vector.broadcast %mul3A_18 : i32 to vector<16xi32>
    %mul3A_20 = arith.muli %shift_right_logical3A_6, %mul3A_19 : vector<16xi32>
    %add3A_21 = arith.addi %mul3A_20, %rem3A_8 : vector<16xi32>
    %dma_start3A = arith.constant 0 : i32
    %dma_start3A_22 = arith.constant 0 : i32
    %dma_start3A_23 = arith.constant 0 : i32
    %dma_start3A_24 = tpu.memref_slice %arg8[%dma_start3A_22, %dma_start3A_23] : memref<400x32xf32, #tpu.memory_space<vmem>> -> memref<100x32xf32, #tpu.memory_space<vmem>>
    %dma_start3A_25 = arith.constant 0 : i32
    %dma_start3A_26 = tpu.memref_slice %arg7[%dma_start3A, %dma_start3A_25] : memref<256x100xi32, #tpu.memory_space<vmem>> -> memref<1x100xi32, #tpu.memory_space<vmem>>
    %dma_start3A_27 = tpu.memref_squeeze %dma_start3A_26 : memref<1x100xi32, #tpu.memory_space<vmem>> -> memref<100xi32, #tpu.memory_space<vmem>>
    %dma_start3A_28 = arith.constant 0 : i32
    %dma_start3A_29 = arith.constant 0 : i32
    %dma_start3A_30 = tpu.memref_slice %arg4[%dma_start3A_28, %dma_start3A_29] : memref<1015808x32xf32, #tpu.memory_space<hbm>> -> memref<1015808x32xf32, #tpu.memory_space<hbm>>
    tpu.enqueue_indirect_dma source(%dma_start3A_30 : memref<1015808x32xf32, #tpu.memory_space<hbm>>) target(%dma_start3A_24 : memref<100x32xf32, #tpu.memory_space<vmem>>) offsets(%dma_start3A_27 : memref<100xi32, #tpu.memory_space<vmem>>) semaphore(%arg11 : memref<!tpu.dma_semaphore, #tpu.memory_space<semaphore_mem>>)
    %dma_start3A_31 = arith.constant 1 : i32
    %dma_start3A_32 = arith.constant 100 : i32
    %dma_start3A_33 = arith.constant 0 : i32
    %dma_start3A_34 = tpu.memref_slice %arg8[%dma_start3A_32, %dma_start3A_33] : memref<400x32xf32, #tpu.memory_space<vmem>> -> memref<100x32xf32, #tpu.memory_space<vmem>>
    %dma_start3A_35 = arith.constant 0 : i32
    %dma_start3A_36 = tpu.memref_slice %arg7[%dma_start3A_31, %dma_start3A_35] : memref<256x100xi32, #tpu.memory_space<vmem>> -> memref<1x100xi32, #tpu.memory_space<vmem>>
    %dma_start3A_37 = tpu.memref_squeeze %dma_start3A_36 : memref<1x100xi32, #tpu.memory_space<vmem>> -> memref<100xi32, #tpu.memory_space<vmem>>
    %dma_start3A_38 = arith.constant 0 : i32
    %dma_start3A_39 = arith.constant 0 : i32
    %dma_start3A_40 = tpu.memref_slice %arg4[%dma_start3A_38, %dma_start3A_39] : memref<1015808x32xf32, #tpu.memory_space<hbm>> -> memref<1015808x32xf32, #tpu.memory_space<hbm>>
    tpu.enqueue_indirect_dma source(%dma_start3A_40 : memref<1015808x32xf32, #tpu.memory_space<hbm>>) target(%dma_start3A_34 : memref<100x32xf32, #tpu.memory_space<vmem>>) offsets(%dma_start3A_37 : memref<100xi32, #tpu.memory_space<vmem>>) semaphore(%arg11 : memref<!tpu.dma_semaphore, #tpu.memory_space<semaphore_mem>>)
    %dma_start3A_41 = arith.constant 2 : i32
    %dma_start3A_42 = arith.constant 200 : i32
    %dma_start3A_43 = arith.constant 0 : i32
    %dma_start3A_44 = tpu.memref_slice %arg8[%dma_start3A_42, %dma_start3A_43] : memref<400x32xf32, #tpu.memory_space<vmem>> -> memref<100x32xf32, #tpu.memory_space<vmem>>
    %dma_start3A_45 = arith.constant 0 : i32
    %dma_start3A_46 = tpu.memref_slice %arg7[%dma_start3A_41, %dma_start3A_45] : memref<256x100xi32, #tpu.memory_space<vmem>> -> memref<1x100xi32, #tpu.memory_space<vmem>>
    %dma_start3A_47 = tpu.memref_squeeze %dma_start3A_46 : memref<1x100xi32, #tpu.memory_space<vmem>> -> memref<100xi32, #tpu.memory_space<vmem>>
    %dma_start3A_48 = arith.constant 0 : i32
    %dma_start3A_49 = arith.constant 0 : i32
    %dma_start3A_50 = tpu.memref_slice %arg4[%dma_start3A_48, %dma_start3A_49] : memref<1015808x32xf32, #tpu.memory_space<hbm>> -> memref<1015808x32xf32, #tpu.memory_space<hbm>>
    tpu.enqueue_indirect_dma source(%dma_start3A_50 : memref<1015808x32xf32, #tpu.memory_space<hbm>>) target(%dma_start3A_44 : memref<100x32xf32, #tpu.memory_space<vmem>>) offsets(%dma_start3A_47 : memref<100xi32, #tpu.memory_space<vmem>>) semaphore(%arg11 : memref<!tpu.dma_semaphore, #tpu.memory_space<semaphore_mem>>)
    %dma_start3A_51 = arith.constant 3 : i32
    %dma_start3A_52 = arith.constant 300 : i32
    %dma_start3A_53 = arith.constant 0 : i32
    %dma_start3A_54 = tpu.memref_slice %arg8[%dma_start3A_52, %dma_start3A_53] : memref<400x32xf32, #tpu.memory_space<vmem>> -> memref<100x32xf32, #tpu.memory_space<vmem>>
    %dma_start3A_55 = arith.constant 0 : i32
    %dma_start3A_56 = tpu.memref_slice %arg7[%dma_start3A_51, %dma_start3A_55] : memref<256x100xi32, #tpu.memory_space<vmem>> -> memref<1x100xi32, #tpu.memory_space<vmem>>
    %dma_start3A_57 = tpu.memref_squeeze %dma_start3A_56 : memref<1x100xi32, #tpu.memory_space<vmem>> -> memref<100xi32, #tpu.memory_space<vmem>>
    %dma_start3A_58 = arith.constant 0 : i32
    %dma_start3A_59 = arith.constant 0 : i32
    %dma_start3A_60 = tpu.memref_slice %arg4[%dma_start3A_58, %dma_start3A_59] : memref<1015808x32xf32, #tpu.memory_space<hbm>> -> memref<1015808x32xf32, #tpu.memory_space<hbm>>
    tpu.enqueue_indirect_dma source(%dma_start3A_60 : memref<1015808x32xf32, #tpu.memory_space<hbm>>) target(%dma_start3A_54 : memref<100x32xf32, #tpu.memory_space<vmem>>) offsets(%dma_start3A_57 : memref<100xi32, #tpu.memory_space<vmem>>) semaphore(%arg11 : memref<!tpu.dma_semaphore, #tpu.memory_space<semaphore_mem>>)
    %scan3A = arith.constant 0 : i32
    %scan3A_61 = arith.constant 0 : i32
    %scan3A_62 = arith.constant 32 : i32
    %scan3A_63 = arith.addi %scan3A_61, %scan3A_62 : i32
    %scan3A_64 = arith.constant 1 : i32
    scf.for %scan3A_68 = %scan3A_61 to %scan3A_63 step %scan3A_64  : i32 {
      %mul3A_69 = arith.constant 2 : i32
      %mul3A_70 = arith.muli %mul3A_69, %scan3A_68 : i32
      %add3A_71 = arith.constant 1 : i32
      %add3A_72 = arith.addi %mul3A_70, %add3A_71 : i32
      %mul3A_73 = arith.constant 4 : i32
      %mul3A_74 = arith.muli %add3A_72, %mul3A_73 : i32
      %add3A_75 = arith.constant 0 : i32
      %add3A_76 = arith.addi %mul3A_74, %add3A_75 : i32
      %dma_start3A_77 = arith.constant 0 : i32
      %dma_start3A_78 = arith.constant 0 : i32
      %dma_start3A_79 = tpu.memref_slice %arg9[%dma_start3A_77, %dma_start3A_78] : memref<400x32xf32, #tpu.memory_space<vmem>> -> memref<100x32xf32, #tpu.memory_space<vmem>>
      %dma_start3A_80 = arith.constant 0 : i32
      %dma_start3A_81 = tpu.memref_slice %arg7[%add3A_76, %dma_start3A_80] : memref<256x100xi32, #tpu.memory_space<vmem>> -> memref<1x100xi32, #tpu.memory_space<vmem>>
      %dma_start3A_82 = tpu.memref_squeeze %dma_start3A_81 : memref<1x100xi32, #tpu.memory_space<vmem>> -> memref<100xi32, #tpu.memory_space<vmem>>
      %dma_start3A_83 = arith.constant 0 : i32
      %dma_start3A_84 = arith.constant 0 : i32
      %dma_start3A_85 = tpu.memref_slice %arg4[%dma_start3A_83, %dma_start3A_84] : memref<1015808x32xf32, #tpu.memory_space<hbm>> -> memref<1015808x32xf32, #tpu.memory_space<hbm>>
      tpu.enqueue_indirect_dma source(%dma_start3A_85 : memref<1015808x32xf32, #tpu.memory_space<hbm>>) target(%dma_start3A_79 : memref<100x32xf32, #tpu.memory_space<vmem>>) offsets(%dma_start3A_82 : memref<100xi32, #tpu.memory_space<vmem>>) semaphore(%arg12 : memref<!tpu.dma_semaphore, #tpu.memory_space<semaphore_mem>>)
      %mul3A_86 = arith.constant 4 : i32
      %mul3A_87 = arith.muli %add3A_72, %mul3A_86 : i32
      %add3A_88 = arith.constant 1 : i32
      %add3A_89 = arith.addi %mul3A_87, %add3A_88 : i32
      %dma_start3A_90 = arith.constant 100 : i32
      %dma_start3A_91 = arith.constant 0 : i32
      %dma_start3A_92 = tpu.memref_slice %arg9[%dma_start3A_90, %dma_start3A_91] : memref<400x32xf32, #tpu.memory_space<vmem>> -> memref<100x32xf32, #tpu.memory_space<vmem>>
      %dma_start3A_93 = arith.constant 0 : i32
      %dma_start3A_94 = tpu.memref_slice %arg7[%add3A_89, %dma_start3A_93] : memref<256x100xi32, #tpu.memory_space<vmem>> -> memref<1x100xi32, #tpu.memory_space<vmem>>
      %dma_start3A_95 = tpu.memref_squeeze %dma_start3A_94 : memref<1x100xi32, #tpu.memory_space<vmem>> -> memref<100xi32, #tpu.memory_space<vmem>>
      %dma_start3A_96 = arith.constant 0 : i32
      %dma_start3A_97 = arith.constant 0 : i32
      %dma_start3A_98 = tpu.memref_slice %arg4[%dma_start3A_96, %dma_start3A_97] : memref<1015808x32xf32, #tpu.memory_space<hbm>> -> memref<1015808x32xf32, #tpu.memory_space<hbm>>
      tpu.enqueue_indirect_dma source(%dma_start3A_98 : memref<1015808x32xf32, #tpu.memory_space<hbm>>) target(%dma_start3A_92 : memref<100x32xf32, #tpu.memory_space<vmem>>) offsets(%dma_start3A_95 : memref<100xi32, #tpu.memory_space<vmem>>) semaphore(%arg12 : memref<!tpu.dma_semaphore, #tpu.memory_space<semaphore_mem>>)
      %mul3A_99 = arith.constant 4 : i32
      %mul3A_100 = arith.muli %add3A_72, %mul3A_99 : i32
      %add3A_101 = arith.constant 2 : i32
      %add3A_102 = arith.addi %mul3A_100, %add3A_101 : i32
      %dma_start3A_103 = arith.constant 200 : i32
      %dma_start3A_104 = arith.constant 0 : i32
      %dma_start3A_105 = tpu.memref_slice %arg9[%dma_start3A_103, %dma_start3A_104] : memref<400x32xf32, #tpu.memory_space<vmem>> -> memref<100x32xf32, #tpu.memory_space<vmem>>
      %dma_start3A_106 = arith.constant 0 : i32
      %dma_start3A_107 = tpu.memref_slice %arg7[%add3A_102, %dma_start3A_106] : memref<256x100xi32, #tpu.memory_space<vmem>> -> memref<1x100xi32, #tpu.memory_space<vmem>>
      %dma_start3A_108 = tpu.memref_squeeze %dma_start3A_107 : memref<1x100xi32, #tpu.memory_space<vmem>> -> memref<100xi32, #tpu.memory_space<vmem>>
      %dma_start3A_109 = arith.constant 0 : i32
      %dma_start3A_110 = arith.constant 0 : i32
      %dma_start3A_111 = tpu.memref_slice %arg4[%dma_start3A_109, %dma_start3A_110] : memref<1015808x32xf32, #tpu.memory_space<hbm>> -> memref<1015808x32xf32, #tpu.memory_space<hbm>>
      tpu.enqueue_indirect_dma source(%dma_start3A_111 : memref<1015808x32xf32, #tpu.memory_space<hbm>>) target(%dma_start3A_105 : memref<100x32xf32, #tpu.memory_space<vmem>>) offsets(%dma_start3A_108 : memref<100xi32, #tpu.memory_space<vmem>>) semaphore(%arg12 : memref<!tpu.dma_semaphore, #tpu.memory_space<semaphore_mem>>)
      %mul3A_112 = arith.constant 4 : i32
      %mul3A_113 = arith.muli %add3A_72, %mul3A_112 : i32
      %add3A_114 = arith.constant 3 : i32
      %add3A_115 = arith.addi %mul3A_113, %add3A_114 : i32
      %dma_start3A_116 = arith.constant 300 : i32
      %dma_start3A_117 = arith.constant 0 : i32
      %dma_start3A_118 = tpu.memref_slice %arg9[%dma_start3A_116, %dma_start3A_117] : memref<400x32xf32, #tpu.memory_space<vmem>> -> memref<100x32xf32, #tpu.memory_space<vmem>>
      %dma_start3A_119 = arith.constant 0 : i32
      %dma_start3A_120 = tpu.memref_slice %arg7[%add3A_115, %dma_start3A_119] : memref<256x100xi32, #tpu.memory_space<vmem>> -> memref<1x100xi32, #tpu.memory_space<vmem>>
      %dma_start3A_121 = tpu.memref_squeeze %dma_start3A_120 : memref<1x100xi32, #tpu.memory_space<vmem>> -> memref<100xi32, #tpu.memory_space<vmem>>
      %dma_start3A_122 = arith.constant 0 : i32
      %dma_start3A_123 = arith.constant 0 : i32
      %dma_start3A_124 = tpu.memref_slice %arg4[%dma_start3A_122, %dma_start3A_123] : memref<1015808x32xf32, #tpu.memory_space<hbm>> -> memref<1015808x32xf32, #tpu.memory_space<hbm>>
      tpu.enqueue_indirect_dma source(%dma_start3A_124 : memref<1015808x32xf32, #tpu.memory_space<hbm>>) target(%dma_start3A_118 : memref<100x32xf32, #tpu.memory_space<vmem>>) offsets(%dma_start3A_121 : memref<100xi32, #tpu.memory_space<vmem>>) semaphore(%arg12 : memref<!tpu.dma_semaphore, #tpu.memory_space<semaphore_mem>>)
      %mul3A_125 = arith.constant 4 : i32
      %mul3A_126 = arith.muli %mul3A_70, %mul3A_125 : i32
      %add3A_127 = arith.constant 0 : i32
      %add3A_128 = arith.addi %mul3A_126, %add3A_127 : i32
      %dma_wait3A = arith.constant 0 : i32
      %dma_wait3A_129 = arith.constant 0 : i32
      %dma_wait3A_130 = tpu.memref_slice %arg8[%dma_wait3A, %dma_wait3A_129] : memref<400x32xf32, #tpu.memory_space<vmem>> -> memref<100x32xf32, #tpu.memory_space<vmem>>
      %dma_wait3A_131 = arith.constant 0 : i32
      %dma_wait3A_132 = tpu.memref_slice %arg7[%add3A_128, %dma_wait3A_131] : memref<256x100xi32, #tpu.memory_space<vmem>> -> memref<1x100xi32, #tpu.memory_space<vmem>>
      %dma_wait3A_133 = tpu.memref_squeeze %dma_wait3A_132 : memref<1x100xi32, #tpu.memory_space<vmem>> -> memref<100xi32, #tpu.memory_space<vmem>>
      %dma_wait3A_134 = arith.constant 0 : i32
      %dma_wait3A_135 = arith.constant 0 : i32
      %dma_wait3A_136 = tpu.memref_slice %arg4[%dma_wait3A_134, %dma_wait3A_135] : memref<1015808x32xf32, #tpu.memory_space<hbm>> -> memref<1015808x32xf32, #tpu.memory_space<hbm>>
      tpu.wait_indirect_dma semaphore(%arg11 : memref<!tpu.dma_semaphore, #tpu.memory_space<semaphore_mem>>) src(%dma_wait3A_136 : memref<1015808x32xf32, #tpu.memory_space<hbm>>) dst(%dma_wait3A_130 : memref<100x32xf32, #tpu.memory_space<vmem>>)
      %mul3A_137 = arith.constant 4 : i32
      %mul3A_138 = arith.muli %mul3A_70, %mul3A_137 : i32
      %add3A_139 = arith.constant 1 : i32
      %add3A_140 = arith.addi %mul3A_138, %add3A_139 : i32
      %dma_wait3A_141 = arith.constant 100 : i32
      %dma_wait3A_142 = arith.constant 0 : i32
      %dma_wait3A_143 = tpu.memref_slice %arg8[%dma_wait3A_141, %dma_wait3A_142] : memref<400x32xf32, #tpu.memory_space<vmem>> -> memref<100x32xf32, #tpu.memory_space<vmem>>
      %dma_wait3A_144 = arith.constant 0 : i32
      %dma_wait3A_145 = tpu.memref_slice %arg7[%add3A_140, %dma_wait3A_144] : memref<256x100xi32, #tpu.memory_space<vmem>> -> memref<1x100xi32, #tpu.memory_space<vmem>>
      %dma_wait3A_146 = tpu.memref_squeeze %dma_wait3A_145 : memref<1x100xi32, #tpu.memory_space<vmem>> -> memref<100xi32, #tpu.memory_space<vmem>>
      %dma_wait3A_147 = arith.constant 0 : i32
      %dma_wait3A_148 = arith.constant 0 : i32
      %dma_wait3A_149 = tpu.memref_slice %arg4[%dma_wait3A_147, %dma_wait3A_148] : memref<1015808x32xf32, #tpu.memory_space<hbm>> -> memref<1015808x32xf32, #tpu.memory_space<hbm>>
      tpu.wait_indirect_dma semaphore(%arg11 : memref<!tpu.dma_semaphore, #tpu.memory_space<semaphore_mem>>) src(%dma_wait3A_149 : memref<1015808x32xf32, #tpu.memory_space<hbm>>) dst(%dma_wait3A_143 : memref<100x32xf32, #tpu.memory_space<vmem>>)
      %mul3A_150 = arith.constant 4 : i32
      %mul3A_151 = arith.muli %mul3A_70, %mul3A_150 : i32
      %add3A_152 = arith.constant 2 : i32
      %add3A_153 = arith.addi %mul3A_151, %add3A_152 : i32
      %dma_wait3A_154 = arith.constant 200 : i32
      %dma_wait3A_155 = arith.constant 0 : i32
      %dma_wait3A_156 = tpu.memref_slice %arg8[%dma_wait3A_154, %dma_wait3A_155] : memref<400x32xf32, #tpu.memory_space<vmem>> -> memref<100x32xf32, #tpu.memory_space<vmem>>
      %dma_wait3A_157 = arith.constant 0 : i32
      %dma_wait3A_158 = tpu.memref_slice %arg7[%add3A_153, %dma_wait3A_157] : memref<256x100xi32, #tpu.memory_space<vmem>> -> memref<1x100xi32, #tpu.memory_space<vmem>>
      %dma_wait3A_159 = tpu.memref_squeeze %dma_wait3A_158 : memref<1x100xi32, #tpu.memory_space<vmem>> -> memref<100xi32, #tpu.memory_space<vmem>>
      %dma_wait3A_160 = arith.constant 0 : i32
      %dma_wait3A_161 = arith.constant 0 : i32
      %dma_wait3A_162 = tpu.memref_slice %arg4[%dma_wait3A_160, %dma_wait3A_161] : memref<1015808x32xf32, #tpu.memory_space<hbm>> -> memref<1015808x32xf32, #tpu.memory_space<hbm>>
      tpu.wait_indirect_dma semaphore(%arg11 : memref<!tpu.dma_semaphore, #tpu.memory_space<semaphore_mem>>) src(%dma_wait3A_162 : memref<1015808x32xf32, #tpu.memory_space<hbm>>) dst(%dma_wait3A_156 : memref<100x32xf32, #tpu.memory_space<vmem>>)
      %mul3A_163 = arith.constant 4 : i32
      %mul3A_164 = arith.muli %mul3A_70, %mul3A_163 : i32
      %add3A_165 = arith.constant 3 : i32
      %add3A_166 = arith.addi %mul3A_164, %add3A_165 : i32
      %dma_wait3A_167 = arith.constant 300 : i32
      %dma_wait3A_168 = arith.constant 0 : i32
      %dma_wait3A_169 = tpu.memref_slice %arg8[%dma_wait3A_167, %dma_wait3A_168] : memref<400x32xf32, #tpu.memory_space<vmem>> -> memref<100x32xf32, #tpu.memory_space<vmem>>
      %dma_wait3A_170 = arith.constant 0 : i32
      %dma_wait3A_171 = tpu.memref_slice %arg7[%add3A_166, %dma_wait3A_170] : memref<256x100xi32, #tpu.memory_space<vmem>> -> memref<1x100xi32, #tpu.memory_space<vmem>>
      %dma_wait3A_172 = tpu.memref_squeeze %dma_wait3A_171 : memref<1x100xi32, #tpu.memory_space<vmem>> -> memref<100xi32, #tpu.memory_space<vmem>>
      %dma_wait3A_173 = arith.constant 0 : i32
      %dma_wait3A_174 = arith.constant 0 : i32
      %dma_wait3A_175 = tpu.memref_slice %arg4[%dma_wait3A_173, %dma_wait3A_174] : memref<1015808x32xf32, #tpu.memory_space<hbm>> -> memref<1015808x32xf32, #tpu.memory_space<hbm>>
      tpu.wait_indirect_dma semaphore(%arg11 : memref<!tpu.dma_semaphore, #tpu.memory_space<semaphore_mem>>) src(%dma_wait3A_175 : memref<1015808x32xf32, #tpu.memory_space<hbm>>) dst(%dma_wait3A_169 : memref<100x32xf32, #tpu.memory_space<vmem>>)
      %mul3A_176 = arith.constant 8 : i32
      %mul3A_177 = arith.muli %mul3A_70, %mul3A_176 : i32
      %jit3A = arith.constant 4 : i32
      %div3A = arith.divsi %mul3A_177, %jit3A : i32
      %sign3A = arith.constant 0 : i32
      %sign3A_178 = arith.cmpi sgt, %mul3A_177, %sign3A : i32
      %sign3A_179 = arith.extui %sign3A_178 : i1 to i32
      %sign3A_180 = arith.constant 0 : i32
      %sign3A_181 = arith.cmpi slt, %mul3A_177, %sign3A_180 : i32
      %sign3A_182 = arith.extui %sign3A_181 : i1 to i32
      %sign3A_183 = arith.subi %sign3A_179, %sign3A_182 : i32
      %sign3A_184 = arith.constant 0 : i32
      %sign3A_185 = arith.cmpi sgt, %jit3A, %sign3A_184 : i32
      %sign3A_186 = arith.extui %sign3A_185 : i1 to i32
      %sign3A_187 = arith.constant 0 : i32
      %sign3A_188 = arith.cmpi slt, %jit3A, %sign3A_187 : i32
      %sign3A_189 = arith.extui %sign3A_188 : i1 to i32
      %sign3A_190 = arith.subi %sign3A_186, %sign3A_189 : i32
      %ne3A = arith.cmpi ne, %sign3A_183, %sign3A_190 : i32
      %rem3A_191 = arith.remsi %mul3A_177, %jit3A : i32
      %ne3A_192 = arith.constant 0 : i32
      %ne3A_193 = arith.cmpi ne, %rem3A_191, %ne3A_192 : i32
      %and3A = arith.andi %ne3A, %ne3A_193 : i1
      %sub3A = arith.constant 1 : i32
      %sub3A_194 = arith.subi %div3A, %sub3A : i32
      %select_n3A = arith.select %and3A, %sub3A_194, %div3A : i32
      %add3A_195 = vector.broadcast %select_n3A : i32 to vector<16xi32>
      %add3A_196 = arith.addi %add3A_195, %shift_right_logical3A_11 : vector<16xi32>
      %add3A_197 = arith.constant 0 : i32
      %add3A_198 = vector.broadcast %add3A_197 : i32 to vector<16xi32>
      %add3A_199 = arith.addi %mul3A_17, %add3A_198 : vector<16xi32>
      %gather3A = tpu.vector_load_idx %arg6[%add3A_196, %add3A_199] : memref<128x128xf32, #tpu.memory_space<vmem>>[vector<16xi32>, vector<16xi32>], vector<16xf32>,
      %jit3A_200 = arith.constant 4 : i32
      %div3A_201 = arith.divsi %mul3A_177, %jit3A_200 : i32
      %sign3A_202 = arith.constant 0 : i32
      %sign3A_203 = arith.cmpi sgt, %mul3A_177, %sign3A_202 : i32
      %sign3A_204 = arith.extui %sign3A_203 : i1 to i32
      %sign3A_205 = arith.constant 0 : i32
      %sign3A_206 = arith.cmpi slt, %mul3A_177, %sign3A_205 : i32
      %sign3A_207 = arith.extui %sign3A_206 : i1 to i32
      %sign3A_208 = arith.subi %sign3A_204, %sign3A_207 : i32
      %sign3A_209 = arith.constant 0 : i32
      %sign3A_210 = arith.cmpi sgt, %jit3A_200, %sign3A_209 : i32
      %sign3A_211 = arith.extui %sign3A_210 : i1 to i32
      %sign3A_212 = arith.constant 0 : i32
      %sign3A_213 = arith.cmpi slt, %jit3A_200, %sign3A_212 : i32
      %sign3A_214 = arith.extui %sign3A_213 : i1 to i32
      %sign3A_215 = arith.subi %sign3A_211, %sign3A_214 : i32
      %ne3A_216 = arith.cmpi ne, %sign3A_208, %sign3A_215 : i32
      %rem3A_217 = arith.remsi %mul3A_177, %jit3A_200 : i32
      %ne3A_218 = arith.constant 0 : i32
      %ne3A_219 = arith.cmpi ne, %rem3A_217, %ne3A_218 : i32
      %and3A_220 = arith.andi %ne3A_216, %ne3A_219 : i1
      %sub3A_221 = arith.constant 1 : i32
      %sub3A_222 = arith.subi %div3A_201, %sub3A_221 : i32
      %select_n3A_223 = arith.select %and3A_220, %sub3A_222, %div3A_201 : i32
      %add3A_224 = vector.broadcast %select_n3A_223 : i32 to vector<16xi32>
      %add3A_225 = arith.addi %add3A_224, %shift_right_logical3A_11 : vector<16xi32>
      %add3A_226 = arith.constant 1 : i32
      %add3A_227 = vector.broadcast %add3A_226 : i32 to vector<16xi32>
      %add3A_228 = arith.addi %mul3A_17, %add3A_227 : vector<16xi32>
      %gather3A_229 = tpu.vector_load_idx %arg6[%add3A_225, %add3A_228] : memref<128x128xf32, #tpu.memory_space<vmem>>[vector<16xi32>, vector<16xi32>], vector<16xf32>,
      %jit3A_230 = arith.constant 4 : i32
      %div3A_231 = arith.divsi %mul3A_177, %jit3A_230 : i32
      %sign3A_232 = arith.constant 0 : i32
      %sign3A_233 = arith.cmpi sgt, %mul3A_177, %sign3A_232 : i32
      %sign3A_234 = arith.extui %sign3A_233 : i1 to i32
      %sign3A_235 = arith.constant 0 : i32
      %sign3A_236 = arith.cmpi slt, %mul3A_177, %sign3A_235 : i32
      %sign3A_237 = arith.extui %sign3A_236 : i1 to i32
      %sign3A_238 = arith.subi %sign3A_234, %sign3A_237 : i32
      %sign3A_239 = arith.constant 0 : i32
      %sign3A_240 = arith.cmpi sgt, %jit3A_230, %sign3A_239 : i32
      %sign3A_241 = arith.extui %sign3A_240 : i1 to i32
      %sign3A_242 = arith.constant 0 : i32
      %sign3A_243 = arith.cmpi slt, %jit3A_230, %sign3A_242 : i32
      %sign3A_244 = arith.extui %sign3A_243 : i1 to i32
      %sign3A_245 = arith.subi %sign3A_241, %sign3A_244 : i32
      %ne3A_246 = arith.cmpi ne, %sign3A_238, %sign3A_245 : i32
      %rem3A_247 = arith.remsi %mul3A_177, %jit3A_230 : i32
      %ne3A_248 = arith.constant 0 : i32
      %ne3A_249 = arith.cmpi ne, %rem3A_247, %ne3A_248 : i32
      %and3A_250 = arith.andi %ne3A_246, %ne3A_249 : i1
      %sub3A_251 = arith.constant 1 : i32
      %sub3A_252 = arith.subi %div3A_231, %sub3A_251 : i32
      %select_n3A_253 = arith.select %and3A_250, %sub3A_252, %div3A_231 : i32
      %add3A_254 = vector.broadcast %select_n3A_253 : i32 to vector<16xi32>
      %add3A_255 = arith.addi %add3A_254, %shift_right_logical3A_11 : vector<16xi32>
      %add3A_256 = arith.constant 2 : i32
      %add3A_257 = vector.broadcast %add3A_256 : i32 to vector<16xi32>
      %add3A_258 = arith.addi %mul3A_17, %add3A_257 : vector<16xi32>
      %gather3A_259 = tpu.vector_load_idx %arg6[%add3A_255, %add3A_258] : memref<128x128xf32, #tpu.memory_space<vmem>>[vector<16xi32>, vector<16xi32>], vector<16xf32>,
      %jit3A_260 = arith.constant 4 : i32
      %div3A_261 = arith.divsi %mul3A_177, %jit3A_260 : i32
      %sign3A_262 = arith.constant 0 : i32
      %sign3A_263 = arith.cmpi sgt, %mul3A_177, %sign3A_262 : i32
      %sign3A_264 = arith.extui %sign3A_263 : i1 to i32
      %sign3A_265 = arith.constant 0 : i32
      %sign3A_266 = arith.cmpi slt, %mul3A_177, %sign3A_265 : i32
      %sign3A_267 = arith.extui %sign3A_266 : i1 to i32
      %sign3A_268 = arith.subi %sign3A_264, %sign3A_267 : i32
      %sign3A_269 = arith.constant 0 : i32
      %sign3A_270 = arith.cmpi sgt, %jit3A_260, %sign3A_269 : i32
      %sign3A_271 = arith.extui %sign3A_270 : i1 to i32
      %sign3A_272 = arith.constant 0 : i32
      %sign3A_273 = arith.cmpi slt, %jit3A_260, %sign3A_272 : i32
      %sign3A_274 = arith.extui %sign3A_273 : i1 to i32
      %sign3A_275 = arith.subi %sign3A_271, %sign3A_274 : i32
      %ne3A_276 = arith.cmpi ne, %sign3A_268, %sign3A_275 : i32
      %rem3A_277 = arith.remsi %mul3A_177, %jit3A_260 : i32
      %ne3A_278 = arith.constant 0 : i32
      %ne3A_279 = arith.cmpi ne, %rem3A_277, %ne3A_278 : i32
      %and3A_280 = arith.andi %ne3A_276, %ne3A_279 : i1
      %sub3A_281 = arith.constant 1 : i32
      %sub3A_282 = arith.subi %div3A_261, %sub3A_281 : i32
      %select_n3A_283 = arith.select %and3A_280, %sub3A_282, %div3A_261 : i32
      %add3A_284 = vector.broadcast %select_n3A_283 : i32 to vector<16xi32>
      %add3A_285 = arith.addi %add3A_284, %shift_right_logical3A_11 : vector<16xi32>
      %add3A_286 = arith.constant 3 : i32
      %add3A_287 = vector.broadcast %add3A_286 : i32 to vector<16xi32>
      %add3A_288 = arith.addi %mul3A_17, %add3A_287 : vector<16xi32>
      %gather3A_289 = tpu.vector_load_idx %arg6[%add3A_285, %add3A_288] : memref<128x128xf32, #tpu.memory_space<vmem>>[vector<16xi32>, vector<16xi32>], vector<16xf32>,
      %jit3A_290 = arith.constant 4 : i32
      %div3A_291 = arith.divsi %mul3A_177, %jit3A_290 : i32
      %sign3A_292 = arith.constant 0 : i32
      %sign3A_293 = arith.cmpi sgt, %mul3A_177, %sign3A_292 : i32
      %sign3A_294 = arith.extui %sign3A_293 : i1 to i32
      %sign3A_295 = arith.constant 0 : i32
      %sign3A_296 = arith.cmpi slt, %mul3A_177, %sign3A_295 : i32
      %sign3A_297 = arith.extui %sign3A_296 : i1 to i32
      %sign3A_298 = arith.subi %sign3A_294, %sign3A_297 : i32
      %sign3A_299 = arith.constant 0 : i32
      %sign3A_300 = arith.cmpi sgt, %jit3A_290, %sign3A_299 : i32
      %sign3A_301 = arith.extui %sign3A_300 : i1 to i32
      %sign3A_302 = arith.constant 0 : i32
      %sign3A_303 = arith.cmpi slt, %jit3A_290, %sign3A_302 : i32
      %sign3A_304 = arith.extui %sign3A_303 : i1 to i32
      %sign3A_305 = arith.subi %sign3A_301, %sign3A_304 : i32
      %ne3A_306 = arith.cmpi ne, %sign3A_298, %sign3A_305 : i32
      %rem3A_307 = arith.remsi %mul3A_177, %jit3A_290 : i32
      %ne3A_308 = arith.constant 0 : i32
      %ne3A_309 = arith.cmpi ne, %rem3A_307, %ne3A_308 : i32
      %and3A_310 = arith.andi %ne3A_306, %ne3A_309 : i1
      %sub3A_311 = arith.constant 1 : i32
      %sub3A_312 = arith.subi %div3A_291, %sub3A_311 : i32
      %select_n3A_313 = arith.select %and3A_310, %sub3A_312, %div3A_291 : i32
      %add3A_314 = vector.broadcast %select_n3A_313 : i32 to vector<16xi32>
      %add3A_315 = arith.addi %add3A_314, %shift_right_logical3A_11 : vector<16xi32>
      %add3A_316 = arith.constant 4 : i32
      %add3A_317 = vector.broadcast %add3A_316 : i32 to vector<16xi32>
      %add3A_318 = arith.addi %mul3A_17, %add3A_317 : vector<16xi32>
      %gather3A_319 = tpu.vector_load_idx %arg6[%add3A_315, %add3A_318] : memref<128x128xf32, #tpu.memory_space<vmem>>[vector<16xi32>, vector<16xi32>], vector<16xf32>,
      %jit3A_320 = arith.constant 4 : i32
      %div3A_321 = arith.divsi %mul3A_177, %jit3A_320 : i32
      %sign3A_322 = arith.constant 0 : i32
      %sign3A_323 = arith.cmpi sgt, %mul3A_177, %sign3A_322 : i32
      %sign3A_324 = arith.extui %sign3A_323 : i1 to i32
      %sign3A_325 = arith.constant 0 : i32
      %sign3A_326 = arith.cmpi slt, %mul3A_177, %sign3A_325 : i32
      %sign3A_327 = arith.extui %sign3A_326 : i1 to i32
      %sign3A_328 = arith.subi %sign3A_324, %sign3A_327 : i32
      %sign3A_329 = arith.constant 0 : i32
      %sign3A_330 = arith.cmpi sgt, %jit3A_320, %sign3A_329 : i32
      %sign3A_331 = arith.extui %sign3A_330 : i1 to i32
      %sign3A_332 = arith.constant 0 : i32
      %sign3A_333 = arith.cmpi slt, %jit3A_320, %sign3A_332 : i32
      %sign3A_334 = arith.extui %sign3A_333 : i1 to i32
      %sign3A_335 = arith.subi %sign3A_331, %sign3A_334 : i32
      %ne3A_336 = arith.cmpi ne, %sign3A_328, %sign3A_335 : i32
      %rem3A_337 = arith.remsi %mul3A_177, %jit3A_320 : i32
      %ne3A_338 = arith.constant 0 : i32
      %ne3A_339 = arith.cmpi ne, %rem3A_337, %ne3A_338 : i32
      %and3A_340 = arith.andi %ne3A_336, %ne3A_339 : i1
      %sub3A_341 = arith.constant 1 : i32
      %sub3A_342 = arith.subi %div3A_321, %sub3A_341 : i32
      %select_n3A_343 = arith.select %and3A_340, %sub3A_342, %div3A_321 : i32
      %add3A_344 = vector.broadcast %select_n3A_343 : i32 to vector<16xi32>
      %add3A_345 = arith.addi %add3A_344, %shift_right_logical3A_11 : vector<16xi32>
      %add3A_346 = arith.constant 5 : i32
      %add3A_347 = vector.broadcast %add3A_346 : i32 to vector<16xi32>
      %add3A_348 = arith.addi %mul3A_17, %add3A_347 : vector<16xi32>
      %gather3A_349 = tpu.vector_load_idx %arg6[%add3A_345, %add3A_348] : memref<128x128xf32, #tpu.memory_space<vmem>>[vector<16xi32>, vector<16xi32>], vector<16xf32>,
      %jit3A_350 = arith.constant 4 : i32
      %div3A_351 = arith.divsi %mul3A_177, %jit3A_350 : i32
      %sign3A_352 = arith.constant 0 : i32
      %sign3A_353 = arith.cmpi sgt, %mul3A_177, %sign3A_352 : i32
      %sign3A_354 = arith.extui %sign3A_353 : i1 to i32
      %sign3A_355 = arith.constant 0 : i32
      %sign3A_356 = arith.cmpi slt, %mul3A_177, %sign3A_355 : i32
      %sign3A_357 = arith.extui %sign3A_356 : i1 to i32
      %sign3A_358 = arith.subi %sign3A_354, %sign3A_357 : i32
      %sign3A_359 = arith.constant 0 : i32
      %sign3A_360 = arith.cmpi sgt, %jit3A_350, %sign3A_359 : i32
      %sign3A_361 = arith.extui %sign3A_360 : i1 to i32
      %sign3A_362 = arith.constant 0 : i32
      %sign3A_363 = arith.cmpi slt, %jit3A_350, %sign3A_362 : i32
      %sign3A_364 = arith.extui %sign3A_363 : i1 to i32
      %sign3A_365 = arith.subi %sign3A_361, %sign3A_364 : i32
      %ne3A_366 = arith.cmpi ne, %sign3A_358, %sign3A_365 : i32
      %rem3A_367 = arith.remsi %mul3A_177, %jit3A_350 : i32
      %ne3A_368 = arith.constant 0 : i32
      %ne3A_369 = arith.cmpi ne, %rem3A_367, %ne3A_368 : i32
      %and3A_370 = arith.andi %ne3A_366, %ne3A_369 : i1
      %sub3A_371 = arith.constant 1 : i32
      %sub3A_372 = arith.subi %div3A_351, %sub3A_371 : i32
      %select_n3A_373 = arith.select %and3A_370, %sub3A_372, %div3A_351 : i32
      %add3A_374 = vector.broadcast %select_n3A_373 : i32 to vector<16xi32>
      %add3A_375 = arith.addi %add3A_374, %shift_right_logical3A_11 : vector<16xi32>
      %add3A_376 = arith.constant 6 : i32
      %add3A_377 = vector.broadcast %add3A_376 : i32 to vector<16xi32>
      %add3A_378 = arith.addi %mul3A_17, %add3A_377 : vector<16xi32>
      %gather3A_379 = tpu.vector_load_idx %arg6[%add3A_375, %add3A_378] : memref<128x128xf32, #tpu.memory_space<vmem>>[vector<16xi32>, vector<16xi32>], vector<16xf32>,
      %jit3A_380 = arith.constant 4 : i32
      %div3A_381 = arith.divsi %mul3A_177, %jit3A_380 : i32
      %sign3A_382 = arith.constant 0 : i32
      %sign3A_383 = arith.cmpi sgt, %mul3A_177, %sign3A_382 : i32
      %sign3A_384 = arith.extui %sign3A_383 : i1 to i32
      %sign3A_385 = arith.constant 0 : i32
      %sign3A_386 = arith.cmpi slt, %mul3A_177, %sign3A_385 : i32
      %sign3A_387 = arith.extui %sign3A_386 : i1 to i32
      %sign3A_388 = arith.subi %sign3A_384, %sign3A_387 : i32
      %sign3A_389 = arith.constant 0 : i32
      %sign3A_390 = arith.cmpi sgt, %jit3A_380, %sign3A_389 : i32
      %sign3A_391 = arith.extui %sign3A_390 : i1 to i32
      %sign3A_392 = arith.constant 0 : i32
      %sign3A_393 = arith.cmpi slt, %jit3A_380, %sign3A_392 : i32
      %sign3A_394 = arith.extui %sign3A_393 : i1 to i32
      %sign3A_395 = arith.subi %sign3A_391, %sign3A_394 : i32
      %ne3A_396 = arith.cmpi ne, %sign3A_388, %sign3A_395 : i32
      %rem3A_397 = arith.remsi %mul3A_177, %jit3A_380 : i32
      %ne3A_398 = arith.constant 0 : i32
      %ne3A_399 = arith.cmpi ne, %rem3A_397, %ne3A_398 : i32
      %and3A_400 = arith.andi %ne3A_396, %ne3A_399 : i1
      %sub3A_401 = arith.constant 1 : i32
      %sub3A_402 = arith.subi %div3A_381, %sub3A_401 : i32
      %select_n3A_403 = arith.select %and3A_400, %sub3A_402, %div3A_381 : i32
      %add3A_404 = vector.broadcast %select_n3A_403 : i32 to vector<16xi32>
      %add3A_405 = arith.addi %add3A_404, %shift_right_logical3A_11 : vector<16xi32>
      %add3A_406 = arith.constant 7 : i32
      %add3A_407 = vector.broadcast %add3A_406 : i32 to vector<16xi32>
      %add3A_408 = arith.addi %mul3A_17, %add3A_407 : vector<16xi32>
      %gather3A_409 = tpu.vector_load_idx %arg6[%add3A_405, %add3A_408] : memref<128x128xf32, #tpu.memory_space<vmem>>[vector<16xi32>, vector<16xi32>], vector<16xf32>,
      %jit3A_410 = arith.constant 4 : i32
      %div3A_411 = arith.divsi %mul3A_177, %jit3A_410 : i32
      %sign3A_412 = arith.constant 0 : i32
      %sign3A_413 = arith.cmpi sgt, %mul3A_177, %sign3A_412 : i32
      %sign3A_414 = arith.extui %sign3A_413 : i1 to i32
      %sign3A_415 = arith.constant 0 : i32
      %sign3A_416 = arith.cmpi slt, %mul3A_177, %sign3A_415 : i32
      %sign3A_417 = arith.extui %sign3A_416 : i1 to i32
      %sign3A_418 = arith.subi %sign3A_414, %sign3A_417 : i32
      %sign3A_419 = arith.constant 0 : i32
      %sign3A_420 = arith.cmpi sgt, %jit3A_410, %sign3A_419 : i32
      %sign3A_421 = arith.extui %sign3A_420 : i1 to i32
      %sign3A_422 = arith.constant 0 : i32
      %sign3A_423 = arith.cmpi slt, %jit3A_410, %sign3A_422 : i32
      %sign3A_424 = arith.extui %sign3A_423 : i1 to i32
      %sign3A_425 = arith.subi %sign3A_421, %sign3A_424 : i32
      %ne3A_426 = arith.cmpi ne, %sign3A_418, %sign3A_425 : i32
      %rem3A_427 = arith.remsi %mul3A_177, %jit3A_410 : i32
      %ne3A_428 = arith.constant 0 : i32
      %ne3A_429 = arith.cmpi ne, %rem3A_427, %ne3A_428 : i32
      %and3A_430 = arith.andi %ne3A_426, %ne3A_429 : i1
      %sub3A_431 = arith.constant 1 : i32
      %sub3A_432 = arith.subi %div3A_411, %sub3A_431 : i32
      %select_n3A_433 = arith.select %and3A_430, %sub3A_432, %div3A_411 : i32
      %add3A_434 = vector.broadcast %select_n3A_433 : i32 to vector<16xi32>
      %add3A_435 = arith.addi %add3A_434, %shift_right_logical3A_11 : vector<16xi32>
      %add3A_436 = arith.constant 8 : i32
      %add3A_437 = vector.broadcast %add3A_436 : i32 to vector<16xi32>
      %add3A_438 = arith.addi %mul3A_17, %add3A_437 : vector<16xi32>
      %gather3A_439 = tpu.vector_load_idx %arg6[%add3A_435, %add3A_438] : memref<128x128xf32, #tpu.memory_space<vmem>>[vector<16xi32>, vector<16xi32>], vector<16xf32>,
      %jit3A_440 = arith.constant 4 : i32
      %div3A_441 = arith.divsi %mul3A_177, %jit3A_440 : i32
      %sign3A_442 = arith.constant 0 : i32
      %sign3A_443 = arith.cmpi sgt, %mul3A_177, %sign3A_442 : i32
      %sign3A_444 = arith.extui %sign3A_443 : i1 to i32
      %sign3A_445 = arith.constant 0 : i32
      %sign3A_446 = arith.cmpi slt, %mul3A_177, %sign3A_445 : i32
      %sign3A_447 = arith.extui %sign3A_446 : i1 to i32
      %sign3A_448 = arith.subi %sign3A_444, %sign3A_447 : i32
      %sign3A_449 = arith.constant 0 : i32
      %sign3A_450 = arith.cmpi sgt, %jit3A_440, %sign3A_449 : i32
      %sign3A_451 = arith.extui %sign3A_450 : i1 to i32
      %sign3A_452 = arith.constant 0 : i32
      %sign3A_453 = arith.cmpi slt, %jit3A_440, %sign3A_452 : i32
      %sign3A_454 = arith.extui %sign3A_453 : i1 to i32
      %sign3A_455 = arith.subi %sign3A_451, %sign3A_454 : i32
      %ne3A_456 = arith.cmpi ne, %sign3A_448, %sign3A_455 : i32
      %rem3A_457 = arith.remsi %mul3A_177, %jit3A_440 : i32
      %ne3A_458 = arith.constant 0 : i32
      %ne3A_459 = arith.cmpi ne, %rem3A_457, %ne3A_458 : i32
      %and3A_460 = arith.andi %ne3A_456, %ne3A_459 : i1
      %sub3A_461 = arith.constant 1 : i32
      %sub3A_462 = arith.subi %div3A_441, %sub3A_461 : i32
      %select_n3A_463 = arith.select %and3A_460, %sub3A_462, %div3A_441 : i32
      %add3A_464 = vector.broadcast %select_n3A_463 : i32 to vector<16xi32>
      %add3A_465 = arith.addi %add3A_464, %shift_right_logical3A_11 : vector<16xi32>
      %add3A_466 = arith.constant 9 : i32
      %add3A_467 = vector.broadcast %add3A_466 : i32 to vector<16xi32>
      %add3A_468 = arith.addi %mul3A_17, %add3A_467 : vector<16xi32>
      %gather3A_469 = tpu.vector_load_idx %arg6[%add3A_465, %add3A_468] : memref<128x128xf32, #tpu.memory_space<vmem>>[vector<16xi32>, vector<16xi32>], vector<16xf32>,
      %jit3A_470 = arith.constant 4 : i32
      %div3A_471 = arith.divsi %mul3A_177, %jit3A_470 : i32
      %sign3A_472 = arith.constant 0 : i32
      %sign3A_473 = arith.cmpi sgt, %mul3A_177, %sign3A_472 : i32
      %sign3A_474 = arith.extui %sign3A_473 : i1 to i32
      %sign3A_475 = arith.constant 0 : i32
      %sign3A_476 = arith.cmpi slt, %mul3A_177, %sign3A_475 : i32
      %sign3A_477 = arith.extui %sign3A_476 : i1 to i32
      %sign3A_478 = arith.subi %sign3A_474, %sign3A_477 : i32
      %sign3A_479 = arith.constant 0 : i32
      %sign3A_480 = arith.cmpi sgt, %jit3A_470, %sign3A_479 : i32
      %sign3A_481 = arith.extui %sign3A_480 : i1 to i32
      %sign3A_482 = arith.constant 0 : i32
      %sign3A_483 = arith.cmpi slt, %jit3A_470, %sign3A_482 : i32
      %sign3A_484 = arith.extui %sign3A_483 : i1 to i32
      %sign3A_485 = arith.subi %sign3A_481, %sign3A_484 : i32
      %ne3A_486 = arith.cmpi ne, %sign3A_478, %sign3A_485 : i32
      %rem3A_487 = arith.remsi %mul3A_177, %jit3A_470 : i32
      %ne3A_488 = arith.constant 0 : i32
      %ne3A_489 = arith.cmpi ne, %rem3A_487, %ne3A_488 : i32
      %and3A_490 = arith.andi %ne3A_486, %ne3A_489 : i1
      %sub3A_491 = arith.constant 1 : i32
      %sub3A_492 = arith.subi %div3A_471, %sub3A_491 : i32
      %select_n3A_493 = arith.select %and3A_490, %sub3A_492, %div3A_471 : i32
      %add3A_494 = vector.broadcast %select_n3A_493 : i32 to vector<16xi32>
      %add3A_495 = arith.addi %add3A_494, %shift_right_logical3A_11 : vector<16xi32>
      %add3A_496 = arith.constant 10 : i32
      %add3A_497 = vector.broadcast %add3A_496 : i32 to vector<16xi32>
      %add3A_498 = arith.addi %mul3A_17, %add3A_497 : vector<16xi32>
      %gather3A_499 = tpu.vector_load_idx %arg6[%add3A_495, %add3A_498] : memref<128x128xf32, #tpu.memory_space<vmem>>[vector<16xi32>, vector<16xi32>], vector<16xf32>,
      %jit3A_500 = arith.constant 4 : i32
      %div3A_501 = arith.divsi %mul3A_177, %jit3A_500 : i32
      %sign3A_502 = arith.constant 0 : i32
      %sign3A_503 = arith.cmpi sgt, %mul3A_177, %sign3A_502 : i32
      %sign3A_504 = arith.extui %sign3A_503 : i1 to i32
      %sign3A_505 = arith.constant 0 : i32
      %sign3A_506 = arith.cmpi slt, %mul3A_177, %sign3A_505 : i32
      %sign3A_507 = arith.extui %sign3A_506 : i1 to i32
      %sign3A_508 = arith.subi %sign3A_504, %sign3A_507 : i32
      %sign3A_509 = arith.constant 0 : i32
      %sign3A_510 = arith.cmpi sgt, %jit3A_500, %sign3A_509 : i32
      %sign3A_511 = arith.extui %sign3A_510 : i1 to i32
      %sign3A_512 = arith.constant 0 : i32
      %sign3A_513 = arith.cmpi slt, %jit3A_500, %sign3A_512 : i32
      %sign3A_514 = arith.extui %sign3A_513 : i1 to i32
      %sign3A_515 = arith.subi %sign3A_511, %sign3A_514 : i32
      %ne3A_516 = arith.cmpi ne, %sign3A_508, %sign3A_515 : i32
      %rem3A_517 = arith.remsi %mul3A_177, %jit3A_500 : i32
      %ne3A_518 = arith.constant 0 : i32
      %ne3A_519 = arith.cmpi ne, %rem3A_517, %ne3A_518 : i32
      %and3A_520 = arith.andi %ne3A_516, %ne3A_519 : i1
      %sub3A_521 = arith.constant 1 : i32
      %sub3A_522 = arith.subi %div3A_501, %sub3A_521 : i32
      %select_n3A_523 = arith.select %and3A_520, %sub3A_522, %div3A_501 : i32
      %add3A_524 = vector.broadcast %select_n3A_523 : i32 to vector<16xi32>
      %add3A_525 = arith.addi %add3A_524, %shift_right_logical3A_11 : vector<16xi32>
      %add3A_526 = arith.constant 11 : i32
      %add3A_527 = vector.broadcast %add3A_526 : i32 to vector<16xi32>
      %add3A_528 = arith.addi %mul3A_17, %add3A_527 : vector<16xi32>
      %gather3A_529 = tpu.vector_load_idx %arg6[%add3A_525, %add3A_528] : memref<128x128xf32, #tpu.memory_space<vmem>>[vector<16xi32>, vector<16xi32>], vector<16xf32>,
      %jit3A_530 = arith.constant 4 : i32
      %div3A_531 = arith.divsi %mul3A_177, %jit3A_530 : i32
      %sign3A_532 = arith.constant 0 : i32
      %sign3A_533 = arith.cmpi sgt, %mul3A_177, %sign3A_532 : i32
      %sign3A_534 = arith.extui %sign3A_533 : i1 to i32
      %sign3A_535 = arith.constant 0 : i32
      %sign3A_536 = arith.cmpi slt, %mul3A_177, %sign3A_535 : i32
      %sign3A_537 = arith.extui %sign3A_536 : i1 to i32
      %sign3A_538 = arith.subi %sign3A_534, %sign3A_537 : i32
      %sign3A_539 = arith.constant 0 : i32
      %sign3A_540 = arith.cmpi sgt, %jit3A_530, %sign3A_539 : i32
      %sign3A_541 = arith.extui %sign3A_540 : i1 to i32
      %sign3A_542 = arith.constant 0 : i32
      %sign3A_543 = arith.cmpi slt, %jit3A_530, %sign3A_542 : i32
      %sign3A_544 = arith.extui %sign3A_543 : i1 to i32
      %sign3A_545 = arith.subi %sign3A_541, %sign3A_544 : i32
      %ne3A_546 = arith.cmpi ne, %sign3A_538, %sign3A_545 : i32
      %rem3A_547 = arith.remsi %mul3A_177, %jit3A_530 : i32
      %ne3A_548 = arith.constant 0 : i32
      %ne3A_549 = arith.cmpi ne, %rem3A_547, %ne3A_548 : i32
      %and3A_550 = arith.andi %ne3A_546, %ne3A_549 : i1
      %sub3A_551 = arith.constant 1 : i32
      %sub3A_552 = arith.subi %div3A_531, %sub3A_551 : i32
      %select_n3A_553 = arith.select %and3A_550, %sub3A_552, %div3A_531 : i32
      %add3A_554 = vector.broadcast %select_n3A_553 : i32 to vector<16xi32>
      %add3A_555 = arith.addi %add3A_554, %shift_right_logical3A_11 : vector<16xi32>
      %add3A_556 = arith.constant 12 : i32
      %add3A_557 = vector.broadcast %add3A_556 : i32 to vector<16xi32>
      %add3A_558 = arith.addi %mul3A_17, %add3A_557 : vector<16xi32>
      %gather3A_559 = tpu.vector_load_idx %arg6[%add3A_555, %add3A_558] : memref<128x128xf32, #tpu.memory_space<vmem>>[vector<16xi32>, vector<16xi32>], vector<16xf32>,
      %jit3A_560 = arith.constant 4 : i32
      %div3A_561 = arith.divsi %mul3A_177, %jit3A_560 : i32
      %sign3A_562 = arith.constant 0 : i32
      %sign3A_563 = arith.cmpi sgt, %mul3A_177, %sign3A_562 : i32
      %sign3A_564 = arith.extui %sign3A_563 : i1 to i32
      %sign3A_565 = arith.constant 0 : i32
      %sign3A_566 = arith.cmpi slt, %mul3A_177, %sign3A_565 : i32
      %sign3A_567 = arith.extui %sign3A_566 : i1 to i32
      %sign3A_568 = arith.subi %sign3A_564, %sign3A_567 : i32
      %sign3A_569 = arith.constant 0 : i32
      %sign3A_570 = arith.cmpi sgt, %jit3A_560, %sign3A_569 : i32
      %sign3A_571 = arith.extui %sign3A_570 : i1 to i32
      %sign3A_572 = arith.constant 0 : i32
      %sign3A_573 = arith.cmpi slt, %jit3A_560, %sign3A_572 : i32
      %sign3A_574 = arith.extui %sign3A_573 : i1 to i32
      %sign3A_575 = arith.subi %sign3A_571, %sign3A_574 : i32
      %ne3A_576 = arith.cmpi ne, %sign3A_568, %sign3A_575 : i32
      %rem3A_577 = arith.remsi %mul3A_177, %jit3A_560 : i32
      %ne3A_578 = arith.constant 0 : i32
      %ne3A_579 = arith.cmpi ne, %rem3A_577, %ne3A_578 : i32
      %and3A_580 = arith.andi %ne3A_576, %ne3A_579 : i1
      %sub3A_581 = arith.constant 1 : i32
      %sub3A_582 = arith.subi %div3A_561, %sub3A_581 : i32
      %select_n3A_583 = arith.select %and3A_580, %sub3A_582, %div3A_561 : i32
      %add3A_584 = vector.broadcast %select_n3A_583 : i32 to vector<16xi32>
      %add3A_585 = arith.addi %add3A_584, %shift_right_logical3A_11 : vector<16xi32>
      %add3A_586 = arith.constant 13 : i32
      %add3A_587 = vector.broadcast %add3A_586 : i32 to vector<16xi32>
      %add3A_588 = arith.addi %mul3A_17, %add3A_587 : vector<16xi32>
      %gather3A_589 = tpu.vector_load_idx %arg6[%add3A_585, %add3A_588] : memref<128x128xf32, #tpu.memory_space<vmem>>[vector<16xi32>, vector<16xi32>], vector<16xf32>,
      %jit3A_590 = arith.constant 4 : i32
      %div3A_591 = arith.divsi %mul3A_177, %jit3A_590 : i32
      %sign3A_592 = arith.constant 0 : i32
      %sign3A_593 = arith.cmpi sgt, %mul3A_177, %sign3A_592 : i32
      %sign3A_594 = arith.extui %sign3A_593 : i1 to i32
      %sign3A_595 = arith.constant 0 : i32
      %sign3A_596 = arith.cmpi slt, %mul3A_177, %sign3A_595 : i32
      %sign3A_597 = arith.extui %sign3A_596 : i1 to i32
      %sign3A_598 = arith.subi %sign3A_594, %sign3A_597 : i32
      %sign3A_599 = arith.constant 0 : i32
      %sign3A_600 = arith.cmpi sgt, %jit3A_590, %sign3A_599 : i32
      %sign3A_601 = arith.extui %sign3A_600 : i1 to i32
      %sign3A_602 = arith.constant 0 : i32
      %sign3A_603 = arith.cmpi slt, %jit3A_590, %sign3A_602 : i32
      %sign3A_604 = arith.extui %sign3A_603 : i1 to i32
      %sign3A_605 = arith.subi %sign3A_601, %sign3A_604 : i32
      %ne3A_606 = arith.cmpi ne, %sign3A_598, %sign3A_605 : i32
      %rem3A_607 = arith.remsi %mul3A_177, %jit3A_590 : i32
      %ne3A_608 = arith.constant 0 : i32
      %ne3A_609 = arith.cmpi ne, %rem3A_607, %ne3A_608 : i32
      %and3A_610 = arith.andi %ne3A_606, %ne3A_609 : i1
      %sub3A_611 = arith.constant 1 : i32
      %sub3A_612 = arith.subi %div3A_591, %sub3A_611 : i32
      %select_n3A_613 = arith.select %and3A_610, %sub3A_612, %div3A_591 : i32
      %add3A_614 = vector.broadcast %select_n3A_613 : i32 to vector<16xi32>
      %add3A_615 = arith.addi %add3A_614, %shift_right_logical3A_11 : vector<16xi32>
      %add3A_616 = arith.constant 14 : i32
      %add3A_617 = vector.broadcast %add3A_616 : i32 to vector<16xi32>
      %add3A_618 = arith.addi %mul3A_17, %add3A_617 : vector<16xi32>
      %gather3A_619 = tpu.vector_load_idx %arg6[%add3A_615, %add3A_618] : memref<128x128xf32, #tpu.memory_space<vmem>>[vector<16xi32>, vector<16xi32>], vector<16xf32>,
      %jit3A_620 = arith.constant 4 : i32
      %div3A_621 = arith.divsi %mul3A_177, %jit3A_620 : i32
      %sign3A_622 = arith.constant 0 : i32
      %sign3A_623 = arith.cmpi sgt, %mul3A_177, %sign3A_622 : i32
      %sign3A_624 = arith.extui %sign3A_623 : i1 to i32
      %sign3A_625 = arith.constant 0 : i32
      %sign3A_626 = arith.cmpi slt, %mul3A_177, %sign3A_625 : i32
      %sign3A_627 = arith.extui %sign3A_626 : i1 to i32
      %sign3A_628 = arith.subi %sign3A_624, %sign3A_627 : i32
      %sign3A_629 = arith.constant 0 : i32
      %sign3A_630 = arith.cmpi sgt, %jit3A_620, %sign3A_629 : i32
      %sign3A_631 = arith.extui %sign3A_630 : i1 to i32
      %sign3A_632 = arith.constant 0 : i32
      %sign3A_633 = arith.cmpi slt, %jit3A_620, %sign3A_632 : i32
      %sign3A_634 = arith.extui %sign3A_633 : i1 to i32
      %sign3A_635 = arith.subi %sign3A_631, %sign3A_634 : i32
      %ne3A_636 = arith.cmpi ne, %sign3A_628, %sign3A_635 : i32
      %rem3A_637 = arith.remsi %mul3A_177, %jit3A_620 : i32
      %ne3A_638 = arith.constant 0 : i32
      %ne3A_639 = arith.cmpi ne, %rem3A_637, %ne3A_638 : i32
      %and3A_640 = arith.andi %ne3A_636, %ne3A_639 : i1
      %sub3A_641 = arith.constant 1 : i32
      %sub3A_642 = arith.subi %div3A_621, %sub3A_641 : i32
      %select_n3A_643 = arith.select %and3A_640, %sub3A_642, %div3A_621 : i32
      %add3A_644 = vector.broadcast %select_n3A_643 : i32 to vector<16xi32>
      %add3A_645 = arith.addi %add3A_644, %shift_right_logical3A_11 : vector<16xi32>
      %add3A_646 = arith.constant 15 : i32
      %add3A_647 = vector.broadcast %add3A_646 : i32 to vector<16xi32>
      %add3A_648 = arith.addi %mul3A_17, %add3A_647 : vector<16xi32>
      %gather3A_649 = tpu.vector_load_idx %arg6[%add3A_645, %add3A_648] : memref<128x128xf32, #tpu.memory_space<vmem>>[vector<16xi32>, vector<16xi32>], vector<16xf32>,
      %jit3A_650 = arith.constant 4 : i32
      %div3A_651 = arith.divsi %mul3A_177, %jit3A_650 : i32
      %sign3A_652 = arith.constant 0 : i32
      %sign3A_653 = arith.cmpi sgt, %mul3A_177, %sign3A_652 : i32
      %sign3A_654 = arith.extui %sign3A_653 : i1 to i32
      %sign3A_655 = arith.constant 0 : i32
      %sign3A_656 = arith.cmpi slt, %mul3A_177, %sign3A_655 : i32
      %sign3A_657 = arith.extui %sign3A_656 : i1 to i32
      %sign3A_658 = arith.subi %sign3A_654, %sign3A_657 : i32
      %sign3A_659 = arith.constant 0 : i32
      %sign3A_660 = arith.cmpi sgt, %jit3A_650, %sign3A_659 : i32
      %sign3A_661 = arith.extui %sign3A_660 : i1 to i32
      %sign3A_662 = arith.constant 0 : i32
      %sign3A_663 = arith.cmpi slt, %jit3A_650, %sign3A_662 : i32
      %sign3A_664 = arith.extui %sign3A_663 : i1 to i32
      %sign3A_665 = arith.subi %sign3A_661, %sign3A_664 : i32
      %ne3A_666 = arith.cmpi ne, %sign3A_658, %sign3A_665 : i32
      %rem3A_667 = arith.remsi %mul3A_177, %jit3A_650 : i32
      %ne3A_668 = arith.constant 0 : i32
      %ne3A_669 = arith.cmpi ne, %rem3A_667, %ne3A_668 : i32
      %and3A_670 = arith.andi %ne3A_666, %ne3A_669 : i1
      %sub3A_671 = arith.constant 1 : i32
      %sub3A_672 = arith.subi %div3A_651, %sub3A_671 : i32
      %select_n3A_673 = arith.select %and3A_670, %sub3A_672, %div3A_651 : i32
      %add3A_674 = vector.broadcast %select_n3A_673 : i32 to vector<16xi32>
      %add3A_675 = arith.addi %add3A_674, %shift_right_logical3A_11 : vector<16xi32>
      %add3A_676 = arith.constant 16 : i32
      %add3A_677 = vector.broadcast %add3A_676 : i32 to vector<16xi32>
      %add3A_678 = arith.addi %mul3A_17, %add3A_677 : vector<16xi32>
      %gather3A_679 = tpu.vector_load_idx %arg6[%add3A_675, %add3A_678] : memref<128x128xf32, #tpu.memory_space<vmem>>[vector<16xi32>, vector<16xi32>], vector<16xf32>,
      %jit3A_680 = arith.constant 4 : i32
      %div3A_681 = arith.divsi %mul3A_177, %jit3A_680 : i32
      %sign3A_682 = arith.constant 0 : i32
      %sign3A_683 = arith.cmpi sgt, %mul3A_177, %sign3A_682 : i32
      %sign3A_684 = arith.extui %sign3A_683 : i1 to i32
      %sign3A_685 = arith.constant 0 : i32
      %sign3A_686 = arith.cmpi slt, %mul3A_177, %sign3A_685 : i32
      %sign3A_687 = arith.extui %sign3A_686 : i1 to i32
      %sign3A_688 = arith.subi %sign3A_684, %sign3A_687 : i32
      %sign3A_689 = arith.constant 0 : i32
      %sign3A_690 = arith.cmpi sgt, %jit3A_680, %sign3A_689 : i32
      %sign3A_691 = arith.extui %sign3A_690 : i1 to i32
      %sign3A_692 = arith.constant 0 : i32
      %sign3A_693 = arith.cmpi slt, %jit3A_680, %sign3A_692 : i32
      %sign3A_694 = arith.extui %sign3A_693 : i1 to i32
      %sign3A_695 = arith.subi %sign3A_691, %sign3A_694 : i32
      %ne3A_696 = arith.cmpi ne, %sign3A_688, %sign3A_695 : i32
      %rem3A_697 = arith.remsi %mul3A_177, %jit3A_680 : i32
      %ne3A_698 = arith.constant 0 : i32
      %ne3A_699 = arith.cmpi ne, %rem3A_697, %ne3A_698 : i32
      %and3A_700 = arith.andi %ne3A_696, %ne3A_699 : i1
      %sub3A_701 = arith.constant 1 : i32
      %sub3A_702 = arith.subi %div3A_681, %sub3A_701 : i32
      %select_n3A_703 = arith.select %and3A_700, %sub3A_702, %div3A_681 : i32
      %add3A_704 = vector.broadcast %select_n3A_703 : i32 to vector<16xi32>
      %add3A_705 = arith.addi %add3A_704, %shift_right_logical3A_11 : vector<16xi32>
      %add3A_706 = arith.constant 17 : i32
      %add3A_707 = vector.broadcast %add3A_706 : i32 to vector<16xi32>
      %add3A_708 = arith.addi %mul3A_17, %add3A_707 : vector<16xi32>
      %gather3A_709 = tpu.vector_load_idx %arg6[%add3A_705, %add3A_708] : memref<128x128xf32, #tpu.memory_space<vmem>>[vector<16xi32>, vector<16xi32>], vector<16xf32>,
      %jit3A_710 = arith.constant 4 : i32
      %div3A_711 = arith.divsi %mul3A_177, %jit3A_710 : i32
      %sign3A_712 = arith.constant 0 : i32
      %sign3A_713 = arith.cmpi sgt, %mul3A_177, %sign3A_712 : i32
      %sign3A_714 = arith.extui %sign3A_713 : i1 to i32
      %sign3A_715 = arith.constant 0 : i32
      %sign3A_716 = arith.cmpi slt, %mul3A_177, %sign3A_715 : i32
      %sign3A_717 = arith.extui %sign3A_716 : i1 to i32
      %sign3A_718 = arith.subi %sign3A_714, %sign3A_717 : i32
      %sign3A_719 = arith.constant 0 : i32
      %sign3A_720 = arith.cmpi sgt, %jit3A_710, %sign3A_719 : i32
      %sign3A_721 = arith.extui %sign3A_720 : i1 to i32
      %sign3A_722 = arith.constant 0 : i32
      %sign3A_723 = arith.cmpi slt, %jit3A_710, %sign3A_722 : i32
      %sign3A_724 = arith.extui %sign3A_723 : i1 to i32
      %sign3A_725 = arith.subi %sign3A_721, %sign3A_724 : i32
      %ne3A_726 = arith.cmpi ne, %sign3A_718, %sign3A_725 : i32
      %rem3A_727 = arith.remsi %mul3A_177, %jit3A_710 : i32
      %ne3A_728 = arith.constant 0 : i32
      %ne3A_729 = arith.cmpi ne, %rem3A_727, %ne3A_728 : i32
      %and3A_730 = arith.andi %ne3A_726, %ne3A_729 : i1
      %sub3A_731 = arith.constant 1 : i32
      %sub3A_732 = arith.subi %div3A_711, %sub3A_731 : i32
      %select_n3A_733 = arith.select %and3A_730, %sub3A_732, %div3A_711 : i32
      %add3A_734 = vector.broadcast %select_n3A_733 : i32 to vector<16xi32>
      %add3A_735 = arith.addi %add3A_734, %shift_right_logical3A_11 : vector<16xi32>
      %add3A_736 = arith.constant 18 : i32
      %add3A_737 = vector.broadcast %add3A_736 : i32 to vector<16xi32>
      %add3A_738 = arith.addi %mul3A_17, %add3A_737 : vector<16xi32>
      %gather3A_739 = tpu.vector_load_idx %arg6[%add3A_735, %add3A_738] : memref<128x128xf32, #tpu.memory_space<vmem>>[vector<16xi32>, vector<16xi32>], vector<16xf32>,
      %jit3A_740 = arith.constant 4 : i32
      %div3A_741 = arith.divsi %mul3A_177, %jit3A_740 : i32
      %sign3A_742 = arith.constant 0 : i32
      %sign3A_743 = arith.cmpi sgt, %mul3A_177, %sign3A_742 : i32
      %sign3A_744 = arith.extui %sign3A_743 : i1 to i32
      %sign3A_745 = arith.constant 0 : i32
      %sign3A_746 = arith.cmpi slt, %mul3A_177, %sign3A_745 : i32
      %sign3A_747 = arith.extui %sign3A_746 : i1 to i32
      %sign3A_748 = arith.subi %sign3A_744, %sign3A_747 : i32
      %sign3A_749 = arith.constant 0 : i32
      %sign3A_750 = arith.cmpi sgt, %jit3A_740, %sign3A_749 : i32
      %sign3A_751 = arith.extui %sign3A_750 : i1 to i32
      %sign3A_752 = arith.constant 0 : i32
      %sign3A_753 = arith.cmpi slt, %jit3A_740, %sign3A_752 : i32
      %sign3A_754 = arith.extui %sign3A_753 : i1 to i32
      %sign3A_755 = arith.subi %sign3A_751, %sign3A_754 : i32
      %ne3A_756 = arith.cmpi ne, %sign3A_748, %sign3A_755 : i32
      %rem3A_757 = arith.remsi %mul3A_177, %jit3A_740 : i32
      %ne3A_758 = arith.constant 0 : i32
      %ne3A_759 = arith.cmpi ne, %rem3A_757, %ne3A_758 : i32
      %and3A_760 = arith.andi %ne3A_756, %ne3A_759 : i1
      %sub3A_761 = arith.constant 1 : i32
      %sub3A_762 = arith.subi %div3A_741, %sub3A_761 : i32
      %select_n3A_763 = arith.select %and3A_760, %sub3A_762, %div3A_741 : i32
      %add3A_764 = vector.broadcast %select_n3A_763 : i32 to vector<16xi32>
      %add3A_765 = arith.addi %add3A_764, %shift_right_logical3A_11 : vector<16xi32>
      %add3A_766 = arith.constant 19 : i32
      %add3A_767 = vector.broadcast %add3A_766 : i32 to vector<16xi32>
      %add3A_768 = arith.addi %mul3A_17, %add3A_767 : vector<16xi32>
      %gather3A_769 = tpu.vector_load_idx %arg6[%add3A_765, %add3A_768] : memref<128x128xf32, #tpu.memory_space<vmem>>[vector<16xi32>, vector<16xi32>], vector<16xf32>,
      %jit3A_770 = arith.constant 4 : i32
      %div3A_771 = arith.divsi %mul3A_177, %jit3A_770 : i32
      %sign3A_772 = arith.constant 0 : i32
      %sign3A_773 = arith.cmpi sgt, %mul3A_177, %sign3A_772 : i32
      %sign3A_774 = arith.extui %sign3A_773 : i1 to i32
      %sign3A_775 = arith.constant 0 : i32
      %sign3A_776 = arith.cmpi slt, %mul3A_177, %sign3A_775 : i32
      %sign3A_777 = arith.extui %sign3A_776 : i1 to i32
      %sign3A_778 = arith.subi %sign3A_774, %sign3A_777 : i32
      %sign3A_779 = arith.constant 0 : i32
      %sign3A_780 = arith.cmpi sgt, %jit3A_770, %sign3A_779 : i32
      %sign3A_781 = arith.extui %sign3A_780 : i1 to i32
      %sign3A_782 = arith.constant 0 : i32
      %sign3A_783 = arith.cmpi slt, %jit3A_770, %sign3A_782 : i32
      %sign3A_784 = arith.extui %sign3A_783 : i1 to i32
      %sign3A_785 = arith.subi %sign3A_781, %sign3A_784 : i32
      %ne3A_786 = arith.cmpi ne, %sign3A_778, %sign3A_785 : i32
      %rem3A_787 = arith.remsi %mul3A_177, %jit3A_770 : i32
      %ne3A_788 = arith.constant 0 : i32
      %ne3A_789 = arith.cmpi ne, %rem3A_787, %ne3A_788 : i32
      %and3A_790 = arith.andi %ne3A_786, %ne3A_789 : i1
      %sub3A_791 = arith.constant 1 : i32
      %sub3A_792 = arith.subi %div3A_771, %sub3A_791 : i32
      %select_n3A_793 = arith.select %and3A_790, %sub3A_792, %div3A_771 : i32
      %add3A_794 = vector.broadcast %select_n3A_793 : i32 to vector<16xi32>
      %add3A_795 = arith.addi %add3A_794, %shift_right_logical3A_11 : vector<16xi32>
      %add3A_796 = arith.constant 20 : i32
      %add3A_797 = vector.broadcast %add3A_796 : i32 to vector<16xi32>
      %add3A_798 = arith.addi %mul3A_17, %add3A_797 : vector<16xi32>
      %gather3A_799 = tpu.vector_load_idx %arg6[%add3A_795, %add3A_798] : memref<128x128xf32, #tpu.memory_space<vmem>>[vector<16xi32>, vector<16xi32>], vector<16xf32>,
      %jit3A_800 = arith.constant 4 : i32
      %div3A_801 = arith.divsi %mul3A_177, %jit3A_800 : i32
      %sign3A_802 = arith.constant 0 : i32
      %sign3A_803 = arith.cmpi sgt, %mul3A_177, %sign3A_802 : i32
      %sign3A_804 = arith.extui %sign3A_803 : i1 to i32
      %sign3A_805 = arith.constant 0 : i32
      %sign3A_806 = arith.cmpi slt, %mul3A_177, %sign3A_805 : i32
      %sign3A_807 = arith.extui %sign3A_806 : i1 to i32
      %sign3A_808 = arith.subi %sign3A_804, %sign3A_807 : i32
      %sign3A_809 = arith.constant 0 : i32
      %sign3A_810 = arith.cmpi sgt, %jit3A_800, %sign3A_809 : i32
      %sign3A_811 = arith.extui %sign3A_810 : i1 to i32
      %sign3A_812 = arith.constant 0 : i32
      %sign3A_813 = arith.cmpi slt, %jit3A_800, %sign3A_812 : i32
      %sign3A_814 = arith.extui %sign3A_813 : i1 to i32
      %sign3A_815 = arith.subi %sign3A_811, %sign3A_814 : i32
      %ne3A_816 = arith.cmpi ne, %sign3A_808, %sign3A_815 : i32
      %rem3A_817 = arith.remsi %mul3A_177, %jit3A_800 : i32
      %ne3A_818 = arith.constant 0 : i32
      %ne3A_819 = arith.cmpi ne, %rem3A_817, %ne3A_818 : i32
      %and3A_820 = arith.andi %ne3A_816, %ne3A_819 : i1
      %sub3A_821 = arith.constant 1 : i32
      %sub3A_822 = arith.subi %div3A_801, %sub3A_821 : i32
      %select_n3A_823 = arith.select %and3A_820, %sub3A_822, %div3A_801 : i32
      %add3A_824 = vector.broadcast %select_n3A_823 : i32 to vector<16xi32>
      %add3A_825 = arith.addi %add3A_824, %shift_right_logical3A_11 : vector<16xi32>
      %add3A_826 = arith.constant 21 : i32
      %add3A_827 = vector.broadcast %add3A_826 : i32 to vector<16xi32>
      %add3A_828 = arith.addi %mul3A_17, %add3A_827 : vector<16xi32>
      %gather3A_829 = tpu.vector_load_idx %arg6[%add3A_825, %add3A_828] : memref<128x128xf32, #tpu.memory_space<vmem>>[vector<16xi32>, vector<16xi32>], vector<16xf32>,
      %jit3A_830 = arith.constant 4 : i32
      %div3A_831 = arith.divsi %mul3A_177, %jit3A_830 : i32
      %sign3A_832 = arith.constant 0 : i32
      %sign3A_833 = arith.cmpi sgt, %mul3A_177, %sign3A_832 : i32
      %sign3A_834 = arith.extui %sign3A_833 : i1 to i32
      %sign3A_835 = arith.constant 0 : i32
      %sign3A_836 = arith.cmpi slt, %mul3A_177, %sign3A_835 : i32
      %sign3A_837 = arith.extui %sign3A_836 : i1 to i32
      %sign3A_838 = arith.subi %sign3A_834, %sign3A_837 : i32
      %sign3A_839 = arith.constant 0 : i32
      %sign3A_840 = arith.cmpi sgt, %jit3A_830, %sign3A_839 : i32
      %sign3A_841 = arith.extui %sign3A_840 : i1 to i32
      %sign3A_842 = arith.constant 0 : i32
      %sign3A_843 = arith.cmpi slt, %jit3A_830, %sign3A_842 : i32
      %sign3A_844 = arith.extui %sign3A_843 : i1 to i32
      %sign3A_845 = arith.subi %sign3A_841, %sign3A_844 : i32
      %ne3A_846 = arith.cmpi ne, %sign3A_838, %sign3A_845 : i32
      %rem3A_847 = arith.remsi %mul3A_177, %jit3A_830 : i32
      %ne3A_848 = arith.constant 0 : i32
      %ne3A_849 = arith.cmpi ne, %rem3A_847, %ne3A_848 : i32
      %and3A_850 = arith.andi %ne3A_846, %ne3A_849 : i1
      %sub3A_851 = arith.constant 1 : i32
      %sub3A_852 = arith.subi %div3A_831, %sub3A_851 : i32
      %select_n3A_853 = arith.select %and3A_850, %sub3A_852, %div3A_831 : i32
      %add3A_854 = vector.broadcast %select_n3A_853 : i32 to vector<16xi32>
      %add3A_855 = arith.addi %add3A_854, %shift_right_logical3A_11 : vector<16xi32>
      %add3A_856 = arith.constant 22 : i32
      %add3A_857 = vector.broadcast %add3A_856 : i32 to vector<16xi32>
      %add3A_858 = arith.addi %mul3A_17, %add3A_857 : vector<16xi32>
      %gather3A_859 = tpu.vector_load_idx %arg6[%add3A_855, %add3A_858] : memref<128x128xf32, #tpu.memory_space<vmem>>[vector<16xi32>, vector<16xi32>], vector<16xf32>,
      %jit3A_860 = arith.constant 4 : i32
      %div3A_861 = arith.divsi %mul3A_177, %jit3A_860 : i32
      %sign3A_862 = arith.constant 0 : i32
      %sign3A_863 = arith.cmpi sgt, %mul3A_177, %sign3A_862 : i32
      %sign3A_864 = arith.extui %sign3A_863 : i1 to i32
      %sign3A_865 = arith.constant 0 : i32
      %sign3A_866 = arith.cmpi slt, %mul3A_177, %sign3A_865 : i32
      %sign3A_867 = arith.extui %sign3A_866 : i1 to i32
      %sign3A_868 = arith.subi %sign3A_864, %sign3A_867 : i32
      %sign3A_869 = arith.constant 0 : i32
      %sign3A_870 = arith.cmpi sgt, %jit3A_860, %sign3A_869 : i32
      %sign3A_871 = arith.extui %sign3A_870 : i1 to i32
      %sign3A_872 = arith.constant 0 : i32
      %sign3A_873 = arith.cmpi slt, %jit3A_860, %sign3A_872 : i32
      %sign3A_874 = arith.extui %sign3A_873 : i1 to i32
      %sign3A_875 = arith.subi %sign3A_871, %sign3A_874 : i32
      %ne3A_876 = arith.cmpi ne, %sign3A_868, %sign3A_875 : i32
      %rem3A_877 = arith.remsi %mul3A_177, %jit3A_860 : i32
      %ne3A_878 = arith.constant 0 : i32
      %ne3A_879 = arith.cmpi ne, %rem3A_877, %ne3A_878 : i32
      %and3A_880 = arith.andi %ne3A_876, %ne3A_879 : i1
      %sub3A_881 = arith.constant 1 : i32
      %sub3A_882 = arith.subi %div3A_861, %sub3A_881 : i32
      %select_n3A_883 = arith.select %and3A_880, %sub3A_882, %div3A_861 : i32
      %add3A_884 = vector.broadcast %select_n3A_883 : i32 to vector<16xi32>
      %add3A_885 = arith.addi %add3A_884, %shift_right_logical3A_11 : vector<16xi32>
      %add3A_886 = arith.constant 23 : i32
      %add3A_887 = vector.broadcast %add3A_886 : i32 to vector<16xi32>
      %add3A_888 = arith.addi %mul3A_17, %add3A_887 : vector<16xi32>
      %gather3A_889 = tpu.vector_load_idx %arg6[%add3A_885, %add3A_888] : memref<128x128xf32, #tpu.memory_space<vmem>>[vector<16xi32>, vector<16xi32>], vector<16xf32>,
      %jit3A_890 = arith.constant 4 : i32
      %div3A_891 = arith.divsi %mul3A_177, %jit3A_890 : i32
      %sign3A_892 = arith.constant 0 : i32
      %sign3A_893 = arith.cmpi sgt, %mul3A_177, %sign3A_892 : i32
      %sign3A_894 = arith.extui %sign3A_893 : i1 to i32
      %sign3A_895 = arith.constant 0 : i32
      %sign3A_896 = arith.cmpi slt, %mul3A_177, %sign3A_895 : i32
      %sign3A_897 = arith.extui %sign3A_896 : i1 to i32
      %sign3A_898 = arith.subi %sign3A_894, %sign3A_897 : i32
      %sign3A_899 = arith.constant 0 : i32
      %sign3A_900 = arith.cmpi sgt, %jit3A_890, %sign3A_899 : i32
      %sign3A_901 = arith.extui %sign3A_900 : i1 to i32
      %sign3A_902 = arith.constant 0 : i32
      %sign3A_903 = arith.cmpi slt, %jit3A_890, %sign3A_902 : i32
      %sign3A_904 = arith.extui %sign3A_903 : i1 to i32
      %sign3A_905 = arith.subi %sign3A_901, %sign3A_904 : i32
      %ne3A_906 = arith.cmpi ne, %sign3A_898, %sign3A_905 : i32
      %rem3A_907 = arith.remsi %mul3A_177, %jit3A_890 : i32
      %ne3A_908 = arith.constant 0 : i32
      %ne3A_909 = arith.cmpi ne, %rem3A_907, %ne3A_908 : i32
      %and3A_910 = arith.andi %ne3A_906, %ne3A_909 : i1
      %sub3A_911 = arith.constant 1 : i32
      %sub3A_912 = arith.subi %div3A_891, %sub3A_911 : i32
      %select_n3A_913 = arith.select %and3A_910, %sub3A_912, %div3A_891 : i32
      %add3A_914 = vector.broadcast %select_n3A_913 : i32 to vector<16xi32>
      %add3A_915 = arith.addi %add3A_914, %shift_right_logical3A_11 : vector<16xi32>
      %add3A_916 = arith.constant 24 : i32
      %add3A_917 = vector.broadcast %add3A_916 : i32 to vector<16xi32>
      %add3A_918 = arith.addi %mul3A_17, %add3A_917 : vector<16xi32>
      %gather3A_919 = tpu.vector_load_idx %arg6[%add3A_915, %add3A_918] : memref<128x128xf32, #tpu.memory_space<vmem>>[vector<16xi32>, vector<16xi32>], vector<16xf32>,
      %jit3A_920 = arith.constant 4 : i32
      %div3A_921 = arith.divsi %mul3A_177, %jit3A_920 : i32
      %sign3A_922 = arith.constant 0 : i32
      %sign3A_923 = arith.cmpi sgt, %mul3A_177, %sign3A_922 : i32
      %sign3A_924 = arith.extui %sign3A_923 : i1 to i32
      %sign3A_925 = arith.constant 0 : i32
      %sign3A_926 = arith.cmpi slt, %mul3A_177, %sign3A_925 : i32
      %sign3A_927 = arith.extui %sign3A_926 : i1 to i32
      %sign3A_928 = arith.subi %sign3A_924, %sign3A_927 : i32
      %sign3A_929 = arith.constant 0 : i32
      %sign3A_930 = arith.cmpi sgt, %jit3A_920, %sign3A_929 : i32
      %sign3A_931 = arith.extui %sign3A_930 : i1 to i32
      %sign3A_932 = arith.constant 0 : i32
      %sign3A_933 = arith.cmpi slt, %jit3A_920, %sign3A_932 : i32
      %sign3A_934 = arith.extui %sign3A_933 : i1 to i32
      %sign3A_935 = arith.subi %sign3A_931, %sign3A_934 : i32
      %ne3A_936 = arith.cmpi ne, %sign3A_928, %sign3A_935 : i32
      %rem3A_937 = arith.remsi %mul3A_177, %jit3A_920 : i32
      %ne3A_938 = arith.constant 0 : i32
      %ne3A_939 = arith.cmpi ne, %rem3A_937, %ne3A_938 : i32
      %and3A_940 = arith.andi %ne3A_936, %ne3A_939 : i1
      %sub3A_941 = arith.constant 1 : i32
      %sub3A_942 = arith.subi %div3A_921, %sub3A_941 : i32
      %select_n3A_943 = arith.select %and3A_940, %sub3A_942, %div3A_921 : i32
      %add3A_944 = vector.broadcast %select_n3A_943 : i32 to vector<16xi32>
      %add3A_945 = arith.addi %add3A_944, %shift_right_logical3A_11 : vector<16xi32>
      %add3A_946 = arith.constant 25 : i32
      %add3A_947 = vector.broadcast %add3A_946 : i32 to vector<16xi32>
      %add3A_948 = arith.addi %mul3A_17, %add3A_947 : vector<16xi32>
      %gather3A_949 = tpu.vector_load_idx %arg6[%add3A_945, %add3A_948] : memref<128x128xf32, #tpu.memory_space<vmem>>[vector<16xi32>, vector<16xi32>], vector<16xf32>,
      %jit3A_950 = arith.constant 4 : i32
      %div3A_951 = arith.divsi %mul3A_177, %jit3A_950 : i32
      %sign3A_952 = arith.constant 0 : i32
      %sign3A_953 = arith.cmpi sgt, %mul3A_177, %sign3A_952 : i32
      %sign3A_954 = arith.extui %sign3A_953 : i1 to i32
      %sign3A_955 = arith.constant 0 : i32
      %sign3A_956 = arith.cmpi slt, %mul3A_177, %sign3A_955 : i32
      %sign3A_957 = arith.extui %sign3A_956 : i1 to i32
      %sign3A_958 = arith.subi %sign3A_954, %sign3A_957 : i32
      %sign3A_959 = arith.constant 0 : i32
      %sign3A_960 = arith.cmpi sgt, %jit3A_950, %sign3A_959 : i32
      %sign3A_961 = arith.extui %sign3A_960 : i1 to i32
      %sign3A_962 = arith.constant 0 : i32
      %sign3A_963 = arith.cmpi slt, %jit3A_950, %sign3A_962 : i32
      %sign3A_964 = arith.extui %sign3A_963 : i1 to i32
      %sign3A_965 = arith.subi %sign3A_961, %sign3A_964 : i32
      %ne3A_966 = arith.cmpi ne, %sign3A_958, %sign3A_965 : i32
      %rem3A_967 = arith.remsi %mul3A_177, %jit3A_950 : i32
      %ne3A_968 = arith.constant 0 : i32
      %ne3A_969 = arith.cmpi ne, %rem3A_967, %ne3A_968 : i32
      %and3A_970 = arith.andi %ne3A_966, %ne3A_969 : i1
      %sub3A_971 = arith.constant 1 : i32
      %sub3A_972 = arith.subi %div3A_951, %sub3A_971 : i32
      %select_n3A_973 = arith.select %and3A_970, %sub3A_972, %div3A_951 : i32
      %add3A_974 = vector.broadcast %select_n3A_973 : i32 to vector<16xi32>
      %add3A_975 = arith.addi %add3A_974, %shift_right_logical3A_11 : vector<16xi32>
      %add3A_976 = arith.constant 26 : i32
      %add3A_977 = vector.broadcast %add3A_976 : i32 to vector<16xi32>
      %add3A_978 = arith.addi %mul3A_17, %add3A_977 : vector<16xi32>
      %gather3A_979 = tpu.vector_load_idx %arg6[%add3A_975, %add3A_978] : memref<128x128xf32, #tpu.memory_space<vmem>>[vector<16xi32>, vector<16xi32>], vector<16xf32>,
      %jit3A_980 = arith.constant 4 : i32
      %div3A_981 = arith.divsi %mul3A_177, %jit3A_980 : i32
      %sign3A_982 = arith.constant 0 : i32
      %sign3A_983 = arith.cmpi sgt, %mul3A_177, %sign3A_982 : i32
      %sign3A_984 = arith.extui %sign3A_983 : i1 to i32
      %sign3A_985 = arith.constant 0 : i32
      %sign3A_986 = arith.cmpi slt, %mul3A_177, %sign3A_985 : i32
      %sign3A_987 = arith.extui %sign3A_986 : i1 to i32
      %sign3A_988 = arith.subi %sign3A_984, %sign3A_987 : i32
      %sign3A_989 = arith.constant 0 : i32
      %sign3A_990 = arith.cmpi sgt, %jit3A_980, %sign3A_989 : i32
      %sign3A_991 = arith.extui %sign3A_990 : i1 to i32
      %sign3A_992 = arith.constant 0 : i32
      %sign3A_993 = arith.cmpi slt, %jit3A_980, %sign3A_992 : i32
      %sign3A_994 = arith.extui %sign3A_993 : i1 to i32
      %sign3A_995 = arith.subi %sign3A_991, %sign3A_994 : i32
      %ne3A_996 = arith.cmpi ne, %sign3A_988, %sign3A_995 : i32
      %rem3A_997 = arith.remsi %mul3A_177, %jit3A_980 : i32
      %ne3A_998 = arith.constant 0 : i32
      %ne3A_999 = arith.cmpi ne, %rem3A_997, %ne3A_998 : i32
      %and3A_1000 = arith.andi %ne3A_996, %ne3A_999 : i1
      %sub3A_1001 = arith.constant 1 : i32
      %sub3A_1002 = arith.subi %div3A_981, %sub3A_1001 : i32
      %select_n3A_1003 = arith.select %and3A_1000, %sub3A_1002, %div3A_981 : i32
      %add3A_1004 = vector.broadcast %select_n3A_1003 : i32 to vector<16xi32>
      %add3A_1005 = arith.addi %add3A_1004, %shift_right_logical3A_11 : vector<16xi32>
      %add3A_1006 = arith.constant 27 : i32
      %add3A_1007 = vector.broadcast %add3A_1006 : i32 to vector<16xi32>
      %add3A_1008 = arith.addi %mul3A_17, %add3A_1007 : vector<16xi32>
      %gather3A_1009 = tpu.vector_load_idx %arg6[%add3A_1005, %add3A_1008] : memref<128x128xf32, #tpu.memory_space<vmem>>[vector<16xi32>, vector<16xi32>], vector<16xf32>,
      %jit3A_1010 = arith.constant 4 : i32
      %div3A_1011 = arith.divsi %mul3A_177, %jit3A_1010 : i32
      %sign3A_1012 = arith.constant 0 : i32
      %sign3A_1013 = arith.cmpi sgt, %mul3A_177, %sign3A_1012 : i32
      %sign3A_1014 = arith.extui %sign3A_1013 : i1 to i32
      %sign3A_1015 = arith.constant 0 : i32
      %sign3A_1016 = arith.cmpi slt, %mul3A_177, %sign3A_1015 : i32
      %sign3A_1017 = arith.extui %sign3A_1016 : i1 to i32
      %sign3A_1018 = arith.subi %sign3A_1014, %sign3A_1017 : i32
      %sign3A_1019 = arith.constant 0 : i32
      %sign3A_1020 = arith.cmpi sgt, %jit3A_1010, %sign3A_1019 : i32
      %sign3A_1021 = arith.extui %sign3A_1020 : i1 to i32
      %sign3A_1022 = arith.constant 0 : i32
      %sign3A_1023 = arith.cmpi slt, %jit3A_1010, %sign3A_1022 : i32
      %sign3A_1024 = arith.extui %sign3A_1023 : i1 to i32
      %sign3A_1025 = arith.subi %sign3A_1021, %sign3A_1024 : i32
      %ne3A_1026 = arith.cmpi ne, %sign3A_1018, %sign3A_1025 : i32
      %rem3A_1027 = arith.remsi %mul3A_177, %jit3A_1010 : i32
      %ne3A_1028 = arith.constant 0 : i32
      %ne3A_1029 = arith.cmpi ne, %rem3A_1027, %ne3A_1028 : i32
      %and3A_1030 = arith.andi %ne3A_1026, %ne3A_1029 : i1
      %sub3A_1031 = arith.constant 1 : i32
      %sub3A_1032 = arith.subi %div3A_1011, %sub3A_1031 : i32
      %select_n3A_1033 = arith.select %and3A_1030, %sub3A_1032, %div3A_1011 : i32
      %add3A_1034 = vector.broadcast %select_n3A_1033 : i32 to vector<16xi32>
      %add3A_1035 = arith.addi %add3A_1034, %shift_right_logical3A_11 : vector<16xi32>
      %add3A_1036 = arith.constant 28 : i32
      %add3A_1037 = vector.broadcast %add3A_1036 : i32 to vector<16xi32>
      %add3A_1038 = arith.addi %mul3A_17, %add3A_1037 : vector<16xi32>
      %gather3A_1039 = tpu.vector_load_idx %arg6[%add3A_1035, %add3A_1038] : memref<128x128xf32, #tpu.memory_space<vmem>>[vector<16xi32>, vector<16xi32>], vector<16xf32>,
      %jit3A_1040 = arith.constant 4 : i32
      %div3A_1041 = arith.divsi %mul3A_177, %jit3A_1040 : i32
      %sign3A_1042 = arith.constant 0 : i32
      %sign3A_1043 = arith.cmpi sgt, %mul3A_177, %sign3A_1042 : i32
      %sign3A_1044 = arith.extui %sign3A_1043 : i1 to i32
      %sign3A_1045 = arith.constant 0 : i32
      %sign3A_1046 = arith.cmpi slt, %mul3A_177, %sign3A_1045 : i32
      %sign3A_1047 = arith.extui %sign3A_1046 : i1 to i32
      %sign3A_1048 = arith.subi %sign3A_1044, %sign3A_1047 : i32
      %sign3A_1049 = arith.constant 0 : i32
      %sign3A_1050 = arith.cmpi sgt, %jit3A_1040, %sign3A_1049 : i32
      %sign3A_1051 = arith.extui %sign3A_1050 : i1 to i32
      %sign3A_1052 = arith.constant 0 : i32
      %sign3A_1053 = arith.cmpi slt, %jit3A_1040, %sign3A_1052 : i32
      %sign3A_1054 = arith.extui %sign3A_1053 : i1 to i32
      %sign3A_1055 = arith.subi %sign3A_1051, %sign3A_1054 : i32
      %ne3A_1056 = arith.cmpi ne, %sign3A_1048, %sign3A_1055 : i32
      %rem3A_1057 = arith.remsi %mul3A_177, %jit3A_1040 : i32
      %ne3A_1058 = arith.constant 0 : i32
      %ne3A_1059 = arith.cmpi ne, %rem3A_1057, %ne3A_1058 : i32
      %and3A_1060 = arith.andi %ne3A_1056, %ne3A_1059 : i1
      %sub3A_1061 = arith.constant 1 : i32
      %sub3A_1062 = arith.subi %div3A_1041, %sub3A_1061 : i32
      %select_n3A_1063 = arith.select %and3A_1060, %sub3A_1062, %div3A_1041 : i32
      %add3A_1064 = vector.broadcast %select_n3A_1063 : i32 to vector<16xi32>
      %add3A_1065 = arith.addi %add3A_1064, %shift_right_logical3A_11 : vector<16xi32>
      %add3A_1066 = arith.constant 29 : i32
      %add3A_1067 = vector.broadcast %add3A_1066 : i32 to vector<16xi32>
      %add3A_1068 = arith.addi %mul3A_17, %add3A_1067 : vector<16xi32>
      %gather3A_1069 = tpu.vector_load_idx %arg6[%add3A_1065, %add3A_1068] : memref<128x128xf32, #tpu.memory_space<vmem>>[vector<16xi32>, vector<16xi32>], vector<16xf32>,
      %jit3A_1070 = arith.constant 4 : i32
      %div3A_1071 = arith.divsi %mul3A_177, %jit3A_1070 : i32
      %sign3A_1072 = arith.constant 0 : i32
      %sign3A_1073 = arith.cmpi sgt, %mul3A_177, %sign3A_1072 : i32
      %sign3A_1074 = arith.extui %sign3A_1073 : i1 to i32
      %sign3A_1075 = arith.constant 0 : i32
      %sign3A_1076 = arith.cmpi slt, %mul3A_177, %sign3A_1075 : i32
      %sign3A_1077 = arith.extui %sign3A_1076 : i1 to i32
      %sign3A_1078 = arith.subi %sign3A_1074, %sign3A_1077 : i32
      %sign3A_1079 = arith.constant 0 : i32
      %sign3A_1080 = arith.cmpi sgt, %jit3A_1070, %sign3A_1079 : i32
      %sign3A_1081 = arith.extui %sign3A_1080 : i1 to i32
      %sign3A_1082 = arith.constant 0 : i32
      %sign3A_1083 = arith.cmpi slt, %jit3A_1070, %sign3A_1082 : i32
      %sign3A_1084 = arith.extui %sign3A_1083 : i1 to i32
      %sign3A_1085 = arith.subi %sign3A_1081, %sign3A_1084 : i32
      %ne3A_1086 = arith.cmpi ne, %sign3A_1078, %sign3A_1085 : i32
      %rem3A_1087 = arith.remsi %mul3A_177, %jit3A_1070 : i32
      %ne3A_1088 = arith.constant 0 : i32
      %ne3A_1089 = arith.cmpi ne, %rem3A_1087, %ne3A_1088 : i32
      %and3A_1090 = arith.andi %ne3A_1086, %ne3A_1089 : i1
      %sub3A_1091 = arith.constant 1 : i32
      %sub3A_1092 = arith.subi %div3A_1071, %sub3A_1091 : i32
      %select_n3A_1093 = arith.select %and3A_1090, %sub3A_1092, %div3A_1071 : i32
      %add3A_1094 = vector.broadcast %select_n3A_1093 : i32 to vector<16xi32>
      %add3A_1095 = arith.addi %add3A_1094, %shift_right_logical3A_11 : vector<16xi32>
      %add3A_1096 = arith.constant 30 : i32
      %add3A_1097 = vector.broadcast %add3A_1096 : i32 to vector<16xi32>
      %add3A_1098 = arith.addi %mul3A_17, %add3A_1097 : vector<16xi32>
      %gather3A_1099 = tpu.vector_load_idx %arg6[%add3A_1095, %add3A_1098] : memref<128x128xf32, #tpu.memory_space<vmem>>[vector<16xi32>, vector<16xi32>], vector<16xf32>,
      %jit3A_1100 = arith.constant 4 : i32
      %div3A_1101 = arith.divsi %mul3A_177, %jit3A_1100 : i32
      %sign3A_1102 = arith.constant 0 : i32
      %sign3A_1103 = arith.cmpi sgt, %mul3A_177, %sign3A_1102 : i32
      %sign3A_1104 = arith.extui %sign3A_1103 : i1 to i32
      %sign3A_1105 = arith.constant 0 : i32
      %sign3A_1106 = arith.cmpi slt, %mul3A_177, %sign3A_1105 : i32
      %sign3A_1107 = arith.extui %sign3A_1106 : i1 to i32
      %sign3A_1108 = arith.subi %sign3A_1104, %sign3A_1107 : i32
      %sign3A_1109 = arith.constant 0 : i32
      %sign3A_1110 = arith.cmpi sgt, %jit3A_1100, %sign3A_1109 : i32
      %sign3A_1111 = arith.extui %sign3A_1110 : i1 to i32
      %sign3A_1112 = arith.constant 0 : i32
      %sign3A_1113 = arith.cmpi slt, %jit3A_1100, %sign3A_1112 : i32
      %sign3A_1114 = arith.extui %sign3A_1113 : i1 to i32
      %sign3A_1115 = arith.subi %sign3A_1111, %sign3A_1114 : i32
      %ne3A_1116 = arith.cmpi ne, %sign3A_1108, %sign3A_1115 : i32
      %rem3A_1117 = arith.remsi %mul3A_177, %jit3A_1100 : i32
      %ne3A_1118 = arith.constant 0 : i32
      %ne3A_1119 = arith.cmpi ne, %rem3A_1117, %ne3A_1118 : i32
      %and3A_1120 = arith.andi %ne3A_1116, %ne3A_1119 : i1
      %sub3A_1121 = arith.constant 1 : i32
      %sub3A_1122 = arith.subi %div3A_1101, %sub3A_1121 : i32
      %select_n3A_1123 = arith.select %and3A_1120, %sub3A_1122, %div3A_1101 : i32
      %add3A_1124 = vector.broadcast %select_n3A_1123 : i32 to vector<16xi32>
      %add3A_1125 = arith.addi %add3A_1124, %shift_right_logical3A_11 : vector<16xi32>
      %add3A_1126 = arith.constant 31 : i32
      %add3A_1127 = vector.broadcast %add3A_1126 : i32 to vector<16xi32>
      %add3A_1128 = arith.addi %mul3A_17, %add3A_1127 : vector<16xi32>
      %gather3A_1129 = tpu.vector_load_idx %arg6[%add3A_1125, %add3A_1128] : memref<128x128xf32, #tpu.memory_space<vmem>>[vector<16xi32>, vector<16xi32>], vector<16xf32>,
      %mul3A_1130 = arith.constant 400 : i32
      %mul3A_1131 = arith.muli %mul3A_70, %mul3A_1130 : i32
      %add3A_1132 = vector.broadcast %mul3A_1131 : i32 to vector<16xi32>
      %add3A_1133 = arith.addi %add3A_1132, %add3A_21 : vector<16xi32>
      %scan3A_1134 = arith.constant 0 : i32
      %scan3A_1135 = arith.constant 0 : i32
      %scan3A_1136 = arith.constant 25 : i32
      %scan3A_1137 = arith.addi %scan3A_1135, %scan3A_1136 : i32
      %scan3A_1138 = arith.constant 1 : i32
      scf.for %scan3A_2170 = %scan3A_1135 to %scan3A_1137 step %scan3A_1138  : i32 {
        %mul3A_2171 = arith.constant 2 : i32
        %mul3A_2172 = arith.muli %mul3A_2171, %scan3A_2170 : i32
        %add3A_2173 = vector.broadcast %mul3A_2172 : i32 to vector<16xi32>
        %add3A_2174 = arith.addi %add3A_21, %add3A_2173 : vector<16xi32>
        %broadcast_in_dim3A = arith.constant 0 : i32
        %broadcast_in_dim3A_2175 = vector.broadcast %broadcast_in_dim3A : i32 to vector<16xi32>
        %gather3A_2176 = tpu.vector_load_idx %arg8[%add3A_2174, %broadcast_in_dim3A_2175] : memref<400x32xf32, #tpu.memory_space<vmem>>[vector<16xi32>, vector<16xi32>], vector<16xf32>,
        %mul3A_2177 = arith.mulf %gather3A, %gather3A_2176 : vector<16xf32>
        %broadcast_in_dim3A_2178 = arith.constant 1 : i32
        %broadcast_in_dim3A_2179 = vector.broadcast %broadcast_in_dim3A_2178 : i32 to vector<16xi32>
        %gather3A_2180 = tpu.vector_load_idx %arg8[%add3A_2174, %broadcast_in_dim3A_2179] : memref<400x32xf32, #tpu.memory_space<vmem>>[vector<16xi32>, vector<16xi32>], vector<16xf32>,
        %mul3A_2181 = arith.mulf %gather3A_229, %gather3A_2180 : vector<16xf32>
        %broadcast_in_dim3A_2182 = arith.constant 2 : i32
        %broadcast_in_dim3A_2183 = vector.broadcast %broadcast_in_dim3A_2182 : i32 to vector<16xi32>
        %gather3A_2184 = tpu.vector_load_idx %arg8[%add3A_2174, %broadcast_in_dim3A_2183] : memref<400x32xf32, #tpu.memory_space<vmem>>[vector<16xi32>, vector<16xi32>], vector<16xf32>,
        %mul3A_2185 = arith.mulf %gather3A_259, %gather3A_2184 : vector<16xf32>
        %broadcast_in_dim3A_2186 = arith.constant 3 : i32
        %broadcast_in_dim3A_2187 = vector.broadcast %broadcast_in_dim3A_2186 : i32 to vector<16xi32>
        %gather3A_2188 = tpu.vector_load_idx %arg8[%add3A_2174, %broadcast_in_dim3A_2187] : memref<400x32xf32, #tpu.memory_space<vmem>>[vector<16xi32>, vector<16xi32>], vector<16xf32>,
        %mul3A_2189 = arith.mulf %gather3A_289, %gather3A_2188 : vector<16xf32>
        %broadcast_in_dim3A_2190 = arith.constant 4 : i32
        %broadcast_in_dim3A_2191 = vector.broadcast %broadcast_in_dim3A_2190 : i32 to vector<16xi32>
        %gather3A_2192 = tpu.vector_load_idx %arg8[%add3A_2174, %broadcast_in_dim3A_2191] : memref<400x32xf32, #tpu.memory_space<vmem>>[vector<16xi32>, vector<16xi32>], vector<16xf32>,
        %mul3A_2193 = arith.mulf %gather3A_319, %gather3A_2192 : vector<16xf32>
        %broadcast_in_dim3A_2194 = arith.constant 5 : i32
        %broadcast_in_dim3A_2195 = vector.broadcast %broadcast_in_dim3A_2194 : i32 to vector<16xi32>
        %gather3A_2196 = tpu.vector_load_idx %arg8[%add3A_2174, %broadcast_in_dim3A_2195] : memref<400x32xf32, #tpu.memory_space<vmem>>[vector<16xi32>, vector<16xi32>], vector<16xf32>,
        %mul3A_2197 = arith.mulf %gather3A_349, %gather3A_2196 : vector<16xf32>
        %broadcast_in_dim3A_2198 = arith.constant 6 : i32
        %broadcast_in_dim3A_2199 = vector.broadcast %broadcast_in_dim3A_2198 : i32 to vector<16xi32>
        %gather3A_2200 = tpu.vector_load_idx %arg8[%add3A_2174, %broadcast_in_dim3A_2199] : memref<400x32xf32, #tpu.memory_space<vmem>>[vector<16xi32>, vector<16xi32>], vector<16xf32>,
        %mul3A_2201 = arith.mulf %gather3A_379, %gather3A_2200 : vector<16xf32>
        %broadcast_in_dim3A_2202 = arith.constant 7 : i32
        %broadcast_in_dim3A_2203 = vector.broadcast %broadcast_in_dim3A_2202 : i32 to vector<16xi32>
        %gather3A_2204 = tpu.vector_load_idx %arg8[%add3A_2174, %broadcast_in_dim3A_2203] : memref<400x32xf32, #tpu.memory_space<vmem>>[vector<16xi32>, vector<16xi32>], vector<16xf32>,
        %mul3A_2205 = arith.mulf %gather3A_409, %gather3A_2204 : vector<16xf32>
        %broadcast_in_dim3A_2206 = arith.constant 8 : i32
        %broadcast_in_dim3A_2207 = vector.broadcast %broadcast_in_dim3A_2206 : i32 to vector<16xi32>
        %gather3A_2208 = tpu.vector_load_idx %arg8[%add3A_2174, %broadcast_in_dim3A_2207] : memref<400x32xf32, #tpu.memory_space<vmem>>[vector<16xi32>, vector<16xi32>], vector<16xf32>,
        %mul3A_2209 = arith.mulf %gather3A_439, %gather3A_2208 : vector<16xf32>
        %broadcast_in_dim3A_2210 = arith.constant 9 : i32
        %broadcast_in_dim3A_2211 = vector.broadcast %broadcast_in_dim3A_2210 : i32 to vector<16xi32>
        %gather3A_2212 = tpu.vector_load_idx %arg8[%add3A_2174, %broadcast_in_dim3A_2211] : memref<400x32xf32, #tpu.memory_space<vmem>>[vector<16xi32>, vector<16xi32>], vector<16xf32>,
        %mul3A_2213 = arith.mulf %gather3A_469, %gather3A_2212 : vector<16xf32>
        %broadcast_in_dim3A_2214 = arith.constant 10 : i32
        %broadcast_in_dim3A_2215 = vector.broadcast %broadcast_in_dim3A_2214 : i32 to vector<16xi32>
        %gather3A_2216 = tpu.vector_load_idx %arg8[%add3A_2174, %broadcast_in_dim3A_2215] : memref<400x32xf32, #tpu.memory_space<vmem>>[vector<16xi32>, vector<16xi32>], vector<16xf32>,
        %mul3A_2217 = arith.mulf %gather3A_499, %gather3A_2216 : vector<16xf32>
        %broadcast_in_dim3A_2218 = arith.constant 11 : i32
        %broadcast_in_dim3A_2219 = vector.broadcast %broadcast_in_dim3A_2218 : i32 to vector<16xi32>
        %gather3A_2220 = tpu.vector_load_idx %arg8[%add3A_2174, %broadcast_in_dim3A_2219] : memref<400x32xf32, #tpu.memory_space<vmem>>[vector<16xi32>, vector<16xi32>], vector<16xf32>,
        %mul3A_2221 = arith.mulf %gather3A_529, %gather3A_2220 : vector<16xf32>
        %broadcast_in_dim3A_2222 = arith.constant 12 : i32
        %broadcast_in_dim3A_2223 = vector.broadcast %broadcast_in_dim3A_2222 : i32 to vector<16xi32>
        %gather3A_2224 = tpu.vector_load_idx %arg8[%add3A_2174, %broadcast_in_dim3A_2223] : memref<400x32xf32, #tpu.memory_space<vmem>>[vector<16xi32>, vector<16xi32>], vector<16xf32>,
        %mul3A_2225 = arith.mulf %gather3A_559, %gather3A_2224 : vector<16xf32>
        %broadcast_in_dim3A_2226 = arith.constant 13 : i32
        %broadcast_in_dim3A_2227 = vector.broadcast %broadcast_in_dim3A_2226 : i32 to vector<16xi32>
        %gather3A_2228 = tpu.vector_load_idx %arg8[%add3A_2174, %broadcast_in_dim3A_2227] : memref<400x32xf32, #tpu.memory_space<vmem>>[vector<16xi32>, vector<16xi32>], vector<16xf32>,
        %mul3A_2229 = arith.mulf %gather3A_589, %gather3A_2228 : vector<16xf32>
        %broadcast_in_dim3A_2230 = arith.constant 14 : i32
        %broadcast_in_dim3A_2231 = vector.broadcast %broadcast_in_dim3A_2230 : i32 to vector<16xi32>
        %gather3A_2232 = tpu.vector_load_idx %arg8[%add3A_2174, %broadcast_in_dim3A_2231] : memref<400x32xf32, #tpu.memory_space<vmem>>[vector<16xi32>, vector<16xi32>], vector<16xf32>,
        %mul3A_2233 = arith.mulf %gather3A_619, %gather3A_2232 : vector<16xf32>
        %broadcast_in_dim3A_2234 = arith.constant 15 : i32
        %broadcast_in_dim3A_2235 = vector.broadcast %broadcast_in_dim3A_2234 : i32 to vector<16xi32>
        %gather3A_2236 = tpu.vector_load_idx %arg8[%add3A_2174, %broadcast_in_dim3A_2235] : memref<400x32xf32, #tpu.memory_space<vmem>>[vector<16xi32>, vector<16xi32>], vector<16xf32>,
        %mul3A_2237 = arith.mulf %gather3A_649, %gather3A_2236 : vector<16xf32>
        %broadcast_in_dim3A_2238 = arith.constant 16 : i32
        %broadcast_in_dim3A_2239 = vector.broadcast %broadcast_in_dim3A_2238 : i32 to vector<16xi32>
        %gather3A_2240 = tpu.vector_load_idx %arg8[%add3A_2174, %broadcast_in_dim3A_2239] : memref<400x32xf32, #tpu.memory_space<vmem>>[vector<16xi32>, vector<16xi32>], vector<16xf32>,
        %mul3A_2241 = arith.mulf %gather3A_679, %gather3A_2240 : vector<16xf32>
        %broadcast_in_dim3A_2242 = arith.constant 17 : i32
        %broadcast_in_dim3A_2243 = vector.broadcast %broadcast_in_dim3A_2242 : i32 to vector<16xi32>
        %gather3A_2244 = tpu.vector_load_idx %arg8[%add3A_2174, %broadcast_in_dim3A_2243] : memref<400x32xf32, #tpu.memory_space<vmem>>[vector<16xi32>, vector<16xi32>], vector<16xf32>,
        %mul3A_2245 = arith.mulf %gather3A_709, %gather3A_2244 : vector<16xf32>
        %broadcast_in_dim3A_2246 = arith.constant 18 : i32
        %broadcast_in_dim3A_2247 = vector.broadcast %broadcast_in_dim3A_2246 : i32 to vector<16xi32>
        %gather3A_2248 = tpu.vector_load_idx %arg8[%add3A_2174, %broadcast_in_dim3A_2247] : memref<400x32xf32, #tpu.memory_space<vmem>>[vector<16xi32>, vector<16xi32>], vector<16xf32>,
        %mul3A_2249 = arith.mulf %gather3A_739, %gather3A_2248 : vector<16xf32>
        %broadcast_in_dim3A_2250 = arith.constant 19 : i32
        %broadcast_in_dim3A_2251 = vector.broadcast %broadcast_in_dim3A_2250 : i32 to vector<16xi32>
        %gather3A_2252 = tpu.vector_load_idx %arg8[%add3A_2174, %broadcast_in_dim3A_2251] : memref<400x32xf32, #tpu.memory_space<vmem>>[vector<16xi32>, vector<16xi32>], vector<16xf32>,
        %mul3A_2253 = arith.mulf %gather3A_769, %gather3A_2252 : vector<16xf32>
        %broadcast_in_dim3A_2254 = arith.constant 20 : i32
        %broadcast_in_dim3A_2255 = vector.broadcast %broadcast_in_dim3A_2254 : i32 to vector<16xi32>
        %gather3A_2256 = tpu.vector_load_idx %arg8[%add3A_2174, %broadcast_in_dim3A_2255] : memref<400x32xf32, #tpu.memory_space<vmem>>[vector<16xi32>, vector<16xi32>], vector<16xf32>,
        %mul3A_2257 = arith.mulf %gather3A_799, %gather3A_2256 : vector<16xf32>
        %broadcast_in_dim3A_2258 = arith.constant 21 : i32
        %broadcast_in_dim3A_2259 = vector.broadcast %broadcast_in_dim3A_2258 : i32 to vector<16xi32>
        %gather3A_2260 = tpu.vector_load_idx %arg8[%add3A_2174, %broadcast_in_dim3A_2259] : memref<400x32xf32, #tpu.memory_space<vmem>>[vector<16xi32>, vector<16xi32>], vector<16xf32>,
        %mul3A_2261 = arith.mulf %gather3A_829, %gather3A_2260 : vector<16xf32>
        %broadcast_in_dim3A_2262 = arith.constant 22 : i32
        %broadcast_in_dim3A_2263 = vector.broadcast %broadcast_in_dim3A_2262 : i32 to vector<16xi32>
        %gather3A_2264 = tpu.vector_load_idx %arg8[%add3A_2174, %broadcast_in_dim3A_2263] : memref<400x32xf32, #tpu.memory_space<vmem>>[vector<16xi32>, vector<16xi32>], vector<16xf32>,
        %mul3A_2265 = arith.mulf %gather3A_859, %gather3A_2264 : vector<16xf32>
        %broadcast_in_dim3A_2266 = arith.constant 23 : i32
        %broadcast_in_dim3A_2267 = vector.broadcast %broadcast_in_dim3A_2266 : i32 to vector<16xi32>
        %gather3A_2268 = tpu.vector_load_idx %arg8[%add3A_2174, %broadcast_in_dim3A_2267] : memref<400x32xf32, #tpu.memory_space<vmem>>[vector<16xi32>, vector<16xi32>], vector<16xf32>,
        %mul3A_2269 = arith.mulf %gather3A_889, %gather3A_2268 : vector<16xf32>
        %broadcast_in_dim3A_2270 = arith.constant 24 : i32
        %broadcast_in_dim3A_2271 = vector.broadcast %broadcast_in_dim3A_2270 : i32 to vector<16xi32>
        %gather3A_2272 = tpu.vector_load_idx %arg8[%add3A_2174, %broadcast_in_dim3A_2271] : memref<400x32xf32, #tpu.memory_space<vmem>>[vector<16xi32>, vector<16xi32>], vector<16xf32>,
        %mul3A_2273 = arith.mulf %gather3A_919, %gather3A_2272 : vector<16xf32>
        %broadcast_in_dim3A_2274 = arith.constant 25 : i32
        %broadcast_in_dim3A_2275 = vector.broadcast %broadcast_in_dim3A_2274 : i32 to vector<16xi32>
        %gather3A_2276 = tpu.vector_load_idx %arg8[%add3A_2174, %broadcast_in_dim3A_2275] : memref<400x32xf32, #tpu.memory_space<vmem>>[vector<16xi32>, vector<16xi32>], vector<16xf32>,
        %mul3A_2277 = arith.mulf %gather3A_949, %gather3A_2276 : vector<16xf32>
        %broadcast_in_dim3A_2278 = arith.constant 26 : i32
        %broadcast_in_dim3A_2279 = vector.broadcast %broadcast_in_dim3A_2278 : i32 to vector<16xi32>
        %gather3A_2280 = tpu.vector_load_idx %arg8[%add3A_2174, %broadcast_in_dim3A_2279] : memref<400x32xf32, #tpu.memory_space<vmem>>[vector<16xi32>, vector<16xi32>], vector<16xf32>,
        %mul3A_2281 = arith.mulf %gather3A_979, %gather3A_2280 : vector<16xf32>
        %broadcast_in_dim3A_2282 = arith.constant 27 : i32
        %broadcast_in_dim3A_2283 = vector.broadcast %broadcast_in_dim3A_2282 : i32 to vector<16xi32>
        %gather3A_2284 = tpu.vector_load_idx %arg8[%add3A_2174, %broadcast_in_dim3A_2283] : memref<400x32xf32, #tpu.memory_space<vmem>>[vector<16xi32>, vector<16xi32>], vector<16xf32>,
        %mul3A_2285 = arith.mulf %gather3A_1009, %gather3A_2284 : vector<16xf32>
        %broadcast_in_dim3A_2286 = arith.constant 28 : i32
        %broadcast_in_dim3A_2287 = vector.broadcast %broadcast_in_dim3A_2286 : i32 to vector<16xi32>
        %gather3A_2288 = tpu.vector_load_idx %arg8[%add3A_2174, %broadcast_in_dim3A_2287] : memref<400x32xf32, #tpu.memory_space<vmem>>[vector<16xi32>, vector<16xi32>], vector<16xf32>,
        %mul3A_2289 = arith.mulf %gather3A_1039, %gather3A_2288 : vector<16xf32>
        %broadcast_in_dim3A_2290 = arith.constant 29 : i32
        %broadcast_in_dim3A_2291 = vector.broadcast %broadcast_in_dim3A_2290 : i32 to vector<16xi32>
        %gather3A_2292 = tpu.vector_load_idx %arg8[%add3A_2174, %broadcast_in_dim3A_2291] : memref<400x32xf32, #tpu.memory_space<vmem>>[vector<16xi32>, vector<16xi32>], vector<16xf32>,
        %mul3A_2293 = arith.mulf %gather3A_1069, %gather3A_2292 : vector<16xf32>
        %broadcast_in_dim3A_2294 = arith.constant 30 : i32
        %broadcast_in_dim3A_2295 = vector.broadcast %broadcast_in_dim3A_2294 : i32 to vector<16xi32>
        %gather3A_2296 = tpu.vector_load_idx %arg8[%add3A_2174, %broadcast_in_dim3A_2295] : memref<400x32xf32, #tpu.memory_space<vmem>>[vector<16xi32>, vector<16xi32>], vector<16xf32>,
        %mul3A_2297 = arith.mulf %gather3A_1099, %gather3A_2296 : vector<16xf32>
        %broadcast_in_dim3A_2298 = arith.constant 31 : i32
        %broadcast_in_dim3A_2299 = vector.broadcast %broadcast_in_dim3A_2298 : i32 to vector<16xi32>
        %gather3A_2300 = tpu.vector_load_idx %arg8[%add3A_2174, %broadcast_in_dim3A_2299] : memref<400x32xf32, #tpu.memory_space<vmem>>[vector<16xi32>, vector<16xi32>], vector<16xf32>,
        %mul3A_2301 = arith.mulf %gather3A_1129, %gather3A_2300 : vector<16xf32>
        %add3A_2302 = arith.addf %mul3A_2177, %mul3A_2181 : vector<16xf32>
        %add3A_2303 = arith.addf %mul3A_2185, %mul3A_2189 : vector<16xf32>
        %add3A_2304 = arith.addf %mul3A_2193, %mul3A_2197 : vector<16xf32>
        %add3A_2305 = arith.addf %mul3A_2201, %mul3A_2205 : vector<16xf32>
        %add3A_2306 = arith.addf %mul3A_2209, %mul3A_2213 : vector<16xf32>
        %add3A_2307 = arith.addf %mul3A_2217, %mul3A_2221 : vector<16xf32>
        %add3A_2308 = arith.addf %mul3A_2225, %mul3A_2229 : vector<16xf32>
        %add3A_2309 = arith.addf %mul3A_2233, %mul3A_2237 : vector<16xf32>
        %add3A_2310 = arith.addf %mul3A_2241, %mul3A_2245 : vector<16xf32>
        %add3A_2311 = arith.addf %mul3A_2249, %mul3A_2253 : vector<16xf32>
        %add3A_2312 = arith.addf %mul3A_2257, %mul3A_2261 : vector<16xf32>
        %add3A_2313 = arith.addf %mul3A_2265, %mul3A_2269 : vector<16xf32>
        %add3A_2314 = arith.addf %mul3A_2273, %mul3A_2277 : vector<16xf32>
        %add3A_2315 = arith.addf %mul3A_2281, %mul3A_2285 : vector<16xf32>
        %add3A_2316 = arith.addf %mul3A_2289, %mul3A_2293 : vector<16xf32>
        %add3A_2317 = arith.addf %mul3A_2297, %mul3A_2301 : vector<16xf32>
        %add3A_2318 = arith.addf %add3A_2302, %add3A_2303 : vector<16xf32>
        %add3A_2319 = arith.addf %add3A_2304, %add3A_2305 : vector<16xf32>
        %add3A_2320 = arith.addf %add3A_2306, %add3A_2307 : vector<16xf32>
        %add3A_2321 = arith.addf %add3A_2308, %add3A_2309 : vector<16xf32>
        %add3A_2322 = arith.addf %add3A_2310, %add3A_2311 : vector<16xf32>
        %add3A_2323 = arith.addf %add3A_2312, %add3A_2313 : vector<16xf32>
        %add3A_2324 = arith.addf %add3A_2314, %add3A_2315 : vector<16xf32>
        %add3A_2325 = arith.addf %add3A_2316, %add3A_2317 : vector<16xf32>
        %add3A_2326 = arith.addf %add3A_2318, %add3A_2319 : vector<16xf32>
        %add3A_2327 = arith.addf %add3A_2320, %add3A_2321 : vector<16xf32>
        %add3A_2328 = arith.addf %add3A_2322, %add3A_2323 : vector<16xf32>
        %add3A_2329 = arith.addf %add3A_2324, %add3A_2325 : vector<16xf32>
        %add3A_2330 = arith.addf %add3A_2326, %add3A_2327 : vector<16xf32>
        %add3A_2331 = arith.addf %add3A_2328, %add3A_2329 : vector<16xf32>
        %add3A_2332 = arith.addf %add3A_2330, %add3A_2331 : vector<16xf32>
        %mul3A_2333 = arith.constant 2 : i32
        %mul3A_2334 = arith.muli %mul3A_2333, %scan3A_2170 : i32
        %add3A_2335 = vector.broadcast %mul3A_2334 : i32 to vector<16xi32>
        %add3A_2336 = arith.addi %add3A_1133, %add3A_2335 : vector<16xi32>
        tpu.vector_store_idx %arg10[%add3A_2336], %add3A_2332 : memref<25600xf32, #tpu.memory_space<vmem>>[vector<16xi32>], vector<16xf32>,
      }
      %scan3A_1139 = arith.constant 25 : i32
      %lt3A = arith.constant 31 : i32
      %lt3A_1140 = arith.cmpi slt, %scan3A_68, %lt3A : i32
      %convert_element_type3A = arith.extui %lt3A_1140 : i1 to i32
      %cond3A = arith.constant 0 : i32
      %cond3A_1141 = arith.cmpi ne, %convert_element_type3A, %cond3A : i32
      scf.if %cond3A_1141 {
        %add3A_2170 = arith.constant 2 : i32
        %add3A_2171 = arith.addi %mul3A_70, %add3A_2170 : i32
        %mul3A_2172 = arith.constant 4 : i32
        %mul3A_2173 = arith.muli %add3A_2171, %mul3A_2172 : i32
        %add3A_2174 = arith.constant 0 : i32
        %add3A_2175 = arith.addi %mul3A_2173, %add3A_2174 : i32
        %dma_start3A_2176 = arith.constant 0 : i32
        %dma_start3A_2177 = arith.constant 0 : i32
        %dma_start3A_2178 = tpu.memref_slice %arg8[%dma_start3A_2176, %dma_start3A_2177] : memref<400x32xf32, #tpu.memory_space<vmem>> -> memref<100x32xf32, #tpu.memory_space<vmem>>
        %dma_start3A_2179 = arith.constant 0 : i32
        %dma_start3A_2180 = tpu.memref_slice %arg7[%add3A_2175, %dma_start3A_2179] : memref<256x100xi32, #tpu.memory_space<vmem>> -> memref<1x100xi32, #tpu.memory_space<vmem>>
        %dma_start3A_2181 = tpu.memref_squeeze %dma_start3A_2180 : memref<1x100xi32, #tpu.memory_space<vmem>> -> memref<100xi32, #tpu.memory_space<vmem>>
        %dma_start3A_2182 = arith.constant 0 : i32
        %dma_start3A_2183 = arith.constant 0 : i32
        %dma_start3A_2184 = tpu.memref_slice %arg4[%dma_start3A_2182, %dma_start3A_2183] : memref<1015808x32xf32, #tpu.memory_space<hbm>> -> memref<1015808x32xf32, #tpu.memory_space<hbm>>
        tpu.enqueue_indirect_dma source(%dma_start3A_2184 : memref<1015808x32xf32, #tpu.memory_space<hbm>>) target(%dma_start3A_2178 : memref<100x32xf32, #tpu.memory_space<vmem>>) offsets(%dma_start3A_2181 : memref<100xi32, #tpu.memory_space<vmem>>) semaphore(%arg11 : memref<!tpu.dma_semaphore, #tpu.memory_space<semaphore_mem>>)
        %mul3A_2185 = arith.constant 4 : i32
        %mul3A_2186 = arith.muli %add3A_2171, %mul3A_2185 : i32
        %add3A_2187 = arith.constant 1 : i32
        %add3A_2188 = arith.addi %mul3A_2186, %add3A_2187 : i32
        %dma_start3A_2189 = arith.constant 100 : i32
        %dma_start3A_2190 = arith.constant 0 : i32
        %dma_start3A_2191 = tpu.memref_slice %arg8[%dma_start3A_2189, %dma_start3A_2190] : memref<400x32xf32, #tpu.memory_space<vmem>> -> memref<100x32xf32, #tpu.memory_space<vmem>>
        %dma_start3A_2192 = arith.constant 0 : i32
        %dma_start3A_2193 = tpu.memref_slice %arg7[%add3A_2188, %dma_start3A_2192] : memref<256x100xi32, #tpu.memory_space<vmem>> -> memref<1x100xi32, #tpu.memory_space<vmem>>
        %dma_start3A_2194 = tpu.memref_squeeze %dma_start3A_2193 : memref<1x100xi32, #tpu.memory_space<vmem>> -> memref<100xi32, #tpu.memory_space<vmem>>
        %dma_start3A_2195 = arith.constant 0 : i32
        %dma_start3A_2196 = arith.constant 0 : i32
        %dma_start3A_2197 = tpu.memref_slice %arg4[%dma_start3A_2195, %dma_start3A_2196] : memref<1015808x32xf32, #tpu.memory_space<hbm>> -> memref<1015808x32xf32, #tpu.memory_space<hbm>>
        tpu.enqueue_indirect_dma source(%dma_start3A_2197 : memref<1015808x32xf32, #tpu.memory_space<hbm>>) target(%dma_start3A_2191 : memref<100x32xf32, #tpu.memory_space<vmem>>) offsets(%dma_start3A_2194 : memref<100xi32, #tpu.memory_space<vmem>>) semaphore(%arg11 : memref<!tpu.dma_semaphore, #tpu.memory_space<semaphore_mem>>)
        %mul3A_2198 = arith.constant 4 : i32
        %mul3A_2199 = arith.muli %add3A_2171, %mul3A_2198 : i32
        %add3A_2200 = arith.constant 2 : i32
        %add3A_2201 = arith.addi %mul3A_2199, %add3A_2200 : i32
        %dma_start3A_2202 = arith.constant 200 : i32
        %dma_start3A_2203 = arith.constant 0 : i32
        %dma_start3A_2204 = tpu.memref_slice %arg8[%dma_start3A_2202, %dma_start3A_2203] : memref<400x32xf32, #tpu.memory_space<vmem>> -> memref<100x32xf32, #tpu.memory_space<vmem>>
        %dma_start3A_2205 = arith.constant 0 : i32
        %dma_start3A_2206 = tpu.memref_slice %arg7[%add3A_2201, %dma_start3A_2205] : memref<256x100xi32, #tpu.memory_space<vmem>> -> memref<1x100xi32, #tpu.memory_space<vmem>>
        %dma_start3A_2207 = tpu.memref_squeeze %dma_start3A_2206 : memref<1x100xi32, #tpu.memory_space<vmem>> -> memref<100xi32, #tpu.memory_space<vmem>>
        %dma_start3A_2208 = arith.constant 0 : i32
        %dma_start3A_2209 = arith.constant 0 : i32
        %dma_start3A_2210 = tpu.memref_slice %arg4[%dma_start3A_2208, %dma_start3A_2209] : memref<1015808x32xf32, #tpu.memory_space<hbm>> -> memref<1015808x32xf32, #tpu.memory_space<hbm>>
        tpu.enqueue_indirect_dma source(%dma_start3A_2210 : memref<1015808x32xf32, #tpu.memory_space<hbm>>) target(%dma_start3A_2204 : memref<100x32xf32, #tpu.memory_space<vmem>>) offsets(%dma_start3A_2207 : memref<100xi32, #tpu.memory_space<vmem>>) semaphore(%arg11 : memref<!tpu.dma_semaphore, #tpu.memory_space<semaphore_mem>>)
        %mul3A_2211 = arith.constant 4 : i32
        %mul3A_2212 = arith.muli %add3A_2171, %mul3A_2211 : i32
        %add3A_2213 = arith.constant 3 : i32
        %add3A_2214 = arith.addi %mul3A_2212, %add3A_2213 : i32
        %dma_start3A_2215 = arith.constant 300 : i32
        %dma_start3A_2216 = arith.constant 0 : i32
        %dma_start3A_2217 = tpu.memref_slice %arg8[%dma_start3A_2215, %dma_start3A_2216] : memref<400x32xf32, #tpu.memory_space<vmem>> -> memref<100x32xf32, #tpu.memory_space<vmem>>
        %dma_start3A_2218 = arith.constant 0 : i32
        %dma_start3A_2219 = tpu.memref_slice %arg7[%add3A_2214, %dma_start3A_2218] : memref<256x100xi32, #tpu.memory_space<vmem>> -> memref<1x100xi32, #tpu.memory_space<vmem>>
        %dma_start3A_2220 = tpu.memref_squeeze %dma_start3A_2219 : memref<1x100xi32, #tpu.memory_space<vmem>> -> memref<100xi32, #tpu.memory_space<vmem>>
        %dma_start3A_2221 = arith.constant 0 : i32
        %dma_start3A_2222 = arith.constant 0 : i32
        %dma_start3A_2223 = tpu.memref_slice %arg4[%dma_start3A_2221, %dma_start3A_2222] : memref<1015808x32xf32, #tpu.memory_space<hbm>> -> memref<1015808x32xf32, #tpu.memory_space<hbm>>
        tpu.enqueue_indirect_dma source(%dma_start3A_2223 : memref<1015808x32xf32, #tpu.memory_space<hbm>>) target(%dma_start3A_2217 : memref<100x32xf32, #tpu.memory_space<vmem>>) offsets(%dma_start3A_2220 : memref<100xi32, #tpu.memory_space<vmem>>) semaphore(%arg11 : memref<!tpu.dma_semaphore, #tpu.memory_space<semaphore_mem>>)
      } else {
      }
      %add3A_1142 = arith.constant 1 : i32
      %add3A_1143 = arith.addi %mul3A_70, %add3A_1142 : i32
      %mul3A_1144 = arith.constant 4 : i32
      %mul3A_1145 = arith.muli %add3A_1143, %mul3A_1144 : i32
      %add3A_1146 = arith.constant 0 : i32
      %add3A_1147 = arith.addi %mul3A_1145, %add3A_1146 : i32
      %dma_wait3A_1148 = arith.constant 0 : i32
      %dma_wait3A_1149 = arith.constant 0 : i32
      %dma_wait3A_1150 = tpu.memref_slice %arg9[%dma_wait3A_1148, %dma_wait3A_1149] : memref<400x32xf32, #tpu.memory_space<vmem>> -> memref<100x32xf32, #tpu.memory_space<vmem>>
      %dma_wait3A_1151 = arith.constant 0 : i32
      %dma_wait3A_1152 = tpu.memref_slice %arg7[%add3A_1147, %dma_wait3A_1151] : memref<256x100xi32, #tpu.memory_space<vmem>> -> memref<1x100xi32, #tpu.memory_space<vmem>>
      %dma_wait3A_1153 = tpu.memref_squeeze %dma_wait3A_1152 : memref<1x100xi32, #tpu.memory_space<vmem>> -> memref<100xi32, #tpu.memory_space<vmem>>
      %dma_wait3A_1154 = arith.constant 0 : i32
      %dma_wait3A_1155 = arith.constant 0 : i32
      %dma_wait3A_1156 = tpu.memref_slice %arg4[%dma_wait3A_1154, %dma_wait3A_1155] : memref<1015808x32xf32, #tpu.memory_space<hbm>> -> memref<1015808x32xf32, #tpu.memory_space<hbm>>
      tpu.wait_indirect_dma semaphore(%arg12 : memref<!tpu.dma_semaphore, #tpu.memory_space<semaphore_mem>>) src(%dma_wait3A_1156 : memref<1015808x32xf32, #tpu.memory_space<hbm>>) dst(%dma_wait3A_1150 : memref<100x32xf32, #tpu.memory_space<vmem>>)
      %mul3A_1157 = arith.constant 4 : i32
      %mul3A_1158 = arith.muli %add3A_1143, %mul3A_1157 : i32
      %add3A_1159 = arith.constant 1 : i32
      %add3A_1160 = arith.addi %mul3A_1158, %add3A_1159 : i32
      %dma_wait3A_1161 = arith.constant 100 : i32
      %dma_wait3A_1162 = arith.constant 0 : i32
      %dma_wait3A_1163 = tpu.memref_slice %arg9[%dma_wait3A_1161, %dma_wait3A_1162] : memref<400x32xf32, #tpu.memory_space<vmem>> -> memref<100x32xf32, #tpu.memory_space<vmem>>
      %dma_wait3A_1164 = arith.constant 0 : i32
      %dma_wait3A_1165 = tpu.memref_slice %arg7[%add3A_1160, %dma_wait3A_1164] : memref<256x100xi32, #tpu.memory_space<vmem>> -> memref<1x100xi32, #tpu.memory_space<vmem>>
      %dma_wait3A_1166 = tpu.memref_squeeze %dma_wait3A_1165 : memref<1x100xi32, #tpu.memory_space<vmem>> -> memref<100xi32, #tpu.memory_space<vmem>>
      %dma_wait3A_1167 = arith.constant 0 : i32
      %dma_wait3A_1168 = arith.constant 0 : i32
      %dma_wait3A_1169 = tpu.memref_slice %arg4[%dma_wait3A_1167, %dma_wait3A_1168] : memref<1015808x32xf32, #tpu.memory_space<hbm>> -> memref<1015808x32xf32, #tpu.memory_space<hbm>>
      tpu.wait_indirect_dma semaphore(%arg12 : memref<!tpu.dma_semaphore, #tpu.memory_space<semaphore_mem>>) src(%dma_wait3A_1169 : memref<1015808x32xf32, #tpu.memory_space<hbm>>) dst(%dma_wait3A_1163 : memref<100x32xf32, #tpu.memory_space<vmem>>)
      %mul3A_1170 = arith.constant 4 : i32
      %mul3A_1171 = arith.muli %add3A_1143, %mul3A_1170 : i32
      %add3A_1172 = arith.constant 2 : i32
      %add3A_1173 = arith.addi %mul3A_1171, %add3A_1172 : i32
      %dma_wait3A_1174 = arith.constant 200 : i32
      %dma_wait3A_1175 = arith.constant 0 : i32
      %dma_wait3A_1176 = tpu.memref_slice %arg9[%dma_wait3A_1174, %dma_wait3A_1175] : memref<400x32xf32, #tpu.memory_space<vmem>> -> memref<100x32xf32, #tpu.memory_space<vmem>>
      %dma_wait3A_1177 = arith.constant 0 : i32
      %dma_wait3A_1178 = tpu.memref_slice %arg7[%add3A_1173, %dma_wait3A_1177] : memref<256x100xi32, #tpu.memory_space<vmem>> -> memref<1x100xi32, #tpu.memory_space<vmem>>
      %dma_wait3A_1179 = tpu.memref_squeeze %dma_wait3A_1178 : memref<1x100xi32, #tpu.memory_space<vmem>> -> memref<100xi32, #tpu.memory_space<vmem>>
      %dma_wait3A_1180 = arith.constant 0 : i32
      %dma_wait3A_1181 = arith.constant 0 : i32
      %dma_wait3A_1182 = tpu.memref_slice %arg4[%dma_wait3A_1180, %dma_wait3A_1181] : memref<1015808x32xf32, #tpu.memory_space<hbm>> -> memref<1015808x32xf32, #tpu.memory_space<hbm>>
      tpu.wait_indirect_dma semaphore(%arg12 : memref<!tpu.dma_semaphore, #tpu.memory_space<semaphore_mem>>) src(%dma_wait3A_1182 : memref<1015808x32xf32, #tpu.memory_space<hbm>>) dst(%dma_wait3A_1176 : memref<100x32xf32, #tpu.memory_space<vmem>>)
      %mul3A_1183 = arith.constant 4 : i32
      %mul3A_1184 = arith.muli %add3A_1143, %mul3A_1183 : i32
      %add3A_1185 = arith.constant 3 : i32
      %add3A_1186 = arith.addi %mul3A_1184, %add3A_1185 : i32
      %dma_wait3A_1187 = arith.constant 300 : i32
      %dma_wait3A_1188 = arith.constant 0 : i32
      %dma_wait3A_1189 = tpu.memref_slice %arg9[%dma_wait3A_1187, %dma_wait3A_1188] : memref<400x32xf32, #tpu.memory_space<vmem>> -> memref<100x32xf32, #tpu.memory_space<vmem>>
      %dma_wait3A_1190 = arith.constant 0 : i32
      %dma_wait3A_1191 = tpu.memref_slice %arg7[%add3A_1186, %dma_wait3A_1190] : memref<256x100xi32, #tpu.memory_space<vmem>> -> memref<1x100xi32, #tpu.memory_space<vmem>>
      %dma_wait3A_1192 = tpu.memref_squeeze %dma_wait3A_1191 : memref<1x100xi32, #tpu.memory_space<vmem>> -> memref<100xi32, #tpu.memory_space<vmem>>
      %dma_wait3A_1193 = arith.constant 0 : i32
      %dma_wait3A_1194 = arith.constant 0 : i32
      %dma_wait3A_1195 = tpu.memref_slice %arg4[%dma_wait3A_1193, %dma_wait3A_1194] : memref<1015808x32xf32, #tpu.memory_space<hbm>> -> memref<1015808x32xf32, #tpu.memory_space<hbm>>
      tpu.wait_indirect_dma semaphore(%arg12 : memref<!tpu.dma_semaphore, #tpu.memory_space<semaphore_mem>>) src(%dma_wait3A_1195 : memref<1015808x32xf32, #tpu.memory_space<hbm>>) dst(%dma_wait3A_1189 : memref<100x32xf32, #tpu.memory_space<vmem>>)
      %add3A_1196 = arith.constant 1 : i32
      %add3A_1197 = arith.addi %mul3A_70, %add3A_1196 : i32
      %mul3A_1198 = arith.constant 8 : i32
      %mul3A_1199 = arith.muli %add3A_1197, %mul3A_1198 : i32
      %jit3A_1200 = arith.constant 4 : i32
      %div3A_1201 = arith.divsi %mul3A_1199, %jit3A_1200 : i32
      %sign3A_1202 = arith.constant 0 : i32
      %sign3A_1203 = arith.cmpi sgt, %mul3A_1199, %sign3A_1202 : i32
      %sign3A_1204 = arith.extui %sign3A_1203 : i1 to i32
      %sign3A_1205 = arith.constant 0 : i32
      %sign3A_1206 = arith.cmpi slt, %mul3A_1199, %sign3A_1205 : i32
      %sign3A_1207 = arith.extui %sign3A_1206 : i1 to i32
      %sign3A_1208 = arith.subi %sign3A_1204, %sign3A_1207 : i32
      %sign3A_1209 = arith.constant 0 : i32
      %sign3A_1210 = arith.cmpi sgt, %jit3A_1200, %sign3A_1209 : i32
      %sign3A_1211 = arith.extui %sign3A_1210 : i1 to i32
      %sign3A_1212 = arith.constant 0 : i32
      %sign3A_1213 = arith.cmpi slt, %jit3A_1200, %sign3A_1212 : i32
      %sign3A_1214 = arith.extui %sign3A_1213 : i1 to i32
      %sign3A_1215 = arith.subi %sign3A_1211, %sign3A_1214 : i32
      %ne3A_1216 = arith.cmpi ne, %sign3A_1208, %sign3A_1215 : i32
      %rem3A_1217 = arith.remsi %mul3A_1199, %jit3A_1200 : i32
      %ne3A_1218 = arith.constant 0 : i32
      %ne3A_1219 = arith.cmpi ne, %rem3A_1217, %ne3A_1218 : i32
      %and3A_1220 = arith.andi %ne3A_1216, %ne3A_1219 : i1
      %sub3A_1221 = arith.constant 1 : i32
      %sub3A_1222 = arith.subi %div3A_1201, %sub3A_1221 : i32
      %select_n3A_1223 = arith.select %and3A_1220, %sub3A_1222, %div3A_1201 : i32
      %add3A_1224 = vector.broadcast %select_n3A_1223 : i32 to vector<16xi32>
      %add3A_1225 = arith.addi %add3A_1224, %shift_right_logical3A_11 : vector<16xi32>
      %add3A_1226 = arith.constant 0 : i32
      %add3A_1227 = vector.broadcast %add3A_1226 : i32 to vector<16xi32>
      %add3A_1228 = arith.addi %mul3A_17, %add3A_1227 : vector<16xi32>
      %gather3A_1229 = tpu.vector_load_idx %arg6[%add3A_1225, %add3A_1228] : memref<128x128xf32, #tpu.memory_space<vmem>>[vector<16xi32>, vector<16xi32>], vector<16xf32>,
      %jit3A_1230 = arith.constant 4 : i32
      %div3A_1231 = arith.divsi %mul3A_1199, %jit3A_1230 : i32
      %sign3A_1232 = arith.constant 0 : i32
      %sign3A_1233 = arith.cmpi sgt, %mul3A_1199, %sign3A_1232 : i32
      %sign3A_1234 = arith.extui %sign3A_1233 : i1 to i32
      %sign3A_1235 = arith.constant 0 : i32
      %sign3A_1236 = arith.cmpi slt, %mul3A_1199, %sign3A_1235 : i32
      %sign3A_1237 = arith.extui %sign3A_1236 : i1 to i32
      %sign3A_1238 = arith.subi %sign3A_1234, %sign3A_1237 : i32
      %sign3A_1239 = arith.constant 0 : i32
      %sign3A_1240 = arith.cmpi sgt, %jit3A_1230, %sign3A_1239 : i32
      %sign3A_1241 = arith.extui %sign3A_1240 : i1 to i32
      %sign3A_1242 = arith.constant 0 : i32
      %sign3A_1243 = arith.cmpi slt, %jit3A_1230, %sign3A_1242 : i32
      %sign3A_1244 = arith.extui %sign3A_1243 : i1 to i32
      %sign3A_1245 = arith.subi %sign3A_1241, %sign3A_1244 : i32
      %ne3A_1246 = arith.cmpi ne, %sign3A_1238, %sign3A_1245 : i32
      %rem3A_1247 = arith.remsi %mul3A_1199, %jit3A_1230 : i32
      %ne3A_1248 = arith.constant 0 : i32
      %ne3A_1249 = arith.cmpi ne, %rem3A_1247, %ne3A_1248 : i32
      %and3A_1250 = arith.andi %ne3A_1246, %ne3A_1249 : i1
      %sub3A_1251 = arith.constant 1 : i32
      %sub3A_1252 = arith.subi %div3A_1231, %sub3A_1251 : i32
      %select_n3A_1253 = arith.select %and3A_1250, %sub3A_1252, %div3A_1231 : i32
      %add3A_1254 = vector.broadcast %select_n3A_1253 : i32 to vector<16xi32>
      %add3A_1255 = arith.addi %add3A_1254, %shift_right_logical3A_11 : vector<16xi32>
      %add3A_1256 = arith.constant 1 : i32
      %add3A_1257 = vector.broadcast %add3A_1256 : i32 to vector<16xi32>
      %add3A_1258 = arith.addi %mul3A_17, %add3A_1257 : vector<16xi32>
      %gather3A_1259 = tpu.vector_load_idx %arg6[%add3A_1255, %add3A_1258] : memref<128x128xf32, #tpu.memory_space<vmem>>[vector<16xi32>, vector<16xi32>], vector<16xf32>,
      %jit3A_1260 = arith.constant 4 : i32
      %div3A_1261 = arith.divsi %mul3A_1199, %jit3A_1260 : i32
      %sign3A_1262 = arith.constant 0 : i32
      %sign3A_1263 = arith.cmpi sgt, %mul3A_1199, %sign3A_1262 : i32
      %sign3A_1264 = arith.extui %sign3A_1263 : i1 to i32
      %sign3A_1265 = arith.constant 0 : i32
      %sign3A_1266 = arith.cmpi slt, %mul3A_1199, %sign3A_1265 : i32
      %sign3A_1267 = arith.extui %sign3A_1266 : i1 to i32
      %sign3A_1268 = arith.subi %sign3A_1264, %sign3A_1267 : i32
      %sign3A_1269 = arith.constant 0 : i32
      %sign3A_1270 = arith.cmpi sgt, %jit3A_1260, %sign3A_1269 : i32
      %sign3A_1271 = arith.extui %sign3A_1270 : i1 to i32
      %sign3A_1272 = arith.constant 0 : i32
      %sign3A_1273 = arith.cmpi slt, %jit3A_1260, %sign3A_1272 : i32
      %sign3A_1274 = arith.extui %sign3A_1273 : i1 to i32
      %sign3A_1275 = arith.subi %sign3A_1271, %sign3A_1274 : i32
      %ne3A_1276 = arith.cmpi ne, %sign3A_1268, %sign3A_1275 : i32
      %rem3A_1277 = arith.remsi %mul3A_1199, %jit3A_1260 : i32
      %ne3A_1278 = arith.constant 0 : i32
      %ne3A_1279 = arith.cmpi ne, %rem3A_1277, %ne3A_1278 : i32
      %and3A_1280 = arith.andi %ne3A_1276, %ne3A_1279 : i1
      %sub3A_1281 = arith.constant 1 : i32
      %sub3A_1282 = arith.subi %div3A_1261, %sub3A_1281 : i32
      %select_n3A_1283 = arith.select %and3A_1280, %sub3A_1282, %div3A_1261 : i32
      %add3A_1284 = vector.broadcast %select_n3A_1283 : i32 to vector<16xi32>
      %add3A_1285 = arith.addi %add3A_1284, %shift_right_logical3A_11 : vector<16xi32>
      %add3A_1286 = arith.constant 2 : i32
      %add3A_1287 = vector.broadcast %add3A_1286 : i32 to vector<16xi32>
      %add3A_1288 = arith.addi %mul3A_17, %add3A_1287 : vector<16xi32>
      %gather3A_1289 = tpu.vector_load_idx %arg6[%add3A_1285, %add3A_1288] : memref<128x128xf32, #tpu.memory_space<vmem>>[vector<16xi32>, vector<16xi32>], vector<16xf32>,
      %jit3A_1290 = arith.constant 4 : i32
      %div3A_1291 = arith.divsi %mul3A_1199, %jit3A_1290 : i32
      %sign3A_1292 = arith.constant 0 : i32
      %sign3A_1293 = arith.cmpi sgt, %mul3A_1199, %sign3A_1292 : i32
      %sign3A_1294 = arith.extui %sign3A_1293 : i1 to i32
      %sign3A_1295 = arith.constant 0 : i32
      %sign3A_1296 = arith.cmpi slt, %mul3A_1199, %sign3A_1295 : i32
      %sign3A_1297 = arith.extui %sign3A_1296 : i1 to i32
      %sign3A_1298 = arith.subi %sign3A_1294, %sign3A_1297 : i32
      %sign3A_1299 = arith.constant 0 : i32
      %sign3A_1300 = arith.cmpi sgt, %jit3A_1290, %sign3A_1299 : i32
      %sign3A_1301 = arith.extui %sign3A_1300 : i1 to i32
      %sign3A_1302 = arith.constant 0 : i32
      %sign3A_1303 = arith.cmpi slt, %jit3A_1290, %sign3A_1302 : i32
      %sign3A_1304 = arith.extui %sign3A_1303 : i1 to i32
      %sign3A_1305 = arith.subi %sign3A_1301, %sign3A_1304 : i32
      %ne3A_1306 = arith.cmpi ne, %sign3A_1298, %sign3A_1305 : i32
      %rem3A_1307 = arith.remsi %mul3A_1199, %jit3A_1290 : i32
      %ne3A_1308 = arith.constant 0 : i32
      %ne3A_1309 = arith.cmpi ne, %rem3A_1307, %ne3A_1308 : i32
      %and3A_1310 = arith.andi %ne3A_1306, %ne3A_1309 : i1
      %sub3A_1311 = arith.constant 1 : i32
      %sub3A_1312 = arith.subi %div3A_1291, %sub3A_1311 : i32
      %select_n3A_1313 = arith.select %and3A_1310, %sub3A_1312, %div3A_1291 : i32
      %add3A_1314 = vector.broadcast %select_n3A_1313 : i32 to vector<16xi32>
      %add3A_1315 = arith.addi %add3A_1314, %shift_right_logical3A_11 : vector<16xi32>
      %add3A_1316 = arith.constant 3 : i32
      %add3A_1317 = vector.broadcast %add3A_1316 : i32 to vector<16xi32>
      %add3A_1318 = arith.addi %mul3A_17, %add3A_1317 : vector<16xi32>
      %gather3A_1319 = tpu.vector_load_idx %arg6[%add3A_1315, %add3A_1318] : memref<128x128xf32, #tpu.memory_space<vmem>>[vector<16xi32>, vector<16xi32>], vector<16xf32>,
      %jit3A_1320 = arith.constant 4 : i32
      %div3A_1321 = arith.divsi %mul3A_1199, %jit3A_1320 : i32
      %sign3A_1322 = arith.constant 0 : i32
      %sign3A_1323 = arith.cmpi sgt, %mul3A_1199, %sign3A_1322 : i32
      %sign3A_1324 = arith.extui %sign3A_1323 : i1 to i32
      %sign3A_1325 = arith.constant 0 : i32
      %sign3A_1326 = arith.cmpi slt, %mul3A_1199, %sign3A_1325 : i32
      %sign3A_1327 = arith.extui %sign3A_1326 : i1 to i32
      %sign3A_1328 = arith.subi %sign3A_1324, %sign3A_1327 : i32
      %sign3A_1329 = arith.constant 0 : i32
      %sign3A_1330 = arith.cmpi sgt, %jit3A_1320, %sign3A_1329 : i32
      %sign3A_1331 = arith.extui %sign3A_1330 : i1 to i32
      %sign3A_1332 = arith.constant 0 : i32
      %sign3A_1333 = arith.cmpi slt, %jit3A_1320, %sign3A_1332 : i32
      %sign3A_1334 = arith.extui %sign3A_1333 : i1 to i32
      %sign3A_1335 = arith.subi %sign3A_1331, %sign3A_1334 : i32
      %ne3A_1336 = arith.cmpi ne, %sign3A_1328, %sign3A_1335 : i32
      %rem3A_1337 = arith.remsi %mul3A_1199, %jit3A_1320 : i32
      %ne3A_1338 = arith.constant 0 : i32
      %ne3A_1339 = arith.cmpi ne, %rem3A_1337, %ne3A_1338 : i32
      %and3A_1340 = arith.andi %ne3A_1336, %ne3A_1339 : i1
      %sub3A_1341 = arith.constant 1 : i32
      %sub3A_1342 = arith.subi %div3A_1321, %sub3A_1341 : i32
      %select_n3A_1343 = arith.select %and3A_1340, %sub3A_1342, %div3A_1321 : i32
      %add3A_1344 = vector.broadcast %select_n3A_1343 : i32 to vector<16xi32>
      %add3A_1345 = arith.addi %add3A_1344, %shift_right_logical3A_11 : vector<16xi32>
      %add3A_1346 = arith.constant 4 : i32
      %add3A_1347 = vector.broadcast %add3A_1346 : i32 to vector<16xi32>
      %add3A_1348 = arith.addi %mul3A_17, %add3A_1347 : vector<16xi32>
      %gather3A_1349 = tpu.vector_load_idx %arg6[%add3A_1345, %add3A_1348] : memref<128x128xf32, #tpu.memory_space<vmem>>[vector<16xi32>, vector<16xi32>], vector<16xf32>,
      %jit3A_1350 = arith.constant 4 : i32
      %div3A_1351 = arith.divsi %mul3A_1199, %jit3A_1350 : i32
      %sign3A_1352 = arith.constant 0 : i32
      %sign3A_1353 = arith.cmpi sgt, %mul3A_1199, %sign3A_1352 : i32
      %sign3A_1354 = arith.extui %sign3A_1353 : i1 to i32
      %sign3A_1355 = arith.constant 0 : i32
      %sign3A_1356 = arith.cmpi slt, %mul3A_1199, %sign3A_1355 : i32
      %sign3A_1357 = arith.extui %sign3A_1356 : i1 to i32
      %sign3A_1358 = arith.subi %sign3A_1354, %sign3A_1357 : i32
      %sign3A_1359 = arith.constant 0 : i32
      %sign3A_1360 = arith.cmpi sgt, %jit3A_1350, %sign3A_1359 : i32
      %sign3A_1361 = arith.extui %sign3A_1360 : i1 to i32
      %sign3A_1362 = arith.constant 0 : i32
      %sign3A_1363 = arith.cmpi slt, %jit3A_1350, %sign3A_1362 : i32
      %sign3A_1364 = arith.extui %sign3A_1363 : i1 to i32
      %sign3A_1365 = arith.subi %sign3A_1361, %sign3A_1364 : i32
      %ne3A_1366 = arith.cmpi ne, %sign3A_1358, %sign3A_1365 : i32
      %rem3A_1367 = arith.remsi %mul3A_1199, %jit3A_1350 : i32
      %ne3A_1368 = arith.constant 0 : i32
      %ne3A_1369 = arith.cmpi ne, %rem3A_1367, %ne3A_1368 : i32
      %and3A_1370 = arith.andi %ne3A_1366, %ne3A_1369 : i1
      %sub3A_1371 = arith.constant 1 : i32
      %sub3A_1372 = arith.subi %div3A_1351, %sub3A_1371 : i32
      %select_n3A_1373 = arith.select %and3A_1370, %sub3A_1372, %div3A_1351 : i32
      %add3A_1374 = vector.broadcast %select_n3A_1373 : i32 to vector<16xi32>
      %add3A_1375 = arith.addi %add3A_1374, %shift_right_logical3A_11 : vector<16xi32>
      %add3A_1376 = arith.constant 5 : i32
      %add3A_1377 = vector.broadcast %add3A_1376 : i32 to vector<16xi32>
      %add3A_1378 = arith.addi %mul3A_17, %add3A_1377 : vector<16xi32>
      %gather3A_1379 = tpu.vector_load_idx %arg6[%add3A_1375, %add3A_1378] : memref<128x128xf32, #tpu.memory_space<vmem>>[vector<16xi32>, vector<16xi32>], vector<16xf32>,
      %jit3A_1380 = arith.constant 4 : i32
      %div3A_1381 = arith.divsi %mul3A_1199, %jit3A_1380 : i32
      %sign3A_1382 = arith.constant 0 : i32
      %sign3A_1383 = arith.cmpi sgt, %mul3A_1199, %sign3A_1382 : i32
      %sign3A_1384 = arith.extui %sign3A_1383 : i1 to i32
      %sign3A_1385 = arith.constant 0 : i32
      %sign3A_1386 = arith.cmpi slt, %mul3A_1199, %sign3A_1385 : i32
      %sign3A_1387 = arith.extui %sign3A_1386 : i1 to i32
      %sign3A_1388 = arith.subi %sign3A_1384, %sign3A_1387 : i32
      %sign3A_1389 = arith.constant 0 : i32
      %sign3A_1390 = arith.cmpi sgt, %jit3A_1380, %sign3A_1389 : i32
      %sign3A_1391 = arith.extui %sign3A_1390 : i1 to i32
      %sign3A_1392 = arith.constant 0 : i32
      %sign3A_1393 = arith.cmpi slt, %jit3A_1380, %sign3A_1392 : i32
      %sign3A_1394 = arith.extui %sign3A_1393 : i1 to i32
      %sign3A_1395 = arith.subi %sign3A_1391, %sign3A_1394 : i32
      %ne3A_1396 = arith.cmpi ne, %sign3A_1388, %sign3A_1395 : i32
      %rem3A_1397 = arith.remsi %mul3A_1199, %jit3A_1380 : i32
      %ne3A_1398 = arith.constant 0 : i32
      %ne3A_1399 = arith.cmpi ne, %rem3A_1397, %ne3A_1398 : i32
      %and3A_1400 = arith.andi %ne3A_1396, %ne3A_1399 : i1
      %sub3A_1401 = arith.constant 1 : i32
      %sub3A_1402 = arith.subi %div3A_1381, %sub3A_1401 : i32
      %select_n3A_1403 = arith.select %and3A_1400, %sub3A_1402, %div3A_1381 : i32
      %add3A_1404 = vector.broadcast %select_n3A_1403 : i32 to vector<16xi32>
      %add3A_1405 = arith.addi %add3A_1404, %shift_right_logical3A_11 : vector<16xi32>
      %add3A_1406 = arith.constant 6 : i32
      %add3A_1407 = vector.broadcast %add3A_1406 : i32 to vector<16xi32>
      %add3A_1408 = arith.addi %mul3A_17, %add3A_1407 : vector<16xi32>
      %gather3A_1409 = tpu.vector_load_idx %arg6[%add3A_1405, %add3A_1408] : memref<128x128xf32, #tpu.memory_space<vmem>>[vector<16xi32>, vector<16xi32>], vector<16xf32>,
      %jit3A_1410 = arith.constant 4 : i32
      %div3A_1411 = arith.divsi %mul3A_1199, %jit3A_1410 : i32
      %sign3A_1412 = arith.constant 0 : i32
      %sign3A_1413 = arith.cmpi sgt, %mul3A_1199, %sign3A_1412 : i32
      %sign3A_1414 = arith.extui %sign3A_1413 : i1 to i32
      %sign3A_1415 = arith.constant 0 : i32
      %sign3A_1416 = arith.cmpi slt, %mul3A_1199, %sign3A_1415 : i32
      %sign3A_1417 = arith.extui %sign3A_1416 : i1 to i32
      %sign3A_1418 = arith.subi %sign3A_1414, %sign3A_1417 : i32
      %sign3A_1419 = arith.constant 0 : i32
      %sign3A_1420 = arith.cmpi sgt, %jit3A_1410, %sign3A_1419 : i32
      %sign3A_1421 = arith.extui %sign3A_1420 : i1 to i32
      %sign3A_1422 = arith.constant 0 : i32
      %sign3A_1423 = arith.cmpi slt, %jit3A_1410, %sign3A_1422 : i32
      %sign3A_1424 = arith.extui %sign3A_1423 : i1 to i32
      %sign3A_1425 = arith.subi %sign3A_1421, %sign3A_1424 : i32
      %ne3A_1426 = arith.cmpi ne, %sign3A_1418, %sign3A_1425 : i32
      %rem3A_1427 = arith.remsi %mul3A_1199, %jit3A_1410 : i32
      %ne3A_1428 = arith.constant 0 : i32
      %ne3A_1429 = arith.cmpi ne, %rem3A_1427, %ne3A_1428 : i32
      %and3A_1430 = arith.andi %ne3A_1426, %ne3A_1429 : i1
      %sub3A_1431 = arith.constant 1 : i32
      %sub3A_1432 = arith.subi %div3A_1411, %sub3A_1431 : i32
      %select_n3A_1433 = arith.select %and3A_1430, %sub3A_1432, %div3A_1411 : i32
      %add3A_1434 = vector.broadcast %select_n3A_1433 : i32 to vector<16xi32>
      %add3A_1435 = arith.addi %add3A_1434, %shift_right_logical3A_11 : vector<16xi32>
      %add3A_1436 = arith.constant 7 : i32
      %add3A_1437 = vector.broadcast %add3A_1436 : i32 to vector<16xi32>
      %add3A_1438 = arith.addi %mul3A_17, %add3A_1437 : vector<16xi32>
      %gather3A_1439 = tpu.vector_load_idx %arg6[%add3A_1435, %add3A_1438] : memref<128x128xf32, #tpu.memory_space<vmem>>[vector<16xi32>, vector<16xi32>], vector<16xf32>,
      %jit3A_1440 = arith.constant 4 : i32
      %div3A_1441 = arith.divsi %mul3A_1199, %jit3A_1440 : i32
      %sign3A_1442 = arith.constant 0 : i32
      %sign3A_1443 = arith.cmpi sgt, %mul3A_1199, %sign3A_1442 : i32
      %sign3A_1444 = arith.extui %sign3A_1443 : i1 to i32
      %sign3A_1445 = arith.constant 0 : i32
      %sign3A_1446 = arith.cmpi slt, %mul3A_1199, %sign3A_1445 : i32
      %sign3A_1447 = arith.extui %sign3A_1446 : i1 to i32
      %sign3A_1448 = arith.subi %sign3A_1444, %sign3A_1447 : i32
      %sign3A_1449 = arith.constant 0 : i32
      %sign3A_1450 = arith.cmpi sgt, %jit3A_1440, %sign3A_1449 : i32
      %sign3A_1451 = arith.extui %sign3A_1450 : i1 to i32
      %sign3A_1452 = arith.constant 0 : i32
      %sign3A_1453 = arith.cmpi slt, %jit3A_1440, %sign3A_1452 : i32
      %sign3A_1454 = arith.extui %sign3A_1453 : i1 to i32
      %sign3A_1455 = arith.subi %sign3A_1451, %sign3A_1454 : i32
      %ne3A_1456 = arith.cmpi ne, %sign3A_1448, %sign3A_1455 : i32
      %rem3A_1457 = arith.remsi %mul3A_1199, %jit3A_1440 : i32
      %ne3A_1458 = arith.constant 0 : i32
      %ne3A_1459 = arith.cmpi ne, %rem3A_1457, %ne3A_1458 : i32
      %and3A_1460 = arith.andi %ne3A_1456, %ne3A_1459 : i1
      %sub3A_1461 = arith.constant 1 : i32
      %sub3A_1462 = arith.subi %div3A_1441, %sub3A_1461 : i32
      %select_n3A_1463 = arith.select %and3A_1460, %sub3A_1462, %div3A_1441 : i32
      %add3A_1464 = vector.broadcast %select_n3A_1463 : i32 to vector<16xi32>
      %add3A_1465 = arith.addi %add3A_1464, %shift_right_logical3A_11 : vector<16xi32>
      %add3A_1466 = arith.constant 8 : i32
      %add3A_1467 = vector.broadcast %add3A_1466 : i32 to vector<16xi32>
      %add3A_1468 = arith.addi %mul3A_17, %add3A_1467 : vector<16xi32>
      %gather3A_1469 = tpu.vector_load_idx %arg6[%add3A_1465, %add3A_1468] : memref<128x128xf32, #tpu.memory_space<vmem>>[vector<16xi32>, vector<16xi32>], vector<16xf32>,
      %jit3A_1470 = arith.constant 4 : i32
      %div3A_1471 = arith.divsi %mul3A_1199, %jit3A_1470 : i32
      %sign3A_1472 = arith.constant 0 : i32
      %sign3A_1473 = arith.cmpi sgt, %mul3A_1199, %sign3A_1472 : i32
      %sign3A_1474 = arith.extui %sign3A_1473 : i1 to i32
      %sign3A_1475 = arith.constant 0 : i32
      %sign3A_1476 = arith.cmpi slt, %mul3A_1199, %sign3A_1475 : i32
      %sign3A_1477 = arith.extui %sign3A_1476 : i1 to i32
      %sign3A_1478 = arith.subi %sign3A_1474, %sign3A_1477 : i32
      %sign3A_1479 = arith.constant 0 : i32
      %sign3A_1480 = arith.cmpi sgt, %jit3A_1470, %sign3A_1479 : i32
      %sign3A_1481 = arith.extui %sign3A_1480 : i1 to i32
      %sign3A_1482 = arith.constant 0 : i32
      %sign3A_1483 = arith.cmpi slt, %jit3A_1470, %sign3A_1482 : i32
      %sign3A_1484 = arith.extui %sign3A_1483 : i1 to i32
      %sign3A_1485 = arith.subi %sign3A_1481, %sign3A_1484 : i32
      %ne3A_1486 = arith.cmpi ne, %sign3A_1478, %sign3A_1485 : i32
      %rem3A_1487 = arith.remsi %mul3A_1199, %jit3A_1470 : i32
      %ne3A_1488 = arith.constant 0 : i32
      %ne3A_1489 = arith.cmpi ne, %rem3A_1487, %ne3A_1488 : i32
      %and3A_1490 = arith.andi %ne3A_1486, %ne3A_1489 : i1
      %sub3A_1491 = arith.constant 1 : i32
      %sub3A_1492 = arith.subi %div3A_1471, %sub3A_1491 : i32
      %select_n3A_1493 = arith.select %and3A_1490, %sub3A_1492, %div3A_1471 : i32
      %add3A_1494 = vector.broadcast %select_n3A_1493 : i32 to vector<16xi32>
      %add3A_1495 = arith.addi %add3A_1494, %shift_right_logical3A_11 : vector<16xi32>
      %add3A_1496 = arith.constant 9 : i32
      %add3A_1497 = vector.broadcast %add3A_1496 : i32 to vector<16xi32>
      %add3A_1498 = arith.addi %mul3A_17, %add3A_1497 : vector<16xi32>
      %gather3A_1499 = tpu.vector_load_idx %arg6[%add3A_1495, %add3A_1498] : memref<128x128xf32, #tpu.memory_space<vmem>>[vector<16xi32>, vector<16xi32>], vector<16xf32>,
      %jit3A_1500 = arith.constant 4 : i32
      %div3A_1501 = arith.divsi %mul3A_1199, %jit3A_1500 : i32
      %sign3A_1502 = arith.constant 0 : i32
      %sign3A_1503 = arith.cmpi sgt, %mul3A_1199, %sign3A_1502 : i32
      %sign3A_1504 = arith.extui %sign3A_1503 : i1 to i32
      %sign3A_1505 = arith.constant 0 : i32
      %sign3A_1506 = arith.cmpi slt, %mul3A_1199, %sign3A_1505 : i32
      %sign3A_1507 = arith.extui %sign3A_1506 : i1 to i32
      %sign3A_1508 = arith.subi %sign3A_1504, %sign3A_1507 : i32
      %sign3A_1509 = arith.constant 0 : i32
      %sign3A_1510 = arith.cmpi sgt, %jit3A_1500, %sign3A_1509 : i32
      %sign3A_1511 = arith.extui %sign3A_1510 : i1 to i32
      %sign3A_1512 = arith.constant 0 : i32
      %sign3A_1513 = arith.cmpi slt, %jit3A_1500, %sign3A_1512 : i32
      %sign3A_1514 = arith.extui %sign3A_1513 : i1 to i32
      %sign3A_1515 = arith.subi %sign3A_1511, %sign3A_1514 : i32
      %ne3A_1516 = arith.cmpi ne, %sign3A_1508, %sign3A_1515 : i32
      %rem3A_1517 = arith.remsi %mul3A_1199, %jit3A_1500 : i32
      %ne3A_1518 = arith.constant 0 : i32
      %ne3A_1519 = arith.cmpi ne, %rem3A_1517, %ne3A_1518 : i32
      %and3A_1520 = arith.andi %ne3A_1516, %ne3A_1519 : i1
      %sub3A_1521 = arith.constant 1 : i32
      %sub3A_1522 = arith.subi %div3A_1501, %sub3A_1521 : i32
      %select_n3A_1523 = arith.select %and3A_1520, %sub3A_1522, %div3A_1501 : i32
      %add3A_1524 = vector.broadcast %select_n3A_1523 : i32 to vector<16xi32>
      %add3A_1525 = arith.addi %add3A_1524, %shift_right_logical3A_11 : vector<16xi32>
      %add3A_1526 = arith.constant 10 : i32
      %add3A_1527 = vector.broadcast %add3A_1526 : i32 to vector<16xi32>
      %add3A_1528 = arith.addi %mul3A_17, %add3A_1527 : vector<16xi32>
      %gather3A_1529 = tpu.vector_load_idx %arg6[%add3A_1525, %add3A_1528] : memref<128x128xf32, #tpu.memory_space<vmem>>[vector<16xi32>, vector<16xi32>], vector<16xf32>,
      %jit3A_1530 = arith.constant 4 : i32
      %div3A_1531 = arith.divsi %mul3A_1199, %jit3A_1530 : i32
      %sign3A_1532 = arith.constant 0 : i32
      %sign3A_1533 = arith.cmpi sgt, %mul3A_1199, %sign3A_1532 : i32
      %sign3A_1534 = arith.extui %sign3A_1533 : i1 to i32
      %sign3A_1535 = arith.constant 0 : i32
      %sign3A_1536 = arith.cmpi slt, %mul3A_1199, %sign3A_1535 : i32
      %sign3A_1537 = arith.extui %sign3A_1536 : i1 to i32
      %sign3A_1538 = arith.subi %sign3A_1534, %sign3A_1537 : i32
      %sign3A_1539 = arith.constant 0 : i32
      %sign3A_1540 = arith.cmpi sgt, %jit3A_1530, %sign3A_1539 : i32
      %sign3A_1541 = arith.extui %sign3A_1540 : i1 to i32
      %sign3A_1542 = arith.constant 0 : i32
      %sign3A_1543 = arith.cmpi slt, %jit3A_1530, %sign3A_1542 : i32
      %sign3A_1544 = arith.extui %sign3A_1543 : i1 to i32
      %sign3A_1545 = arith.subi %sign3A_1541, %sign3A_1544 : i32
      %ne3A_1546 = arith.cmpi ne, %sign3A_1538, %sign3A_1545 : i32
      %rem3A_1547 = arith.remsi %mul3A_1199, %jit3A_1530 : i32
      %ne3A_1548 = arith.constant 0 : i32
      %ne3A_1549 = arith.cmpi ne, %rem3A_1547, %ne3A_1548 : i32
      %and3A_1550 = arith.andi %ne3A_1546, %ne3A_1549 : i1
      %sub3A_1551 = arith.constant 1 : i32
      %sub3A_1552 = arith.subi %div3A_1531, %sub3A_1551 : i32
      %select_n3A_1553 = arith.select %and3A_1550, %sub3A_1552, %div3A_1531 : i32
      %add3A_1554 = vector.broadcast %select_n3A_1553 : i32 to vector<16xi32>
      %add3A_1555 = arith.addi %add3A_1554, %shift_right_logical3A_11 : vector<16xi32>
      %add3A_1556 = arith.constant 11 : i32
      %add3A_1557 = vector.broadcast %add3A_1556 : i32 to vector<16xi32>
      %add3A_1558 = arith.addi %mul3A_17, %add3A_1557 : vector<16xi32>
      %gather3A_1559 = tpu.vector_load_idx %arg6[%add3A_1555, %add3A_1558] : memref<128x128xf32, #tpu.memory_space<vmem>>[vector<16xi32>, vector<16xi32>], vector<16xf32>,
      %jit3A_1560 = arith.constant 4 : i32
      %div3A_1561 = arith.divsi %mul3A_1199, %jit3A_1560 : i32
      %sign3A_1562 = arith.constant 0 : i32
      %sign3A_1563 = arith.cmpi sgt, %mul3A_1199, %sign3A_1562 : i32
      %sign3A_1564 = arith.extui %sign3A_1563 : i1 to i32
      %sign3A_1565 = arith.constant 0 : i32
      %sign3A_1566 = arith.cmpi slt, %mul3A_1199, %sign3A_1565 : i32
      %sign3A_1567 = arith.extui %sign3A_1566 : i1 to i32
      %sign3A_1568 = arith.subi %sign3A_1564, %sign3A_1567 : i32
      %sign3A_1569 = arith.constant 0 : i32
      %sign3A_1570 = arith.cmpi sgt, %jit3A_1560, %sign3A_1569 : i32
      %sign3A_1571 = arith.extui %sign3A_1570 : i1 to i32
      %sign3A_1572 = arith.constant 0 : i32
      %sign3A_1573 = arith.cmpi slt, %jit3A_1560, %sign3A_1572 : i32
      %sign3A_1574 = arith.extui %sign3A_1573 : i1 to i32
      %sign3A_1575 = arith.subi %sign3A_1571, %sign3A_1574 : i32
      %ne3A_1576 = arith.cmpi ne, %sign3A_1568, %sign3A_1575 : i32
      %rem3A_1577 = arith.remsi %mul3A_1199, %jit3A_1560 : i32
      %ne3A_1578 = arith.constant 0 : i32
      %ne3A_1579 = arith.cmpi ne, %rem3A_1577, %ne3A_1578 : i32
      %and3A_1580 = arith.andi %ne3A_1576, %ne3A_1579 : i1
      %sub3A_1581 = arith.constant 1 : i32
      %sub3A_1582 = arith.subi %div3A_1561, %sub3A_1581 : i32
      %select_n3A_1583 = arith.select %and3A_1580, %sub3A_1582, %div3A_1561 : i32
      %add3A_1584 = vector.broadcast %select_n3A_1583 : i32 to vector<16xi32>
      %add3A_1585 = arith.addi %add3A_1584, %shift_right_logical3A_11 : vector<16xi32>
      %add3A_1586 = arith.constant 12 : i32
      %add3A_1587 = vector.broadcast %add3A_1586 : i32 to vector<16xi32>
      %add3A_1588 = arith.addi %mul3A_17, %add3A_1587 : vector<16xi32>
      %gather3A_1589 = tpu.vector_load_idx %arg6[%add3A_1585, %add3A_1588] : memref<128x128xf32, #tpu.memory_space<vmem>>[vector<16xi32>, vector<16xi32>], vector<16xf32>,
      %jit3A_1590 = arith.constant 4 : i32
      %div3A_1591 = arith.divsi %mul3A_1199, %jit3A_1590 : i32
      %sign3A_1592 = arith.constant 0 : i32
      %sign3A_1593 = arith.cmpi sgt, %mul3A_1199, %sign3A_1592 : i32
      %sign3A_1594 = arith.extui %sign3A_1593 : i1 to i32
      %sign3A_1595 = arith.constant 0 : i32
      %sign3A_1596 = arith.cmpi slt, %mul3A_1199, %sign3A_1595 : i32
      %sign3A_1597 = arith.extui %sign3A_1596 : i1 to i32
      %sign3A_1598 = arith.subi %sign3A_1594, %sign3A_1597 : i32
      %sign3A_1599 = arith.constant 0 : i32
      %sign3A_1600 = arith.cmpi sgt, %jit3A_1590, %sign3A_1599 : i32
      %sign3A_1601 = arith.extui %sign3A_1600 : i1 to i32
      %sign3A_1602 = arith.constant 0 : i32
      %sign3A_1603 = arith.cmpi slt, %jit3A_1590, %sign3A_1602 : i32
      %sign3A_1604 = arith.extui %sign3A_1603 : i1 to i32
      %sign3A_1605 = arith.subi %sign3A_1601, %sign3A_1604 : i32
      %ne3A_1606 = arith.cmpi ne, %sign3A_1598, %sign3A_1605 : i32
      %rem3A_1607 = arith.remsi %mul3A_1199, %jit3A_1590 : i32
      %ne3A_1608 = arith.constant 0 : i32
      %ne3A_1609 = arith.cmpi ne, %rem3A_1607, %ne3A_1608 : i32
      %and3A_1610 = arith.andi %ne3A_1606, %ne3A_1609 : i1
      %sub3A_1611 = arith.constant 1 : i32
      %sub3A_1612 = arith.subi %div3A_1591, %sub3A_1611 : i32
      %select_n3A_1613 = arith.select %and3A_1610, %sub3A_1612, %div3A_1591 : i32
      %add3A_1614 = vector.broadcast %select_n3A_1613 : i32 to vector<16xi32>
      %add3A_1615 = arith.addi %add3A_1614, %shift_right_logical3A_11 : vector<16xi32>
      %add3A_1616 = arith.constant 13 : i32
      %add3A_1617 = vector.broadcast %add3A_1616 : i32 to vector<16xi32>
      %add3A_1618 = arith.addi %mul3A_17, %add3A_1617 : vector<16xi32>
      %gather3A_1619 = tpu.vector_load_idx %arg6[%add3A_1615, %add3A_1618] : memref<128x128xf32, #tpu.memory_space<vmem>>[vector<16xi32>, vector<16xi32>], vector<16xf32>,
      %jit3A_1620 = arith.constant 4 : i32
      %div3A_1621 = arith.divsi %mul3A_1199, %jit3A_1620 : i32
      %sign3A_1622 = arith.constant 0 : i32
      %sign3A_1623 = arith.cmpi sgt, %mul3A_1199, %sign3A_1622 : i32
      %sign3A_1624 = arith.extui %sign3A_1623 : i1 to i32
      %sign3A_1625 = arith.constant 0 : i32
      %sign3A_1626 = arith.cmpi slt, %mul3A_1199, %sign3A_1625 : i32
      %sign3A_1627 = arith.extui %sign3A_1626 : i1 to i32
      %sign3A_1628 = arith.subi %sign3A_1624, %sign3A_1627 : i32
      %sign3A_1629 = arith.constant 0 : i32
      %sign3A_1630 = arith.cmpi sgt, %jit3A_1620, %sign3A_1629 : i32
      %sign3A_1631 = arith.extui %sign3A_1630 : i1 to i32
      %sign3A_1632 = arith.constant 0 : i32
      %sign3A_1633 = arith.cmpi slt, %jit3A_1620, %sign3A_1632 : i32
      %sign3A_1634 = arith.extui %sign3A_1633 : i1 to i32
      %sign3A_1635 = arith.subi %sign3A_1631, %sign3A_1634 : i32
      %ne3A_1636 = arith.cmpi ne, %sign3A_1628, %sign3A_1635 : i32
      %rem3A_1637 = arith.remsi %mul3A_1199, %jit3A_1620 : i32
      %ne3A_1638 = arith.constant 0 : i32
      %ne3A_1639 = arith.cmpi ne, %rem3A_1637, %ne3A_1638 : i32
      %and3A_1640 = arith.andi %ne3A_1636, %ne3A_1639 : i1
      %sub3A_1641 = arith.constant 1 : i32
      %sub3A_1642 = arith.subi %div3A_1621, %sub3A_1641 : i32
      %select_n3A_1643 = arith.select %and3A_1640, %sub3A_1642, %div3A_1621 : i32
      %add3A_1644 = vector.broadcast %select_n3A_1643 : i32 to vector<16xi32>
      %add3A_1645 = arith.addi %add3A_1644, %shift_right_logical3A_11 : vector<16xi32>
      %add3A_1646 = arith.constant 14 : i32
      %add3A_1647 = vector.broadcast %add3A_1646 : i32 to vector<16xi32>
      %add3A_1648 = arith.addi %mul3A_17, %add3A_1647 : vector<16xi32>
      %gather3A_1649 = tpu.vector_load_idx %arg6[%add3A_1645, %add3A_1648] : memref<128x128xf32, #tpu.memory_space<vmem>>[vector<16xi32>, vector<16xi32>], vector<16xf32>,
      %jit3A_1650 = arith.constant 4 : i32
      %div3A_1651 = arith.divsi %mul3A_1199, %jit3A_1650 : i32
      %sign3A_1652 = arith.constant 0 : i32
      %sign3A_1653 = arith.cmpi sgt, %mul3A_1199, %sign3A_1652 : i32
      %sign3A_1654 = arith.extui %sign3A_1653 : i1 to i32
      %sign3A_1655 = arith.constant 0 : i32
      %sign3A_1656 = arith.cmpi slt, %mul3A_1199, %sign3A_1655 : i32
      %sign3A_1657 = arith.extui %sign3A_1656 : i1 to i32
      %sign3A_1658 = arith.subi %sign3A_1654, %sign3A_1657 : i32
      %sign3A_1659 = arith.constant 0 : i32
      %sign3A_1660 = arith.cmpi sgt, %jit3A_1650, %sign3A_1659 : i32
      %sign3A_1661 = arith.extui %sign3A_1660 : i1 to i32
      %sign3A_1662 = arith.constant 0 : i32
      %sign3A_1663 = arith.cmpi slt, %jit3A_1650, %sign3A_1662 : i32
      %sign3A_1664 = arith.extui %sign3A_1663 : i1 to i32
      %sign3A_1665 = arith.subi %sign3A_1661, %sign3A_1664 : i32
      %ne3A_1666 = arith.cmpi ne, %sign3A_1658, %sign3A_1665 : i32
      %rem3A_1667 = arith.remsi %mul3A_1199, %jit3A_1650 : i32
      %ne3A_1668 = arith.constant 0 : i32
      %ne3A_1669 = arith.cmpi ne, %rem3A_1667, %ne3A_1668 : i32
      %and3A_1670 = arith.andi %ne3A_1666, %ne3A_1669 : i1
      %sub3A_1671 = arith.constant 1 : i32
      %sub3A_1672 = arith.subi %div3A_1651, %sub3A_1671 : i32
      %select_n3A_1673 = arith.select %and3A_1670, %sub3A_1672, %div3A_1651 : i32
      %add3A_1674 = vector.broadcast %select_n3A_1673 : i32 to vector<16xi32>
      %add3A_1675 = arith.addi %add3A_1674, %shift_right_logical3A_11 : vector<16xi32>
      %add3A_1676 = arith.constant 15 : i32
      %add3A_1677 = vector.broadcast %add3A_1676 : i32 to vector<16xi32>
      %add3A_1678 = arith.addi %mul3A_17, %add3A_1677 : vector<16xi32>
      %gather3A_1679 = tpu.vector_load_idx %arg6[%add3A_1675, %add3A_1678] : memref<128x128xf32, #tpu.memory_space<vmem>>[vector<16xi32>, vector<16xi32>], vector<16xf32>,
      %jit3A_1680 = arith.constant 4 : i32
      %div3A_1681 = arith.divsi %mul3A_1199, %jit3A_1680 : i32
      %sign3A_1682 = arith.constant 0 : i32
      %sign3A_1683 = arith.cmpi sgt, %mul3A_1199, %sign3A_1682 : i32
      %sign3A_1684 = arith.extui %sign3A_1683 : i1 to i32
      %sign3A_1685 = arith.constant 0 : i32
      %sign3A_1686 = arith.cmpi slt, %mul3A_1199, %sign3A_1685 : i32
      %sign3A_1687 = arith.extui %sign3A_1686 : i1 to i32
      %sign3A_1688 = arith.subi %sign3A_1684, %sign3A_1687 : i32
      %sign3A_1689 = arith.constant 0 : i32
      %sign3A_1690 = arith.cmpi sgt, %jit3A_1680, %sign3A_1689 : i32
      %sign3A_1691 = arith.extui %sign3A_1690 : i1 to i32
      %sign3A_1692 = arith.constant 0 : i32
      %sign3A_1693 = arith.cmpi slt, %jit3A_1680, %sign3A_1692 : i32
      %sign3A_1694 = arith.extui %sign3A_1693 : i1 to i32
      %sign3A_1695 = arith.subi %sign3A_1691, %sign3A_1694 : i32
      %ne3A_1696 = arith.cmpi ne, %sign3A_1688, %sign3A_1695 : i32
      %rem3A_1697 = arith.remsi %mul3A_1199, %jit3A_1680 : i32
      %ne3A_1698 = arith.constant 0 : i32
      %ne3A_1699 = arith.cmpi ne, %rem3A_1697, %ne3A_1698 : i32
      %and3A_1700 = arith.andi %ne3A_1696, %ne3A_1699 : i1
      %sub3A_1701 = arith.constant 1 : i32
      %sub3A_1702 = arith.subi %div3A_1681, %sub3A_1701 : i32
      %select_n3A_1703 = arith.select %and3A_1700, %sub3A_1702, %div3A_1681 : i32
      %add3A_1704 = vector.broadcast %select_n3A_1703 : i32 to vector<16xi32>
      %add3A_1705 = arith.addi %add3A_1704, %shift_right_logical3A_11 : vector<16xi32>
      %add3A_1706 = arith.constant 16 : i32
      %add3A_1707 = vector.broadcast %add3A_1706 : i32 to vector<16xi32>
      %add3A_1708 = arith.addi %mul3A_17, %add3A_1707 : vector<16xi32>
      %gather3A_1709 = tpu.vector_load_idx %arg6[%add3A_1705, %add3A_1708] : memref<128x128xf32, #tpu.memory_space<vmem>>[vector<16xi32>, vector<16xi32>], vector<16xf32>,
      %jit3A_1710 = arith.constant 4 : i32
      %div3A_1711 = arith.divsi %mul3A_1199, %jit3A_1710 : i32
      %sign3A_1712 = arith.constant 0 : i32
      %sign3A_1713 = arith.cmpi sgt, %mul3A_1199, %sign3A_1712 : i32
      %sign3A_1714 = arith.extui %sign3A_1713 : i1 to i32
      %sign3A_1715 = arith.constant 0 : i32
      %sign3A_1716 = arith.cmpi slt, %mul3A_1199, %sign3A_1715 : i32
      %sign3A_1717 = arith.extui %sign3A_1716 : i1 to i32
      %sign3A_1718 = arith.subi %sign3A_1714, %sign3A_1717 : i32
      %sign3A_1719 = arith.constant 0 : i32
      %sign3A_1720 = arith.cmpi sgt, %jit3A_1710, %sign3A_1719 : i32
      %sign3A_1721 = arith.extui %sign3A_1720 : i1 to i32
      %sign3A_1722 = arith.constant 0 : i32
      %sign3A_1723 = arith.cmpi slt, %jit3A_1710, %sign3A_1722 : i32
      %sign3A_1724 = arith.extui %sign3A_1723 : i1 to i32
      %sign3A_1725 = arith.subi %sign3A_1721, %sign3A_1724 : i32
      %ne3A_1726 = arith.cmpi ne, %sign3A_1718, %sign3A_1725 : i32
      %rem3A_1727 = arith.remsi %mul3A_1199, %jit3A_1710 : i32
      %ne3A_1728 = arith.constant 0 : i32
      %ne3A_1729 = arith.cmpi ne, %rem3A_1727, %ne3A_1728 : i32
      %and3A_1730 = arith.andi %ne3A_1726, %ne3A_1729 : i1
      %sub3A_1731 = arith.constant 1 : i32
      %sub3A_1732 = arith.subi %div3A_1711, %sub3A_1731 : i32
      %select_n3A_1733 = arith.select %and3A_1730, %sub3A_1732, %div3A_1711 : i32
      %add3A_1734 = vector.broadcast %select_n3A_1733 : i32 to vector<16xi32>
      %add3A_1735 = arith.addi %add3A_1734, %shift_right_logical3A_11 : vector<16xi32>
      %add3A_1736 = arith.constant 17 : i32
      %add3A_1737 = vector.broadcast %add3A_1736 : i32 to vector<16xi32>
      %add3A_1738 = arith.addi %mul3A_17, %add3A_1737 : vector<16xi32>
      %gather3A_1739 = tpu.vector_load_idx %arg6[%add3A_1735, %add3A_1738] : memref<128x128xf32, #tpu.memory_space<vmem>>[vector<16xi32>, vector<16xi32>], vector<16xf32>,
      %jit3A_1740 = arith.constant 4 : i32
      %div3A_1741 = arith.divsi %mul3A_1199, %jit3A_1740 : i32
      %sign3A_1742 = arith.constant 0 : i32
      %sign3A_1743 = arith.cmpi sgt, %mul3A_1199, %sign3A_1742 : i32
      %sign3A_1744 = arith.extui %sign3A_1743 : i1 to i32
      %sign3A_1745 = arith.constant 0 : i32
      %sign3A_1746 = arith.cmpi slt, %mul3A_1199, %sign3A_1745 : i32
      %sign3A_1747 = arith.extui %sign3A_1746 : i1 to i32
      %sign3A_1748 = arith.subi %sign3A_1744, %sign3A_1747 : i32
      %sign3A_1749 = arith.constant 0 : i32
      %sign3A_1750 = arith.cmpi sgt, %jit3A_1740, %sign3A_1749 : i32
      %sign3A_1751 = arith.extui %sign3A_1750 : i1 to i32
      %sign3A_1752 = arith.constant 0 : i32
      %sign3A_1753 = arith.cmpi slt, %jit3A_1740, %sign3A_1752 : i32
      %sign3A_1754 = arith.extui %sign3A_1753 : i1 to i32
      %sign3A_1755 = arith.subi %sign3A_1751, %sign3A_1754 : i32
      %ne3A_1756 = arith.cmpi ne, %sign3A_1748, %sign3A_1755 : i32
      %rem3A_1757 = arith.remsi %mul3A_1199, %jit3A_1740 : i32
      %ne3A_1758 = arith.constant 0 : i32
      %ne3A_1759 = arith.cmpi ne, %rem3A_1757, %ne3A_1758 : i32
      %and3A_1760 = arith.andi %ne3A_1756, %ne3A_1759 : i1
      %sub3A_1761 = arith.constant 1 : i32
      %sub3A_1762 = arith.subi %div3A_1741, %sub3A_1761 : i32
      %select_n3A_1763 = arith.select %and3A_1760, %sub3A_1762, %div3A_1741 : i32
      %add3A_1764 = vector.broadcast %select_n3A_1763 : i32 to vector<16xi32>
      %add3A_1765 = arith.addi %add3A_1764, %shift_right_logical3A_11 : vector<16xi32>
      %add3A_1766 = arith.constant 18 : i32
      %add3A_1767 = vector.broadcast %add3A_1766 : i32 to vector<16xi32>
      %add3A_1768 = arith.addi %mul3A_17, %add3A_1767 : vector<16xi32>
      %gather3A_1769 = tpu.vector_load_idx %arg6[%add3A_1765, %add3A_1768] : memref<128x128xf32, #tpu.memory_space<vmem>>[vector<16xi32>, vector<16xi32>], vector<16xf32>,
      %jit3A_1770 = arith.constant 4 : i32
      %div3A_1771 = arith.divsi %mul3A_1199, %jit3A_1770 : i32
      %sign3A_1772 = arith.constant 0 : i32
      %sign3A_1773 = arith.cmpi sgt, %mul3A_1199, %sign3A_1772 : i32
      %sign3A_1774 = arith.extui %sign3A_1773 : i1 to i32
      %sign3A_1775 = arith.constant 0 : i32
      %sign3A_1776 = arith.cmpi slt, %mul3A_1199, %sign3A_1775 : i32
      %sign3A_1777 = arith.extui %sign3A_1776 : i1 to i32
      %sign3A_1778 = arith.subi %sign3A_1774, %sign3A_1777 : i32
      %sign3A_1779 = arith.constant 0 : i32
      %sign3A_1780 = arith.cmpi sgt, %jit3A_1770, %sign3A_1779 : i32
      %sign3A_1781 = arith.extui %sign3A_1780 : i1 to i32
      %sign3A_1782 = arith.constant 0 : i32
      %sign3A_1783 = arith.cmpi slt, %jit3A_1770, %sign3A_1782 : i32
      %sign3A_1784 = arith.extui %sign3A_1783 : i1 to i32
      %sign3A_1785 = arith.subi %sign3A_1781, %sign3A_1784 : i32
      %ne3A_1786 = arith.cmpi ne, %sign3A_1778, %sign3A_1785 : i32
      %rem3A_1787 = arith.remsi %mul3A_1199, %jit3A_1770 : i32
      %ne3A_1788 = arith.constant 0 : i32
      %ne3A_1789 = arith.cmpi ne, %rem3A_1787, %ne3A_1788 : i32
      %and3A_1790 = arith.andi %ne3A_1786, %ne3A_1789 : i1
      %sub3A_1791 = arith.constant 1 : i32
      %sub3A_1792 = arith.subi %div3A_1771, %sub3A_1791 : i32
      %select_n3A_1793 = arith.select %and3A_1790, %sub3A_1792, %div3A_1771 : i32
      %add3A_1794 = vector.broadcast %select_n3A_1793 : i32 to vector<16xi32>
      %add3A_1795 = arith.addi %add3A_1794, %shift_right_logical3A_11 : vector<16xi32>
      %add3A_1796 = arith.constant 19 : i32
      %add3A_1797 = vector.broadcast %add3A_1796 : i32 to vector<16xi32>
      %add3A_1798 = arith.addi %mul3A_17, %add3A_1797 : vector<16xi32>
      %gather3A_1799 = tpu.vector_load_idx %arg6[%add3A_1795, %add3A_1798] : memref<128x128xf32, #tpu.memory_space<vmem>>[vector<16xi32>, vector<16xi32>], vector<16xf32>,
      %jit3A_1800 = arith.constant 4 : i32
      %div3A_1801 = arith.divsi %mul3A_1199, %jit3A_1800 : i32
      %sign3A_1802 = arith.constant 0 : i32
      %sign3A_1803 = arith.cmpi sgt, %mul3A_1199, %sign3A_1802 : i32
      %sign3A_1804 = arith.extui %sign3A_1803 : i1 to i32
      %sign3A_1805 = arith.constant 0 : i32
      %sign3A_1806 = arith.cmpi slt, %mul3A_1199, %sign3A_1805 : i32
      %sign3A_1807 = arith.extui %sign3A_1806 : i1 to i32
      %sign3A_1808 = arith.subi %sign3A_1804, %sign3A_1807 : i32
      %sign3A_1809 = arith.constant 0 : i32
      %sign3A_1810 = arith.cmpi sgt, %jit3A_1800, %sign3A_1809 : i32
      %sign3A_1811 = arith.extui %sign3A_1810 : i1 to i32
      %sign3A_1812 = arith.constant 0 : i32
      %sign3A_1813 = arith.cmpi slt, %jit3A_1800, %sign3A_1812 : i32
      %sign3A_1814 = arith.extui %sign3A_1813 : i1 to i32
      %sign3A_1815 = arith.subi %sign3A_1811, %sign3A_1814 : i32
      %ne3A_1816 = arith.cmpi ne, %sign3A_1808, %sign3A_1815 : i32
      %rem3A_1817 = arith.remsi %mul3A_1199, %jit3A_1800 : i32
      %ne3A_1818 = arith.constant 0 : i32
      %ne3A_1819 = arith.cmpi ne, %rem3A_1817, %ne3A_1818 : i32
      %and3A_1820 = arith.andi %ne3A_1816, %ne3A_1819 : i1
      %sub3A_1821 = arith.constant 1 : i32
      %sub3A_1822 = arith.subi %div3A_1801, %sub3A_1821 : i32
      %select_n3A_1823 = arith.select %and3A_1820, %sub3A_1822, %div3A_1801 : i32
      %add3A_1824 = vector.broadcast %select_n3A_1823 : i32 to vector<16xi32>
      %add3A_1825 = arith.addi %add3A_1824, %shift_right_logical3A_11 : vector<16xi32>
      %add3A_1826 = arith.constant 20 : i32
      %add3A_1827 = vector.broadcast %add3A_1826 : i32 to vector<16xi32>
      %add3A_1828 = arith.addi %mul3A_17, %add3A_1827 : vector<16xi32>
      %gather3A_1829 = tpu.vector_load_idx %arg6[%add3A_1825, %add3A_1828] : memref<128x128xf32, #tpu.memory_space<vmem>>[vector<16xi32>, vector<16xi32>], vector<16xf32>,
      %jit3A_1830 = arith.constant 4 : i32
      %div3A_1831 = arith.divsi %mul3A_1199, %jit3A_1830 : i32
      %sign3A_1832 = arith.constant 0 : i32
      %sign3A_1833 = arith.cmpi sgt, %mul3A_1199, %sign3A_1832 : i32
      %sign3A_1834 = arith.extui %sign3A_1833 : i1 to i32
      %sign3A_1835 = arith.constant 0 : i32
      %sign3A_1836 = arith.cmpi slt, %mul3A_1199, %sign3A_1835 : i32
      %sign3A_1837 = arith.extui %sign3A_1836 : i1 to i32
      %sign3A_1838 = arith.subi %sign3A_1834, %sign3A_1837 : i32
      %sign3A_1839 = arith.constant 0 : i32
      %sign3A_1840 = arith.cmpi sgt, %jit3A_1830, %sign3A_1839 : i32
      %sign3A_1841 = arith.extui %sign3A_1840 : i1 to i32
      %sign3A_1842 = arith.constant 0 : i32
      %sign3A_1843 = arith.cmpi slt, %jit3A_1830, %sign3A_1842 : i32
      %sign3A_1844 = arith.extui %sign3A_1843 : i1 to i32
      %sign3A_1845 = arith.subi %sign3A_1841, %sign3A_1844 : i32
      %ne3A_1846 = arith.cmpi ne, %sign3A_1838, %sign3A_1845 : i32
      %rem3A_1847 = arith.remsi %mul3A_1199, %jit3A_1830 : i32
      %ne3A_1848 = arith.constant 0 : i32
      %ne3A_1849 = arith.cmpi ne, %rem3A_1847, %ne3A_1848 : i32
      %and3A_1850 = arith.andi %ne3A_1846, %ne3A_1849 : i1
      %sub3A_1851 = arith.constant 1 : i32
      %sub3A_1852 = arith.subi %div3A_1831, %sub3A_1851 : i32
      %select_n3A_1853 = arith.select %and3A_1850, %sub3A_1852, %div3A_1831 : i32
      %add3A_1854 = vector.broadcast %select_n3A_1853 : i32 to vector<16xi32>
      %add3A_1855 = arith.addi %add3A_1854, %shift_right_logical3A_11 : vector<16xi32>
      %add3A_1856 = arith.constant 21 : i32
      %add3A_1857 = vector.broadcast %add3A_1856 : i32 to vector<16xi32>
      %add3A_1858 = arith.addi %mul3A_17, %add3A_1857 : vector<16xi32>
      %gather3A_1859 = tpu.vector_load_idx %arg6[%add3A_1855, %add3A_1858] : memref<128x128xf32, #tpu.memory_space<vmem>>[vector<16xi32>, vector<16xi32>], vector<16xf32>,
      %jit3A_1860 = arith.constant 4 : i32
      %div3A_1861 = arith.divsi %mul3A_1199, %jit3A_1860 : i32
      %sign3A_1862 = arith.constant 0 : i32
      %sign3A_1863 = arith.cmpi sgt, %mul3A_1199, %sign3A_1862 : i32
      %sign3A_1864 = arith.extui %sign3A_1863 : i1 to i32
      %sign3A_1865 = arith.constant 0 : i32
      %sign3A_1866 = arith.cmpi slt, %mul3A_1199, %sign3A_1865 : i32
      %sign3A_1867 = arith.extui %sign3A_1866 : i1 to i32
      %sign3A_1868 = arith.subi %sign3A_1864, %sign3A_1867 : i32
      %sign3A_1869 = arith.constant 0 : i32
      %sign3A_1870 = arith.cmpi sgt, %jit3A_1860, %sign3A_1869 : i32
      %sign3A_1871 = arith.extui %sign3A_1870 : i1 to i32
      %sign3A_1872 = arith.constant 0 : i32
      %sign3A_1873 = arith.cmpi slt, %jit3A_1860, %sign3A_1872 : i32
      %sign3A_1874 = arith.extui %sign3A_1873 : i1 to i32
      %sign3A_1875 = arith.subi %sign3A_1871, %sign3A_1874 : i32
      %ne3A_1876 = arith.cmpi ne, %sign3A_1868, %sign3A_1875 : i32
      %rem3A_1877 = arith.remsi %mul3A_1199, %jit3A_1860 : i32
      %ne3A_1878 = arith.constant 0 : i32
      %ne3A_1879 = arith.cmpi ne, %rem3A_1877, %ne3A_1878 : i32
      %and3A_1880 = arith.andi %ne3A_1876, %ne3A_1879 : i1
      %sub3A_1881 = arith.constant 1 : i32
      %sub3A_1882 = arith.subi %div3A_1861, %sub3A_1881 : i32
      %select_n3A_1883 = arith.select %and3A_1880, %sub3A_1882, %div3A_1861 : i32
      %add3A_1884 = vector.broadcast %select_n3A_1883 : i32 to vector<16xi32>
      %add3A_1885 = arith.addi %add3A_1884, %shift_right_logical3A_11 : vector<16xi32>
      %add3A_1886 = arith.constant 22 : i32
      %add3A_1887 = vector.broadcast %add3A_1886 : i32 to vector<16xi32>
      %add3A_1888 = arith.addi %mul3A_17, %add3A_1887 : vector<16xi32>
      %gather3A_1889 = tpu.vector_load_idx %arg6[%add3A_1885, %add3A_1888] : memref<128x128xf32, #tpu.memory_space<vmem>>[vector<16xi32>, vector<16xi32>], vector<16xf32>,
      %jit3A_1890 = arith.constant 4 : i32
      %div3A_1891 = arith.divsi %mul3A_1199, %jit3A_1890 : i32
      %sign3A_1892 = arith.constant 0 : i32
      %sign3A_1893 = arith.cmpi sgt, %mul3A_1199, %sign3A_1892 : i32
      %sign3A_1894 = arith.extui %sign3A_1893 : i1 to i32
      %sign3A_1895 = arith.constant 0 : i32
      %sign3A_1896 = arith.cmpi slt, %mul3A_1199, %sign3A_1895 : i32
      %sign3A_1897 = arith.extui %sign3A_1896 : i1 to i32
      %sign3A_1898 = arith.subi %sign3A_1894, %sign3A_1897 : i32
      %sign3A_1899 = arith.constant 0 : i32
      %sign3A_1900 = arith.cmpi sgt, %jit3A_1890, %sign3A_1899 : i32
      %sign3A_1901 = arith.extui %sign3A_1900 : i1 to i32
      %sign3A_1902 = arith.constant 0 : i32
      %sign3A_1903 = arith.cmpi slt, %jit3A_1890, %sign3A_1902 : i32
      %sign3A_1904 = arith.extui %sign3A_1903 : i1 to i32
      %sign3A_1905 = arith.subi %sign3A_1901, %sign3A_1904 : i32
      %ne3A_1906 = arith.cmpi ne, %sign3A_1898, %sign3A_1905 : i32
      %rem3A_1907 = arith.remsi %mul3A_1199, %jit3A_1890 : i32
      %ne3A_1908 = arith.constant 0 : i32
      %ne3A_1909 = arith.cmpi ne, %rem3A_1907, %ne3A_1908 : i32
      %and3A_1910 = arith.andi %ne3A_1906, %ne3A_1909 : i1
      %sub3A_1911 = arith.constant 1 : i32
      %sub3A_1912 = arith.subi %div3A_1891, %sub3A_1911 : i32
      %select_n3A_1913 = arith.select %and3A_1910, %sub3A_1912, %div3A_1891 : i32
      %add3A_1914 = vector.broadcast %select_n3A_1913 : i32 to vector<16xi32>
      %add3A_1915 = arith.addi %add3A_1914, %shift_right_logical3A_11 : vector<16xi32>
      %add3A_1916 = arith.constant 23 : i32
      %add3A_1917 = vector.broadcast %add3A_1916 : i32 to vector<16xi32>
      %add3A_1918 = arith.addi %mul3A_17, %add3A_1917 : vector<16xi32>
      %gather3A_1919 = tpu.vector_load_idx %arg6[%add3A_1915, %add3A_1918] : memref<128x128xf32, #tpu.memory_space<vmem>>[vector<16xi32>, vector<16xi32>], vector<16xf32>,
      %jit3A_1920 = arith.constant 4 : i32
      %div3A_1921 = arith.divsi %mul3A_1199, %jit3A_1920 : i32
      %sign3A_1922 = arith.constant 0 : i32
      %sign3A_1923 = arith.cmpi sgt, %mul3A_1199, %sign3A_1922 : i32
      %sign3A_1924 = arith.extui %sign3A_1923 : i1 to i32
      %sign3A_1925 = arith.constant 0 : i32
      %sign3A_1926 = arith.cmpi slt, %mul3A_1199, %sign3A_1925 : i32
      %sign3A_1927 = arith.extui %sign3A_1926 : i1 to i32
      %sign3A_1928 = arith.subi %sign3A_1924, %sign3A_1927 : i32
      %sign3A_1929 = arith.constant 0 : i32
      %sign3A_1930 = arith.cmpi sgt, %jit3A_1920, %sign3A_1929 : i32
      %sign3A_1931 = arith.extui %sign3A_1930 : i1 to i32
      %sign3A_1932 = arith.constant 0 : i32
      %sign3A_1933 = arith.cmpi slt, %jit3A_1920, %sign3A_1932 : i32
      %sign3A_1934 = arith.extui %sign3A_1933 : i1 to i32
      %sign3A_1935 = arith.subi %sign3A_1931, %sign3A_1934 : i32
      %ne3A_1936 = arith.cmpi ne, %sign3A_1928, %sign3A_1935 : i32
      %rem3A_1937 = arith.remsi %mul3A_1199, %jit3A_1920 : i32
      %ne3A_1938 = arith.constant 0 : i32
      %ne3A_1939 = arith.cmpi ne, %rem3A_1937, %ne3A_1938 : i32
      %and3A_1940 = arith.andi %ne3A_1936, %ne3A_1939 : i1
      %sub3A_1941 = arith.constant 1 : i32
      %sub3A_1942 = arith.subi %div3A_1921, %sub3A_1941 : i32
      %select_n3A_1943 = arith.select %and3A_1940, %sub3A_1942, %div3A_1921 : i32
      %add3A_1944 = vector.broadcast %select_n3A_1943 : i32 to vector<16xi32>
      %add3A_1945 = arith.addi %add3A_1944, %shift_right_logical3A_11 : vector<16xi32>
      %add3A_1946 = arith.constant 24 : i32
      %add3A_1947 = vector.broadcast %add3A_1946 : i32 to vector<16xi32>
      %add3A_1948 = arith.addi %mul3A_17, %add3A_1947 : vector<16xi32>
      %gather3A_1949 = tpu.vector_load_idx %arg6[%add3A_1945, %add3A_1948] : memref<128x128xf32, #tpu.memory_space<vmem>>[vector<16xi32>, vector<16xi32>], vector<16xf32>,
      %jit3A_1950 = arith.constant 4 : i32
      %div3A_1951 = arith.divsi %mul3A_1199, %jit3A_1950 : i32
      %sign3A_1952 = arith.constant 0 : i32
      %sign3A_1953 = arith.cmpi sgt, %mul3A_1199, %sign3A_1952 : i32
      %sign3A_1954 = arith.extui %sign3A_1953 : i1 to i32
      %sign3A_1955 = arith.constant 0 : i32
      %sign3A_1956 = arith.cmpi slt, %mul3A_1199, %sign3A_1955 : i32
      %sign3A_1957 = arith.extui %sign3A_1956 : i1 to i32
      %sign3A_1958 = arith.subi %sign3A_1954, %sign3A_1957 : i32
      %sign3A_1959 = arith.constant 0 : i32
      %sign3A_1960 = arith.cmpi sgt, %jit3A_1950, %sign3A_1959 : i32
      %sign3A_1961 = arith.extui %sign3A_1960 : i1 to i32
      %sign3A_1962 = arith.constant 0 : i32
      %sign3A_1963 = arith.cmpi slt, %jit3A_1950, %sign3A_1962 : i32
      %sign3A_1964 = arith.extui %sign3A_1963 : i1 to i32
      %sign3A_1965 = arith.subi %sign3A_1961, %sign3A_1964 : i32
      %ne3A_1966 = arith.cmpi ne, %sign3A_1958, %sign3A_1965 : i32
      %rem3A_1967 = arith.remsi %mul3A_1199, %jit3A_1950 : i32
      %ne3A_1968 = arith.constant 0 : i32
      %ne3A_1969 = arith.cmpi ne, %rem3A_1967, %ne3A_1968 : i32
      %and3A_1970 = arith.andi %ne3A_1966, %ne3A_1969 : i1
      %sub3A_1971 = arith.constant 1 : i32
      %sub3A_1972 = arith.subi %div3A_1951, %sub3A_1971 : i32
      %select_n3A_1973 = arith.select %and3A_1970, %sub3A_1972, %div3A_1951 : i32
      %add3A_1974 = vector.broadcast %select_n3A_1973 : i32 to vector<16xi32>
      %add3A_1975 = arith.addi %add3A_1974, %shift_right_logical3A_11 : vector<16xi32>
      %add3A_1976 = arith.constant 25 : i32
      %add3A_1977 = vector.broadcast %add3A_1976 : i32 to vector<16xi32>
      %add3A_1978 = arith.addi %mul3A_17, %add3A_1977 : vector<16xi32>
      %gather3A_1979 = tpu.vector_load_idx %arg6[%add3A_1975, %add3A_1978] : memref<128x128xf32, #tpu.memory_space<vmem>>[vector<16xi32>, vector<16xi32>], vector<16xf32>,
      %jit3A_1980 = arith.constant 4 : i32
      %div3A_1981 = arith.divsi %mul3A_1199, %jit3A_1980 : i32
      %sign3A_1982 = arith.constant 0 : i32
      %sign3A_1983 = arith.cmpi sgt, %mul3A_1199, %sign3A_1982 : i32
      %sign3A_1984 = arith.extui %sign3A_1983 : i1 to i32
      %sign3A_1985 = arith.constant 0 : i32
      %sign3A_1986 = arith.cmpi slt, %mul3A_1199, %sign3A_1985 : i32
      %sign3A_1987 = arith.extui %sign3A_1986 : i1 to i32
      %sign3A_1988 = arith.subi %sign3A_1984, %sign3A_1987 : i32
      %sign3A_1989 = arith.constant 0 : i32
      %sign3A_1990 = arith.cmpi sgt, %jit3A_1980, %sign3A_1989 : i32
      %sign3A_1991 = arith.extui %sign3A_1990 : i1 to i32
      %sign3A_1992 = arith.constant 0 : i32
      %sign3A_1993 = arith.cmpi slt, %jit3A_1980, %sign3A_1992 : i32
      %sign3A_1994 = arith.extui %sign3A_1993 : i1 to i32
      %sign3A_1995 = arith.subi %sign3A_1991, %sign3A_1994 : i32
      %ne3A_1996 = arith.cmpi ne, %sign3A_1988, %sign3A_1995 : i32
      %rem3A_1997 = arith.remsi %mul3A_1199, %jit3A_1980 : i32
      %ne3A_1998 = arith.constant 0 : i32
      %ne3A_1999 = arith.cmpi ne, %rem3A_1997, %ne3A_1998 : i32
      %and3A_2000 = arith.andi %ne3A_1996, %ne3A_1999 : i1
      %sub3A_2001 = arith.constant 1 : i32
      %sub3A_2002 = arith.subi %div3A_1981, %sub3A_2001 : i32
      %select_n3A_2003 = arith.select %and3A_2000, %sub3A_2002, %div3A_1981 : i32
      %add3A_2004 = vector.broadcast %select_n3A_2003 : i32 to vector<16xi32>
      %add3A_2005 = arith.addi %add3A_2004, %shift_right_logical3A_11 : vector<16xi32>
      %add3A_2006 = arith.constant 26 : i32
      %add3A_2007 = vector.broadcast %add3A_2006 : i32 to vector<16xi32>
      %add3A_2008 = arith.addi %mul3A_17, %add3A_2007 : vector<16xi32>
      %gather3A_2009 = tpu.vector_load_idx %arg6[%add3A_2005, %add3A_2008] : memref<128x128xf32, #tpu.memory_space<vmem>>[vector<16xi32>, vector<16xi32>], vector<16xf32>,
      %jit3A_2010 = arith.constant 4 : i32
      %div3A_2011 = arith.divsi %mul3A_1199, %jit3A_2010 : i32
      %sign3A_2012 = arith.constant 0 : i32
      %sign3A_2013 = arith.cmpi sgt, %mul3A_1199, %sign3A_2012 : i32
      %sign3A_2014 = arith.extui %sign3A_2013 : i1 to i32
      %sign3A_2015 = arith.constant 0 : i32
      %sign3A_2016 = arith.cmpi slt, %mul3A_1199, %sign3A_2015 : i32
      %sign3A_2017 = arith.extui %sign3A_2016 : i1 to i32
      %sign3A_2018 = arith.subi %sign3A_2014, %sign3A_2017 : i32
      %sign3A_2019 = arith.constant 0 : i32
      %sign3A_2020 = arith.cmpi sgt, %jit3A_2010, %sign3A_2019 : i32
      %sign3A_2021 = arith.extui %sign3A_2020 : i1 to i32
      %sign3A_2022 = arith.constant 0 : i32
      %sign3A_2023 = arith.cmpi slt, %jit3A_2010, %sign3A_2022 : i32
      %sign3A_2024 = arith.extui %sign3A_2023 : i1 to i32
      %sign3A_2025 = arith.subi %sign3A_2021, %sign3A_2024 : i32
      %ne3A_2026 = arith.cmpi ne, %sign3A_2018, %sign3A_2025 : i32
      %rem3A_2027 = arith.remsi %mul3A_1199, %jit3A_2010 : i32
      %ne3A_2028 = arith.constant 0 : i32
      %ne3A_2029 = arith.cmpi ne, %rem3A_2027, %ne3A_2028 : i32
      %and3A_2030 = arith.andi %ne3A_2026, %ne3A_2029 : i1
      %sub3A_2031 = arith.constant 1 : i32
      %sub3A_2032 = arith.subi %div3A_2011, %sub3A_2031 : i32
      %select_n3A_2033 = arith.select %and3A_2030, %sub3A_2032, %div3A_2011 : i32
      %add3A_2034 = vector.broadcast %select_n3A_2033 : i32 to vector<16xi32>
      %add3A_2035 = arith.addi %add3A_2034, %shift_right_logical3A_11 : vector<16xi32>
      %add3A_2036 = arith.constant 27 : i32
      %add3A_2037 = vector.broadcast %add3A_2036 : i32 to vector<16xi32>
      %add3A_2038 = arith.addi %mul3A_17, %add3A_2037 : vector<16xi32>
      %gather3A_2039 = tpu.vector_load_idx %arg6[%add3A_2035, %add3A_2038] : memref<128x128xf32, #tpu.memory_space<vmem>>[vector<16xi32>, vector<16xi32>], vector<16xf32>,
      %jit3A_2040 = arith.constant 4 : i32
      %div3A_2041 = arith.divsi %mul3A_1199, %jit3A_2040 : i32
      %sign3A_2042 = arith.constant 0 : i32
      %sign3A_2043 = arith.cmpi sgt, %mul3A_1199, %sign3A_2042 : i32
      %sign3A_2044 = arith.extui %sign3A_2043 : i1 to i32
      %sign3A_2045 = arith.constant 0 : i32
      %sign3A_2046 = arith.cmpi slt, %mul3A_1199, %sign3A_2045 : i32
      %sign3A_2047 = arith.extui %sign3A_2046 : i1 to i32
      %sign3A_2048 = arith.subi %sign3A_2044, %sign3A_2047 : i32
      %sign3A_2049 = arith.constant 0 : i32
      %sign3A_2050 = arith.cmpi sgt, %jit3A_2040, %sign3A_2049 : i32
      %sign3A_2051 = arith.extui %sign3A_2050 : i1 to i32
      %sign3A_2052 = arith.constant 0 : i32
      %sign3A_2053 = arith.cmpi slt, %jit3A_2040, %sign3A_2052 : i32
      %sign3A_2054 = arith.extui %sign3A_2053 : i1 to i32
      %sign3A_2055 = arith.subi %sign3A_2051, %sign3A_2054 : i32
      %ne3A_2056 = arith.cmpi ne, %sign3A_2048, %sign3A_2055 : i32
      %rem3A_2057 = arith.remsi %mul3A_1199, %jit3A_2040 : i32
      %ne3A_2058 = arith.constant 0 : i32
      %ne3A_2059 = arith.cmpi ne, %rem3A_2057, %ne3A_2058 : i32
      %and3A_2060 = arith.andi %ne3A_2056, %ne3A_2059 : i1
      %sub3A_2061 = arith.constant 1 : i32
      %sub3A_2062 = arith.subi %div3A_2041, %sub3A_2061 : i32
      %select_n3A_2063 = arith.select %and3A_2060, %sub3A_2062, %div3A_2041 : i32
      %add3A_2064 = vector.broadcast %select_n3A_2063 : i32 to vector<16xi32>
      %add3A_2065 = arith.addi %add3A_2064, %shift_right_logical3A_11 : vector<16xi32>
      %add3A_2066 = arith.constant 28 : i32
      %add3A_2067 = vector.broadcast %add3A_2066 : i32 to vector<16xi32>
      %add3A_2068 = arith.addi %mul3A_17, %add3A_2067 : vector<16xi32>
      %gather3A_2069 = tpu.vector_load_idx %arg6[%add3A_2065, %add3A_2068] : memref<128x128xf32, #tpu.memory_space<vmem>>[vector<16xi32>, vector<16xi32>], vector<16xf32>,
      %jit3A_2070 = arith.constant 4 : i32
      %div3A_2071 = arith.divsi %mul3A_1199, %jit3A_2070 : i32
      %sign3A_2072 = arith.constant 0 : i32
      %sign3A_2073 = arith.cmpi sgt, %mul3A_1199, %sign3A_2072 : i32
      %sign3A_2074 = arith.extui %sign3A_2073 : i1 to i32
      %sign3A_2075 = arith.constant 0 : i32
      %sign3A_2076 = arith.cmpi slt, %mul3A_1199, %sign3A_2075 : i32
      %sign3A_2077 = arith.extui %sign3A_2076 : i1 to i32
      %sign3A_2078 = arith.subi %sign3A_2074, %sign3A_2077 : i32
      %sign3A_2079 = arith.constant 0 : i32
      %sign3A_2080 = arith.cmpi sgt, %jit3A_2070, %sign3A_2079 : i32
      %sign3A_2081 = arith.extui %sign3A_2080 : i1 to i32
      %sign3A_2082 = arith.constant 0 : i32
      %sign3A_2083 = arith.cmpi slt, %jit3A_2070, %sign3A_2082 : i32
      %sign3A_2084 = arith.extui %sign3A_2083 : i1 to i32
      %sign3A_2085 = arith.subi %sign3A_2081, %sign3A_2084 : i32
      %ne3A_2086 = arith.cmpi ne, %sign3A_2078, %sign3A_2085 : i32
      %rem3A_2087 = arith.remsi %mul3A_1199, %jit3A_2070 : i32
      %ne3A_2088 = arith.constant 0 : i32
      %ne3A_2089 = arith.cmpi ne, %rem3A_2087, %ne3A_2088 : i32
      %and3A_2090 = arith.andi %ne3A_2086, %ne3A_2089 : i1
      %sub3A_2091 = arith.constant 1 : i32
      %sub3A_2092 = arith.subi %div3A_2071, %sub3A_2091 : i32
      %select_n3A_2093 = arith.select %and3A_2090, %sub3A_2092, %div3A_2071 : i32
      %add3A_2094 = vector.broadcast %select_n3A_2093 : i32 to vector<16xi32>
      %add3A_2095 = arith.addi %add3A_2094, %shift_right_logical3A_11 : vector<16xi32>
      %add3A_2096 = arith.constant 29 : i32
      %add3A_2097 = vector.broadcast %add3A_2096 : i32 to vector<16xi32>
      %add3A_2098 = arith.addi %mul3A_17, %add3A_2097 : vector<16xi32>
      %gather3A_2099 = tpu.vector_load_idx %arg6[%add3A_2095, %add3A_2098] : memref<128x128xf32, #tpu.memory_space<vmem>>[vector<16xi32>, vector<16xi32>], vector<16xf32>,
      %jit3A_2100 = arith.constant 4 : i32
      %div3A_2101 = arith.divsi %mul3A_1199, %jit3A_2100 : i32
      %sign3A_2102 = arith.constant 0 : i32
      %sign3A_2103 = arith.cmpi sgt, %mul3A_1199, %sign3A_2102 : i32
      %sign3A_2104 = arith.extui %sign3A_2103 : i1 to i32
      %sign3A_2105 = arith.constant 0 : i32
      %sign3A_2106 = arith.cmpi slt, %mul3A_1199, %sign3A_2105 : i32
      %sign3A_2107 = arith.extui %sign3A_2106 : i1 to i32
      %sign3A_2108 = arith.subi %sign3A_2104, %sign3A_2107 : i32
      %sign3A_2109 = arith.constant 0 : i32
      %sign3A_2110 = arith.cmpi sgt, %jit3A_2100, %sign3A_2109 : i32
      %sign3A_2111 = arith.extui %sign3A_2110 : i1 to i32
      %sign3A_2112 = arith.constant 0 : i32
      %sign3A_2113 = arith.cmpi slt, %jit3A_2100, %sign3A_2112 : i32
      %sign3A_2114 = arith.extui %sign3A_2113 : i1 to i32
      %sign3A_2115 = arith.subi %sign3A_2111, %sign3A_2114 : i32
      %ne3A_2116 = arith.cmpi ne, %sign3A_2108, %sign3A_2115 : i32
      %rem3A_2117 = arith.remsi %mul3A_1199, %jit3A_2100 : i32
      %ne3A_2118 = arith.constant 0 : i32
      %ne3A_2119 = arith.cmpi ne, %rem3A_2117, %ne3A_2118 : i32
      %and3A_2120 = arith.andi %ne3A_2116, %ne3A_2119 : i1
      %sub3A_2121 = arith.constant 1 : i32
      %sub3A_2122 = arith.subi %div3A_2101, %sub3A_2121 : i32
      %select_n3A_2123 = arith.select %and3A_2120, %sub3A_2122, %div3A_2101 : i32
      %add3A_2124 = vector.broadcast %select_n3A_2123 : i32 to vector<16xi32>
      %add3A_2125 = arith.addi %add3A_2124, %shift_right_logical3A_11 : vector<16xi32>
      %add3A_2126 = arith.constant 30 : i32
      %add3A_2127 = vector.broadcast %add3A_2126 : i32 to vector<16xi32>
      %add3A_2128 = arith.addi %mul3A_17, %add3A_2127 : vector<16xi32>
      %gather3A_2129 = tpu.vector_load_idx %arg6[%add3A_2125, %add3A_2128] : memref<128x128xf32, #tpu.memory_space<vmem>>[vector<16xi32>, vector<16xi32>], vector<16xf32>,
      %jit3A_2130 = arith.constant 4 : i32
      %div3A_2131 = arith.divsi %mul3A_1199, %jit3A_2130 : i32
      %sign3A_2132 = arith.constant 0 : i32
      %sign3A_2133 = arith.cmpi sgt, %mul3A_1199, %sign3A_2132 : i32
      %sign3A_2134 = arith.extui %sign3A_2133 : i1 to i32
      %sign3A_2135 = arith.constant 0 : i32
      %sign3A_2136 = arith.cmpi slt, %mul3A_1199, %sign3A_2135 : i32
      %sign3A_2137 = arith.extui %sign3A_2136 : i1 to i32
      %sign3A_2138 = arith.subi %sign3A_2134, %sign3A_2137 : i32
      %sign3A_2139 = arith.constant 0 : i32
      %sign3A_2140 = arith.cmpi sgt, %jit3A_2130, %sign3A_2139 : i32
      %sign3A_2141 = arith.extui %sign3A_2140 : i1 to i32
      %sign3A_2142 = arith.constant 0 : i32
      %sign3A_2143 = arith.cmpi slt, %jit3A_2130, %sign3A_2142 : i32
      %sign3A_2144 = arith.extui %sign3A_2143 : i1 to i32
      %sign3A_2145 = arith.subi %sign3A_2141, %sign3A_2144 : i32
      %ne3A_2146 = arith.cmpi ne, %sign3A_2138, %sign3A_2145 : i32
      %rem3A_2147 = arith.remsi %mul3A_1199, %jit3A_2130 : i32
      %ne3A_2148 = arith.constant 0 : i32
      %ne3A_2149 = arith.cmpi ne, %rem3A_2147, %ne3A_2148 : i32
      %and3A_2150 = arith.andi %ne3A_2146, %ne3A_2149 : i1
      %sub3A_2151 = arith.constant 1 : i32
      %sub3A_2152 = arith.subi %div3A_2131, %sub3A_2151 : i32
      %select_n3A_2153 = arith.select %and3A_2150, %sub3A_2152, %div3A_2131 : i32
      %add3A_2154 = vector.broadcast %select_n3A_2153 : i32 to vector<16xi32>
      %add3A_2155 = arith.addi %add3A_2154, %shift_right_logical3A_11 : vector<16xi32>
      %add3A_2156 = arith.constant 31 : i32
      %add3A_2157 = vector.broadcast %add3A_2156 : i32 to vector<16xi32>
      %add3A_2158 = arith.addi %mul3A_17, %add3A_2157 : vector<16xi32>
      %gather3A_2159 = tpu.vector_load_idx %arg6[%add3A_2155, %add3A_2158] : memref<128x128xf32, #tpu.memory_space<vmem>>[vector<16xi32>, vector<16xi32>], vector<16xf32>,
      %mul3A_2160 = arith.constant 400 : i32
      %mul3A_2161 = arith.muli %add3A_1197, %mul3A_2160 : i32
      %add3A_2162 = vector.broadcast %mul3A_2161 : i32 to vector<16xi32>
      %add3A_2163 = arith.addi %add3A_2162, %add3A_21 : vector<16xi32>
      %scan3A_2164 = arith.constant 0 : i32
      %scan3A_2165 = arith.constant 0 : i32
      %scan3A_2166 = arith.constant 25 : i32
      %scan3A_2167 = arith.addi %scan3A_2165, %scan3A_2166 : i32
      %scan3A_2168 = arith.constant 1 : i32
      scf.for %scan3A_2170 = %scan3A_2165 to %scan3A_2167 step %scan3A_2168  : i32 {
        %mul3A_2171 = arith.constant 2 : i32
        %mul3A_2172 = arith.muli %mul3A_2171, %scan3A_2170 : i32
        %add3A_2173 = vector.broadcast %mul3A_2172 : i32 to vector<16xi32>
        %add3A_2174 = arith.addi %add3A_21, %add3A_2173 : vector<16xi32>
        %broadcast_in_dim3A = arith.constant 0 : i32
        %broadcast_in_dim3A_2175 = vector.broadcast %broadcast_in_dim3A : i32 to vector<16xi32>
        %gather3A_2176 = tpu.vector_load_idx %arg9[%add3A_2174, %broadcast_in_dim3A_2175] : memref<400x32xf32, #tpu.memory_space<vmem>>[vector<16xi32>, vector<16xi32>], vector<16xf32>,
        %mul3A_2177 = arith.mulf %gather3A_1229, %gather3A_2176 : vector<16xf32>
        %broadcast_in_dim3A_2178 = arith.constant 1 : i32
        %broadcast_in_dim3A_2179 = vector.broadcast %broadcast_in_dim3A_2178 : i32 to vector<16xi32>
        %gather3A_2180 = tpu.vector_load_idx %arg9[%add3A_2174, %broadcast_in_dim3A_2179] : memref<400x32xf32, #tpu.memory_space<vmem>>[vector<16xi32>, vector<16xi32>], vector<16xf32>,
        %mul3A_2181 = arith.mulf %gather3A_1259, %gather3A_2180 : vector<16xf32>
        %broadcast_in_dim3A_2182 = arith.constant 2 : i32
        %broadcast_in_dim3A_2183 = vector.broadcast %broadcast_in_dim3A_2182 : i32 to vector<16xi32>
        %gather3A_2184 = tpu.vector_load_idx %arg9[%add3A_2174, %broadcast_in_dim3A_2183] : memref<400x32xf32, #tpu.memory_space<vmem>>[vector<16xi32>, vector<16xi32>], vector<16xf32>,
        %mul3A_2185 = arith.mulf %gather3A_1289, %gather3A_2184 : vector<16xf32>
        %broadcast_in_dim3A_2186 = arith.constant 3 : i32
        %broadcast_in_dim3A_2187 = vector.broadcast %broadcast_in_dim3A_2186 : i32 to vector<16xi32>
        %gather3A_2188 = tpu.vector_load_idx %arg9[%add3A_2174, %broadcast_in_dim3A_2187] : memref<400x32xf32, #tpu.memory_space<vmem>>[vector<16xi32>, vector<16xi32>], vector<16xf32>,
        %mul3A_2189 = arith.mulf %gather3A_1319, %gather3A_2188 : vector<16xf32>
        %broadcast_in_dim3A_2190 = arith.constant 4 : i32
        %broadcast_in_dim3A_2191 = vector.broadcast %broadcast_in_dim3A_2190 : i32 to vector<16xi32>
        %gather3A_2192 = tpu.vector_load_idx %arg9[%add3A_2174, %broadcast_in_dim3A_2191] : memref<400x32xf32, #tpu.memory_space<vmem>>[vector<16xi32>, vector<16xi32>], vector<16xf32>,
        %mul3A_2193 = arith.mulf %gather3A_1349, %gather3A_2192 : vector<16xf32>
        %broadcast_in_dim3A_2194 = arith.constant 5 : i32
        %broadcast_in_dim3A_2195 = vector.broadcast %broadcast_in_dim3A_2194 : i32 to vector<16xi32>
        %gather3A_2196 = tpu.vector_load_idx %arg9[%add3A_2174, %broadcast_in_dim3A_2195] : memref<400x32xf32, #tpu.memory_space<vmem>>[vector<16xi32>, vector<16xi32>], vector<16xf32>,
        %mul3A_2197 = arith.mulf %gather3A_1379, %gather3A_2196 : vector<16xf32>
        %broadcast_in_dim3A_2198 = arith.constant 6 : i32
        %broadcast_in_dim3A_2199 = vector.broadcast %broadcast_in_dim3A_2198 : i32 to vector<16xi32>
        %gather3A_2200 = tpu.vector_load_idx %arg9[%add3A_2174, %broadcast_in_dim3A_2199] : memref<400x32xf32, #tpu.memory_space<vmem>>[vector<16xi32>, vector<16xi32>], vector<16xf32>,
        %mul3A_2201 = arith.mulf %gather3A_1409, %gather3A_2200 : vector<16xf32>
        %broadcast_in_dim3A_2202 = arith.constant 7 : i32
        %broadcast_in_dim3A_2203 = vector.broadcast %broadcast_in_dim3A_2202 : i32 to vector<16xi32>
        %gather3A_2204 = tpu.vector_load_idx %arg9[%add3A_2174, %broadcast_in_dim3A_2203] : memref<400x32xf32, #tpu.memory_space<vmem>>[vector<16xi32>, vector<16xi32>], vector<16xf32>,
        %mul3A_2205 = arith.mulf %gather3A_1439, %gather3A_2204 : vector<16xf32>
        %broadcast_in_dim3A_2206 = arith.constant 8 : i32
        %broadcast_in_dim3A_2207 = vector.broadcast %broadcast_in_dim3A_2206 : i32 to vector<16xi32>
        %gather3A_2208 = tpu.vector_load_idx %arg9[%add3A_2174, %broadcast_in_dim3A_2207] : memref<400x32xf32, #tpu.memory_space<vmem>>[vector<16xi32>, vector<16xi32>], vector<16xf32>,
        %mul3A_2209 = arith.mulf %gather3A_1469, %gather3A_2208 : vector<16xf32>
        %broadcast_in_dim3A_2210 = arith.constant 9 : i32
        %broadcast_in_dim3A_2211 = vector.broadcast %broadcast_in_dim3A_2210 : i32 to vector<16xi32>
        %gather3A_2212 = tpu.vector_load_idx %arg9[%add3A_2174, %broadcast_in_dim3A_2211] : memref<400x32xf32, #tpu.memory_space<vmem>>[vector<16xi32>, vector<16xi32>], vector<16xf32>,
        %mul3A_2213 = arith.mulf %gather3A_1499, %gather3A_2212 : vector<16xf32>
        %broadcast_in_dim3A_2214 = arith.constant 10 : i32
        %broadcast_in_dim3A_2215 = vector.broadcast %broadcast_in_dim3A_2214 : i32 to vector<16xi32>
        %gather3A_2216 = tpu.vector_load_idx %arg9[%add3A_2174, %broadcast_in_dim3A_2215] : memref<400x32xf32, #tpu.memory_space<vmem>>[vector<16xi32>, vector<16xi32>], vector<16xf32>,
        %mul3A_2217 = arith.mulf %gather3A_1529, %gather3A_2216 : vector<16xf32>
        %broadcast_in_dim3A_2218 = arith.constant 11 : i32
        %broadcast_in_dim3A_2219 = vector.broadcast %broadcast_in_dim3A_2218 : i32 to vector<16xi32>
        %gather3A_2220 = tpu.vector_load_idx %arg9[%add3A_2174, %broadcast_in_dim3A_2219] : memref<400x32xf32, #tpu.memory_space<vmem>>[vector<16xi32>, vector<16xi32>], vector<16xf32>,
        %mul3A_2221 = arith.mulf %gather3A_1559, %gather3A_2220 : vector<16xf32>
        %broadcast_in_dim3A_2222 = arith.constant 12 : i32
        %broadcast_in_dim3A_2223 = vector.broadcast %broadcast_in_dim3A_2222 : i32 to vector<16xi32>
        %gather3A_2224 = tpu.vector_load_idx %arg9[%add3A_2174, %broadcast_in_dim3A_2223] : memref<400x32xf32, #tpu.memory_space<vmem>>[vector<16xi32>, vector<16xi32>], vector<16xf32>,
        %mul3A_2225 = arith.mulf %gather3A_1589, %gather3A_2224 : vector<16xf32>
        %broadcast_in_dim3A_2226 = arith.constant 13 : i32
        %broadcast_in_dim3A_2227 = vector.broadcast %broadcast_in_dim3A_2226 : i32 to vector<16xi32>
        %gather3A_2228 = tpu.vector_load_idx %arg9[%add3A_2174, %broadcast_in_dim3A_2227] : memref<400x32xf32, #tpu.memory_space<vmem>>[vector<16xi32>, vector<16xi32>], vector<16xf32>,
        %mul3A_2229 = arith.mulf %gather3A_1619, %gather3A_2228 : vector<16xf32>
        %broadcast_in_dim3A_2230 = arith.constant 14 : i32
        %broadcast_in_dim3A_2231 = vector.broadcast %broadcast_in_dim3A_2230 : i32 to vector<16xi32>
        %gather3A_2232 = tpu.vector_load_idx %arg9[%add3A_2174, %broadcast_in_dim3A_2231] : memref<400x32xf32, #tpu.memory_space<vmem>>[vector<16xi32>, vector<16xi32>], vector<16xf32>,
        %mul3A_2233 = arith.mulf %gather3A_1649, %gather3A_2232 : vector<16xf32>
        %broadcast_in_dim3A_2234 = arith.constant 15 : i32
        %broadcast_in_dim3A_2235 = vector.broadcast %broadcast_in_dim3A_2234 : i32 to vector<16xi32>
        %gather3A_2236 = tpu.vector_load_idx %arg9[%add3A_2174, %broadcast_in_dim3A_2235] : memref<400x32xf32, #tpu.memory_space<vmem>>[vector<16xi32>, vector<16xi32>], vector<16xf32>,
        %mul3A_2237 = arith.mulf %gather3A_1679, %gather3A_2236 : vector<16xf32>
        %broadcast_in_dim3A_2238 = arith.constant 16 : i32
        %broadcast_in_dim3A_2239 = vector.broadcast %broadcast_in_dim3A_2238 : i32 to vector<16xi32>
        %gather3A_2240 = tpu.vector_load_idx %arg9[%add3A_2174, %broadcast_in_dim3A_2239] : memref<400x32xf32, #tpu.memory_space<vmem>>[vector<16xi32>, vector<16xi32>], vector<16xf32>,
        %mul3A_2241 = arith.mulf %gather3A_1709, %gather3A_2240 : vector<16xf32>
        %broadcast_in_dim3A_2242 = arith.constant 17 : i32
        %broadcast_in_dim3A_2243 = vector.broadcast %broadcast_in_dim3A_2242 : i32 to vector<16xi32>
        %gather3A_2244 = tpu.vector_load_idx %arg9[%add3A_2174, %broadcast_in_dim3A_2243] : memref<400x32xf32, #tpu.memory_space<vmem>>[vector<16xi32>, vector<16xi32>], vector<16xf32>,
        %mul3A_2245 = arith.mulf %gather3A_1739, %gather3A_2244 : vector<16xf32>
        %broadcast_in_dim3A_2246 = arith.constant 18 : i32
        %broadcast_in_dim3A_2247 = vector.broadcast %broadcast_in_dim3A_2246 : i32 to vector<16xi32>
        %gather3A_2248 = tpu.vector_load_idx %arg9[%add3A_2174, %broadcast_in_dim3A_2247] : memref<400x32xf32, #tpu.memory_space<vmem>>[vector<16xi32>, vector<16xi32>], vector<16xf32>,
        %mul3A_2249 = arith.mulf %gather3A_1769, %gather3A_2248 : vector<16xf32>
        %broadcast_in_dim3A_2250 = arith.constant 19 : i32
        %broadcast_in_dim3A_2251 = vector.broadcast %broadcast_in_dim3A_2250 : i32 to vector<16xi32>
        %gather3A_2252 = tpu.vector_load_idx %arg9[%add3A_2174, %broadcast_in_dim3A_2251] : memref<400x32xf32, #tpu.memory_space<vmem>>[vector<16xi32>, vector<16xi32>], vector<16xf32>,
        %mul3A_2253 = arith.mulf %gather3A_1799, %gather3A_2252 : vector<16xf32>
        %broadcast_in_dim3A_2254 = arith.constant 20 : i32
        %broadcast_in_dim3A_2255 = vector.broadcast %broadcast_in_dim3A_2254 : i32 to vector<16xi32>
        %gather3A_2256 = tpu.vector_load_idx %arg9[%add3A_2174, %broadcast_in_dim3A_2255] : memref<400x32xf32, #tpu.memory_space<vmem>>[vector<16xi32>, vector<16xi32>], vector<16xf32>,
        %mul3A_2257 = arith.mulf %gather3A_1829, %gather3A_2256 : vector<16xf32>
        %broadcast_in_dim3A_2258 = arith.constant 21 : i32
        %broadcast_in_dim3A_2259 = vector.broadcast %broadcast_in_dim3A_2258 : i32 to vector<16xi32>
        %gather3A_2260 = tpu.vector_load_idx %arg9[%add3A_2174, %broadcast_in_dim3A_2259] : memref<400x32xf32, #tpu.memory_space<vmem>>[vector<16xi32>, vector<16xi32>], vector<16xf32>,
        %mul3A_2261 = arith.mulf %gather3A_1859, %gather3A_2260 : vector<16xf32>
        %broadcast_in_dim3A_2262 = arith.constant 22 : i32
        %broadcast_in_dim3A_2263 = vector.broadcast %broadcast_in_dim3A_2262 : i32 to vector<16xi32>
        %gather3A_2264 = tpu.vector_load_idx %arg9[%add3A_2174, %broadcast_in_dim3A_2263] : memref<400x32xf32, #tpu.memory_space<vmem>>[vector<16xi32>, vector<16xi32>], vector<16xf32>,
        %mul3A_2265 = arith.mulf %gather3A_1889, %gather3A_2264 : vector<16xf32>
        %broadcast_in_dim3A_2266 = arith.constant 23 : i32
        %broadcast_in_dim3A_2267 = vector.broadcast %broadcast_in_dim3A_2266 : i32 to vector<16xi32>
        %gather3A_2268 = tpu.vector_load_idx %arg9[%add3A_2174, %broadcast_in_dim3A_2267] : memref<400x32xf32, #tpu.memory_space<vmem>>[vector<16xi32>, vector<16xi32>], vector<16xf32>,
        %mul3A_2269 = arith.mulf %gather3A_1919, %gather3A_2268 : vector<16xf32>
        %broadcast_in_dim3A_2270 = arith.constant 24 : i32
        %broadcast_in_dim3A_2271 = vector.broadcast %broadcast_in_dim3A_2270 : i32 to vector<16xi32>
        %gather3A_2272 = tpu.vector_load_idx %arg9[%add3A_2174, %broadcast_in_dim3A_2271] : memref<400x32xf32, #tpu.memory_space<vmem>>[vector<16xi32>, vector<16xi32>], vector<16xf32>,
        %mul3A_2273 = arith.mulf %gather3A_1949, %gather3A_2272 : vector<16xf32>
        %broadcast_in_dim3A_2274 = arith.constant 25 : i32
        %broadcast_in_dim3A_2275 = vector.broadcast %broadcast_in_dim3A_2274 : i32 to vector<16xi32>
        %gather3A_2276 = tpu.vector_load_idx %arg9[%add3A_2174, %broadcast_in_dim3A_2275] : memref<400x32xf32, #tpu.memory_space<vmem>>[vector<16xi32>, vector<16xi32>], vector<16xf32>,
        %mul3A_2277 = arith.mulf %gather3A_1979, %gather3A_2276 : vector<16xf32>
        %broadcast_in_dim3A_2278 = arith.constant 26 : i32
        %broadcast_in_dim3A_2279 = vector.broadcast %broadcast_in_dim3A_2278 : i32 to vector<16xi32>
        %gather3A_2280 = tpu.vector_load_idx %arg9[%add3A_2174, %broadcast_in_dim3A_2279] : memref<400x32xf32, #tpu.memory_space<vmem>>[vector<16xi32>, vector<16xi32>], vector<16xf32>,
        %mul3A_2281 = arith.mulf %gather3A_2009, %gather3A_2280 : vector<16xf32>
        %broadcast_in_dim3A_2282 = arith.constant 27 : i32
        %broadcast_in_dim3A_2283 = vector.broadcast %broadcast_in_dim3A_2282 : i32 to vector<16xi32>
        %gather3A_2284 = tpu.vector_load_idx %arg9[%add3A_2174, %broadcast_in_dim3A_2283] : memref<400x32xf32, #tpu.memory_space<vmem>>[vector<16xi32>, vector<16xi32>], vector<16xf32>,
        %mul3A_2285 = arith.mulf %gather3A_2039, %gather3A_2284 : vector<16xf32>
        %broadcast_in_dim3A_2286 = arith.constant 28 : i32
        %broadcast_in_dim3A_2287 = vector.broadcast %broadcast_in_dim3A_2286 : i32 to vector<16xi32>
        %gather3A_2288 = tpu.vector_load_idx %arg9[%add3A_2174, %broadcast_in_dim3A_2287] : memref<400x32xf32, #tpu.memory_space<vmem>>[vector<16xi32>, vector<16xi32>], vector<16xf32>,
        %mul3A_2289 = arith.mulf %gather3A_2069, %gather3A_2288 : vector<16xf32>
        %broadcast_in_dim3A_2290 = arith.constant 29 : i32
        %broadcast_in_dim3A_2291 = vector.broadcast %broadcast_in_dim3A_2290 : i32 to vector<16xi32>
        %gather3A_2292 = tpu.vector_load_idx %arg9[%add3A_2174, %broadcast_in_dim3A_2291] : memref<400x32xf32, #tpu.memory_space<vmem>>[vector<16xi32>, vector<16xi32>], vector<16xf32>,
        %mul3A_2293 = arith.mulf %gather3A_2099, %gather3A_2292 : vector<16xf32>
        %broadcast_in_dim3A_2294 = arith.constant 30 : i32
        %broadcast_in_dim3A_2295 = vector.broadcast %broadcast_in_dim3A_2294 : i32 to vector<16xi32>
        %gather3A_2296 = tpu.vector_load_idx %arg9[%add3A_2174, %broadcast_in_dim3A_2295] : memref<400x32xf32, #tpu.memory_space<vmem>>[vector<16xi32>, vector<16xi32>], vector<16xf32>,
        %mul3A_2297 = arith.mulf %gather3A_2129, %gather3A_2296 : vector<16xf32>
        %broadcast_in_dim3A_2298 = arith.constant 31 : i32
        %broadcast_in_dim3A_2299 = vector.broadcast %broadcast_in_dim3A_2298 : i32 to vector<16xi32>
        %gather3A_2300 = tpu.vector_load_idx %arg9[%add3A_2174, %broadcast_in_dim3A_2299] : memref<400x32xf32, #tpu.memory_space<vmem>>[vector<16xi32>, vector<16xi32>], vector<16xf32>,
        %mul3A_2301 = arith.mulf %gather3A_2159, %gather3A_2300 : vector<16xf32>
        %add3A_2302 = arith.addf %mul3A_2177, %mul3A_2181 : vector<16xf32>
        %add3A_2303 = arith.addf %mul3A_2185, %mul3A_2189 : vector<16xf32>
        %add3A_2304 = arith.addf %mul3A_2193, %mul3A_2197 : vector<16xf32>
        %add3A_2305 = arith.addf %mul3A_2201, %mul3A_2205 : vector<16xf32>
        %add3A_2306 = arith.addf %mul3A_2209, %mul3A_2213 : vector<16xf32>
        %add3A_2307 = arith.addf %mul3A_2217, %mul3A_2221 : vector<16xf32>
        %add3A_2308 = arith.addf %mul3A_2225, %mul3A_2229 : vector<16xf32>
        %add3A_2309 = arith.addf %mul3A_2233, %mul3A_2237 : vector<16xf32>
        %add3A_2310 = arith.addf %mul3A_2241, %mul3A_2245 : vector<16xf32>
        %add3A_2311 = arith.addf %mul3A_2249, %mul3A_2253 : vector<16xf32>
        %add3A_2312 = arith.addf %mul3A_2257, %mul3A_2261 : vector<16xf32>
        %add3A_2313 = arith.addf %mul3A_2265, %mul3A_2269 : vector<16xf32>
        %add3A_2314 = arith.addf %mul3A_2273, %mul3A_2277 : vector<16xf32>
        %add3A_2315 = arith.addf %mul3A_2281, %mul3A_2285 : vector<16xf32>
        %add3A_2316 = arith.addf %mul3A_2289, %mul3A_2293 : vector<16xf32>
        %add3A_2317 = arith.addf %mul3A_2297, %mul3A_2301 : vector<16xf32>
        %add3A_2318 = arith.addf %add3A_2302, %add3A_2303 : vector<16xf32>
        %add3A_2319 = arith.addf %add3A_2304, %add3A_2305 : vector<16xf32>
        %add3A_2320 = arith.addf %add3A_2306, %add3A_2307 : vector<16xf32>
        %add3A_2321 = arith.addf %add3A_2308, %add3A_2309 : vector<16xf32>
        %add3A_2322 = arith.addf %add3A_2310, %add3A_2311 : vector<16xf32>
        %add3A_2323 = arith.addf %add3A_2312, %add3A_2313 : vector<16xf32>
        %add3A_2324 = arith.addf %add3A_2314, %add3A_2315 : vector<16xf32>
        %add3A_2325 = arith.addf %add3A_2316, %add3A_2317 : vector<16xf32>
        %add3A_2326 = arith.addf %add3A_2318, %add3A_2319 : vector<16xf32>
        %add3A_2327 = arith.addf %add3A_2320, %add3A_2321 : vector<16xf32>
        %add3A_2328 = arith.addf %add3A_2322, %add3A_2323 : vector<16xf32>
        %add3A_2329 = arith.addf %add3A_2324, %add3A_2325 : vector<16xf32>
        %add3A_2330 = arith.addf %add3A_2326, %add3A_2327 : vector<16xf32>
        %add3A_2331 = arith.addf %add3A_2328, %add3A_2329 : vector<16xf32>
        %add3A_2332 = arith.addf %add3A_2330, %add3A_2331 : vector<16xf32>
        %mul3A_2333 = arith.constant 2 : i32
        %mul3A_2334 = arith.muli %mul3A_2333, %scan3A_2170 : i32
        %add3A_2335 = vector.broadcast %mul3A_2334 : i32 to vector<16xi32>
        %add3A_2336 = arith.addi %add3A_2163, %add3A_2335 : vector<16xi32>
        tpu.vector_store_idx %arg10[%add3A_2336], %add3A_2332 : memref<25600xf32, #tpu.memory_space<vmem>>[vector<16xi32>], vector<16xf32>,
      }
      %scan3A_2169 = arith.constant 25 : i32
    }
    %scan3A_65 = arith.constant 32 : i32
    %mul3A_66 = arith.constant 25600 : i32
    %mul3A_67 = arith.muli %add3A, %mul3A_66 : i32
    "tpu.region"() ({
      %run_scoped3A = tpu.sem_alloc : memref<!tpu.dma_semaphore, #tpu.memory_space<semaphore_mem>>
      %dma_start3A_68 = tpu.memref_slice %arg5[%mul3A_67] : memref<819200xf32, #tpu.memory_space<hbm>> -> memref<25600xf32, #tpu.memory_space<hbm>>
      %dma_start3A_69 = tpu.memref_slice %arg5[%mul3A_67] : memref<819200xf32, #tpu.memory_space<hbm>> -> memref<25600xf32, #tpu.memory_space<hbm>>
      tpu.enqueue_dma source(%arg10 : memref<25600xf32, #tpu.memory_space<vmem>>) target(%dma_start3A_69 : memref<25600xf32, #tpu.memory_space<hbm>>) target_semaphore(%run_scoped3A : memref<!tpu.dma_semaphore, #tpu.memory_space<semaphore_mem>>)
      %dma_wait3A = tpu.memref_slice %arg5[%mul3A_67] : memref<819200xf32, #tpu.memory_space<hbm>> -> memref<25600xf32, #tpu.memory_space<hbm>>
      %dma_wait3A_70 = tpu.memref_slice %arg5[%mul3A_67] : memref<819200xf32, #tpu.memory_space<hbm>> -> memref<25600xf32, #tpu.memory_space<hbm>>
      tpu.wait_dma2 semaphore(%run_scoped3A : memref<!tpu.dma_semaphore, #tpu.memory_space<semaphore_mem>>) src(%arg10 : memref<25600xf32, #tpu.memory_space<vmem>>) dst(%dma_wait3A_70 : memref<25600xf32, #tpu.memory_space<hbm>>)
      tpu.yield
    }) : () -> ()
    return
  }
}

module attributes {stable_mosaic.version = 14 : i64} {
  func.func @_tc_padt_body(%arg0: i32, %arg1: memref<32x32768xf32, #tpu.memory_space<vmem>>, %arg2: memref<8192x128xf32, #tpu.memory_space<vmem>>) attributes {dimension_semantics = [#tpu.dimension_semantics<arbitrary>], iteration_bounds = array<i64: 31>, scalar_prefetch = 0 : i64, scratch_operands = 0 : i64, tpu.core_type = #tpu.core_type<tc>, window_params = [{transform_indices = @transform_0, window_bounds = array<i64: 32, 32768>}, {transform_indices = @transform_1, window_bounds = array<i64: 8192, 128>}]} {
    %get3A = arith.constant 0 : index
    %get3A_0 = arith.constant 0 : index
    %get3A_1 = vector.load %arg1[%get3A, %get3A_0] : memref<32x32768xf32, #tpu.memory_space<vmem>>, vector<32x8192xf32>
    %transpose3A = tpu.transpose %get3A_1, [1, 0] : vector<32x8192xf32> -> vector<8192x32xf32>
    %swap3A = arith.constant 0 : index
    %swap3A_2 = arith.constant 0 : index
    %swap3A_3 = vector.load %arg2[%swap3A, %swap3A_2] : memref<8192x128xf32, #tpu.memory_space<vmem>>, vector<8192x32xf32>
    tpu.vector_store %arg2[%swap3A, %swap3A_2], %transpose3A {strides = array<i32>} : memref<8192x128xf32, #tpu.memory_space<vmem>>, vector<8192x32xf32>,
    %get3A_4 = arith.constant 0 : index
    %get3A_5 = arith.constant 8192 : index
    %get3A_6 = vector.load %arg1[%get3A_4, %get3A_5] : memref<32x32768xf32, #tpu.memory_space<vmem>>, vector<32x8192xf32>
    %transpose3A_7 = tpu.transpose %get3A_6, [1, 0] : vector<32x8192xf32> -> vector<8192x32xf32>
    %swap3A_8 = arith.constant 0 : index
    %swap3A_9 = arith.constant 32 : index
    %swap3A_10 = vector.load %arg2[%swap3A_8, %swap3A_9] : memref<8192x128xf32, #tpu.memory_space<vmem>>, vector<8192x32xf32>
    tpu.vector_store %arg2[%swap3A_8, %swap3A_9], %transpose3A_7 {strides = array<i32>} : memref<8192x128xf32, #tpu.memory_space<vmem>>, vector<8192x32xf32>,
    %get3A_11 = arith.constant 0 : index
    %get3A_12 = arith.constant 16384 : index
    %get3A_13 = vector.load %arg1[%get3A_11, %get3A_12] : memref<32x32768xf32, #tpu.memory_space<vmem>>, vector<32x8192xf32>
    %transpose3A_14 = tpu.transpose %get3A_13, [1, 0] : vector<32x8192xf32> -> vector<8192x32xf32>
    %swap3A_15 = arith.constant 0 : index
    %swap3A_16 = arith.constant 64 : index
    %swap3A_17 = vector.load %arg2[%swap3A_15, %swap3A_16] : memref<8192x128xf32, #tpu.memory_space<vmem>>, vector<8192x32xf32>
    tpu.vector_store %arg2[%swap3A_15, %swap3A_16], %transpose3A_14 {strides = array<i32>} : memref<8192x128xf32, #tpu.memory_space<vmem>>, vector<8192x32xf32>,
    %get3A_18 = arith.constant 0 : index
    %get3A_19 = arith.constant 24576 : index
    %get3A_20 = vector.load %arg1[%get3A_18, %get3A_19] : memref<32x32768xf32, #tpu.memory_space<vmem>>, vector<32x8192xf32>
    %transpose3A_21 = tpu.transpose %get3A_20, [1, 0] : vector<32x8192xf32> -> vector<8192x32xf32>
    %swap3A_22 = arith.constant 0 : index
    %swap3A_23 = arith.constant 96 : index
    %swap3A_24 = vector.load %arg2[%swap3A_22, %swap3A_23] : memref<8192x128xf32, #tpu.memory_space<vmem>>, vector<8192x32xf32>
    tpu.vector_store %arg2[%swap3A_22, %swap3A_23], %transpose3A_21 {strides = array<i32>} : memref<8192x128xf32, #tpu.memory_space<vmem>>, vector<8192x32xf32>,
    return
  }
  func.func @transform_0(%arg0: i32) -> (i32, i32) {
    %c0_i32 = arith.constant 0 : i32
    %c0_i32_0 = arith.constant 0 : i32
    return %c0_i32, %arg0 : i32, i32
  }
  func.func @transform_1(%arg0: i32) -> (i32, i32) {
    %c0_i32 = arith.constant 0 : i32
    %c0_i32_0 = arith.constant 0 : i32
    return %arg0, %c0_i32 : i32, i32
  }
}

module attributes {stable_mosaic.version = 14 : i64} {
  func.func @_tc_loss_body(%arg0: memref<6400x128xf32, #tpu.memory_space<vmem>>, %arg1: memref<1x1xf32, #tpu.memory_space<smem>>) attributes {dimension_semantics = [], scalar_prefetch = 0 : i64, scratch_operands = 0 : i64, tpu.core_type = #tpu.core_type<tc>} {
    %get3A = arith.constant 0 : index
    %get3A_0 = arith.constant 0 : index
    %get3A_1 = vector.load %arg0[%get3A, %get3A_0] : memref<6400x128xf32, #tpu.memory_space<vmem>>, vector<6400x128xf32>
    %neg3A = arith.constant 0.000000e+00 : f32
    %neg3A_2 = vector.broadcast %neg3A : f32 to vector<6400x128xf32>
    %neg3A_3 = arith.subf %neg3A_2, %get3A_1 : vector<6400x128xf32>
    %max3A = arith.constant 0.000000e+00 : f32
    %max3A_4 = vector.broadcast %max3A : f32 to vector<6400x128xf32>
    %max3A_5 = arith.maximumf %neg3A_3, %max3A_4 : vector<6400x128xf32>
    %abs3A = math.absf %neg3A_3 : vector<6400x128xf32>
    %neg3A_6 = arith.constant 0.000000e+00 : f32
    %neg3A_7 = vector.broadcast %neg3A_6 : f32 to vector<6400x128xf32>
    %neg3A_8 = arith.subf %neg3A_7, %abs3A : vector<6400x128xf32>
    %exp3A = math.exp %neg3A_8 : vector<6400x128xf32>
    %add3A = arith.constant 1.000000e+00 : f32
    %add3A_9 = vector.broadcast %add3A : f32 to vector<6400x128xf32>
    %add3A_10 = arith.addf %add3A_9, %exp3A : vector<6400x128xf32>
    %log3A = math.log %add3A_10 : vector<6400x128xf32>
    %add3A_11 = arith.addf %max3A_5, %log3A : vector<6400x128xf32>
    %reduce_sum3A = vector.shape_cast %add3A_11 : vector<6400x128xf32> to vector<1x6400x128xf32>
    %reduce_sum3A_12 = arith.constant dense<0.000000e+00> : vector<1xf32>
    %reduce_sum3A_13 = vector.multi_reduction <add>, %reduce_sum3A, %reduce_sum3A_12 [1, 2] : vector<1x6400x128xf32> to vector<1xf32>
    %reduce_sum3A_14 = vector.shape_cast %reduce_sum3A_13 : vector<1xf32> to vector<1x1x1xf32>
    %reduce_sum3A_15 = vector.extract %reduce_sum3A_14[0, 0, 0] : f32 from vector<1x1x1xf32>
    %mul3A = arith.constant 1.2207031E-6 : f32
    %mul3A_16 = arith.mulf %reduce_sum3A_15, %mul3A : f32
    %swap3A = arith.constant 0 : index
    %swap3A_17 = arith.constant 0 : index
    %swap3A_18 = memref.load %arg1[%swap3A, %swap3A_17] : memref<1x1xf32, #tpu.memory_space<smem>>
    memref.store %mul3A_16, %arg1[%swap3A, %swap3A_17] : memref<1x1xf32, #tpu.memory_space<smem>>
    return
  }
}

</mosaic_0001>

<sc_bundles>
// kernel: gather_offload_async_start
scs
__scs_entry_jumppad:
0x0: {  	(pc) =	sbr.rel $0x88, $3  }
0x1: {  	(tag) =	ssettag $0x0;
	lr =	simm.s32 $0x1  }
0x2: {  	[smem:$0x3F9D] =	sst lr;
	_ =	strace $0xD0000000  }
0x3: {  	_ = 	snop  }
0x4: {  	_ = 	snop  }
0x5: {  	_ = 	snop  }
0x6: {  	_ = 	snop  }
0x7: {  	_ = 	snop  }
__scs_overlays_trampoline_lowered:
0x8: {  	[smem:$0x3FAC] =	sst s0  }
0x9: {  	[smem:$0x3FAD] =	sst s1  }
0xa: {  	[smem:$0x3FAE] =	sst s2  }
0xb: {  	[smem:$0x3FAF] =	sst s3  }
0xc: {  	[smem:$0x3FB0] =	sst s4  }
0xd: {  	[smem:$0x3FB1] =	sst s5  }
0xe: {  	[smem:$0x3FB2] =	sst s6  }
0xf: {  	[smem:$0x3FB3] =	sst s7  }
0x10: {  	[smem:$0x3FB4] =	sst s8  }
0x11: {  	[smem:$0x3FB5] =	sst s9;
	s0 =	simm.s32 @!p0 $0x0  }
0x12: {  	s1 =	sld [smem:$0x3F9B];
	s0 =	simm.s32 @p0 $0x1  }
0x13: {  	[smem:$0x3FB6] =	sst s0;
	s0 =	simm.s32 @!p1 $0x0  }
0x14: {  	s2 =	sld [smem:$0x3F9A];
	s0 =	simm.s32 @p1 $0x1  }
0x15: {  	[smem:$0x3FB7] =	sst s0;
	s0 =	simm.s32 @!p2 $0x0  }
0x16: {  	s3 =	sld [smem:$0x3FDB];
	s0 =	simm.s32 @p2 $0x1  }
0x17: {  	s4 =	simm.s32 $0x1BF5;
	[smem:$0x3FB9] =	sst s0  }
0x18: {  	s0 =	sld [smem:$0x3F9C];
	_ =	swait.ge [sflag:s4], $0x0  }
0x19: {  	s7 =	sld [smem:$0x3F9D]  }
0x1a: {  	s8 =	sadd.s32 $0xFFFFE003, lr  }
0x1b: {  	s9 =	sadd.s32 $0xFFFFFEF7, lr;
	s5 =	simm.s32 $0xFFFFFFFF;
	p2 =	slt.u32 s8, $0xFFFFF086  }
0x1c: {  	p1 =	slt.u32 s9, $0xF7A;
	s5 =	simm.s32 @!p2 $0x0  }
0x1d: {  	s5 =	simm.s32 @p1 $0x1;
	p0 =	seq.s32 s7, s2  }
0x1e: {  	s7 =	smul.u32 @!p0 $0xF7A, s2;
	p2 =	seq.s32 @!p0 s5, $0x0  }
0x1f: {  	s9 =	smul.u32 $0xF7A, s1;
	s8 =	simm.s32 @!p0 $0x1BF5;
	p2 =	por !p2, p0  }
0x20: {  	[sflag:s8] =	ssyncset.s32 @!p0 $0xFFFFF086;
	s6 =	sadd.s32 @!p0 s3, s7;
	s7 =	simm.s32 @!p0 $0x108  }
0x21: {  	s3 =	sadd.s32 s3, s9;
	s6 =	sadd.s32 @!p0 $0x88, s6;
	s7 =	simm.s32 @p2 $0x1082  }
0x22: {  	[simem:s7], [sflag:s8] =	dma.local @!p0 [hbm:s6], $0xF7A  }
0x23: {  	s9 =	sor.u32 $0xD0000000, s2;
	s6 =	simm.s32 $0x108;
	_ =	swait.ge @!p0 [sflag:s8], $0x0  }
0x24: {  	s3 =	sadd.s32 $0x88, s3;
	s6 =	simm.s32 @!p1 $0x1082;
	[sflag:s4] =	ssyncset.s32 $0xFFFFF086  }
0x25: {  	[simem:s6], [sflag:s4] =	dma.local [hbm:s3], $0xF7A  }
0x26: {  	[smem:$0x3F9D] =	sst s1;
	(tag) =	ssettag s2;
	_ =	strace s9  }
0x27: {  	s1 =	sld [smem:$0x3FAD]  }
0x28: {  	s2 =	sld [smem:$0x3FAE]  }
0x29: {  	s4 =	sld [smem:$0x3FB0]  }
0x2a: {  	p0 =	seq.s32 s5, $0x0;
	s5 =	sld [smem:$0x3FB1]  }
0x2b: {  	s6 =	sld [smem:$0x3FB2]  }
0x2c: {  	s7 =	sld [smem:$0x3FB3]  }
0x2d: {  	s3 =	simm.s32 $0x108;
	s8 =	sld [smem:$0x3FB4]  }
0x2e: {  	s3 =	simm.s32 @!p0 $0x1082;
	s9 =	sld [smem:$0x3FB5]  }
0x2f: {  	lr =	sadd.s32 s0, s3;
	s0 =	sld [smem:$0x3FAC]  }
0x30: {  	s3 =	sld [smem:$0x3FAF]  }
0x31: {  	[smem:$0x3FB8] =	sst s10  }
0x32: {  	s10 =	sld [smem:$0x3FB6];
	_ =	sdelay $0x3  }
0x33: {  	p0 =	seq.s32 s10, $0x1;
	s10 =	sld [smem:$0x3FB8];
	_ =	sdelay $0x3  }
0x34: {  	[smem:$0x3FB8] =	sst s10  }
0x35: {  	s10 =	sld [smem:$0x3FB7];
	_ =	sdelay $0x3  }
0x36: {  	p1 =	seq.s32 s10, $0x1;
	s10 =	sld [smem:$0x3FB8];
	_ =	sdelay $0x3  }
0x37: {  	[smem:$0x3FB8] =	sst s10  }
0x38: {  	s10 =	sld [smem:$0x3FB9]  }
0x39: {  	_ = 	snop;
	(pc) =	sbr.ind lr, $3  }
0x3a: {  	_ = 	snop  }
0x3b: {  	_ = 	snop  }
0x3c: {  	p2 =	seq.s32 s10, $0x1;
	s10 =	sld [smem:$0x3FB8]  }
0x3d: {  	_ =	shalt  }
0x3e: {  	_ =	shalt  }
0x3f: {  	_ =	shalt  }
0x40: {  	_ =	shalt  }
0x41: {  	_ =	shalt  }
0x42: {  	_ =	shalt  }
0x43: {  	_ =	shalt  }
0x44: {  	_ =	shalt  }
0x45: {  	_ =	shalt  }
0x46: {  	_ =	shalt  }
0x47: {  	_ =	shalt  }
0x48: {  	_ =	shalt  }
0x49: {  	_ =	shalt  }
0x4a: {  	_ =	shalt  }
0x4b: {  	_ =	shalt  }
0x4c: {  	_ =	shalt  }
0x4d: {  	_ =	shalt  }
0x4e: {  	_ =	shalt  }
0x4f: {  	_ =	shalt  }
0x50: {  	_ =	shalt  }
0x51: {  	_ =	shalt  }
0x52: {  	_ =	shalt  }
0x53: {  	_ =	shalt  }
0x54: {  	_ =	shalt  }
0x55: {  	_ =	shalt  }
0x56: {  	_ =	shalt  }
0x57: {  	_ =	shalt  }
0x58: {  	_ =	shalt  }
0x59: {  	_ =	shalt  }
0x5a: {  	_ =	shalt  }
0x5b: {  	_ =	shalt  }
0x5c: {  	_ =	shalt  }
0x5d: {  	_ =	shalt  }
0x5e: {  	_ =	shalt  }
0x5f: {  	_ =	shalt  }
0x60: {  	_ =	shalt  }
0x61: {  	_ =	shalt  }
0x62: {  	_ =	shalt  }
0x63: {  	_ =	shalt  }
0x64: {  	_ =	shalt  }
0x65: {  	_ =	shalt  }
0x66: {  	_ =	shalt  }
0x67: {  	_ =	shalt  }
0x68: {  	_ =	shalt  }
0x69: {  	_ =	shalt  }
0x6a: {  	_ =	shalt  }
0x6b: {  	_ =	shalt  }
0x6c: {  	_ =	shalt  }
0x6d: {  	_ =	shalt  }
0x6e: {  	_ =	shalt  }
0x6f: {  	_ =	shalt  }
0x70: {  	_ =	shalt  }
0x71: {  	_ =	shalt  }
0x72: {  	_ =	shalt  }
0x73: {  	_ =	shalt  }
0x74: {  	_ =	shalt  }
0x75: {  	_ =	shalt  }
0x76: {  	_ =	shalt  }
0x77: {  	_ =	shalt  }
0x78: {  	_ =	shalt  }
0x79: {  	_ =	shalt  }
0x7a: {  	_ =	shalt  }
0x7b: {  	_ =	shalt  }
0x7c: {  	_ =	shalt  }
0x7d: {  	_ =	shalt  }
0x7e: {  	_ =	shalt  }
0x7f: {  	_ =	shalt  }
0x80: {  	_ =	shalt  }
0x81: {  	_ =	shalt  }
0x82: {  	_ =	shalt  }
0x83: {  	_ =	shalt  }
0x84: {  	_ =	shalt  }
0x85: {  	_ =	shalt  }
0x86: {  	_ =	shalt  }
0x87: {  	_ =	shalt  }
.Lfunc_end0:
.L_simem_size_0:
called_computation_lowered:
.L_overlay_start_0:
0x88: {  	s2 =	sld [smem:$0x3FD9]  }
0x89: {  	s3 =	sld [smem:$0x3FFE];
	_ =	sdelay $0x1  }
0x8a: {  	s1 =	srdreg.scid  }
0x8b: {  	s0 =	sand.u32 $0x1, s1  }
0x8c: {  	s17 =	sshll.u32 s0, $0xA;
	s2 =	sadd.s32 s3, s2  }
0x8d: {  	s2 =	sadd.s32 s2, s17  }
0x8e: {  	[smem:$0x3FC4] =	sst s2  }
0x8f: {  	_ = 	snop  }
0x90: {  	s2 =	sld [smem:$0x3FC7];
	(tm) =	ssettm $0x1  }
0x91: {  	s18 =	sld [smem:$0x3FFB];
	_ =	sdelay $0x3  }
0x92: {  	_ =	strace s18  }
0x93: {  	s3 =	sld [smem:$0x3FFC];
	_ =	sdelay $0x3  }
0x94: {  	_ =	strace s3  }
0x95: {  	s3 =	sld [smem:$0x3FFD];
	_ =	sdelay $0x3  }
0x96: {  	_ =	strace s3  }
0x97: {  	_ =	strace $0x8FFFFFFF  }
0x98: {  	s19 =	sld [smem:$0x3FDB];
	_ =	sdelay $0x1  }
0x99: {  	s4 =	simm.s32 $_scs_section_size  }
0x9a: {  	s5 =	simm.s32 $_size__tile_overlayer_lowered;
	s6 =	simm.s32 $_tile_overlayer_lowered  }
0x9b: {  	s22 =	simm.s32 $0x1BFF;
	s21 =	sshll.u32 s6, $0x1;
	s3 =	sadd.s32 s4, s19  }
0x9c: {  	s7 =	simm.s32 $0x0;
	s20 =	sshll.u32 s5, $0x1;
	s5 =	sadd.s32 s21, s3  }
0x9d: {  	[timem:s7], [sflag:s22] =	dma.local [hbm:s5], s20  }
0x9e: {  	_ =	swait.ge [sflag:s22], s20  }
0x9f: {  	s4 =	ssub.s32 $0x0, s20;
	[sflag:s22] =	ssyncset.done $0x0  }
0xa0: {  	[sflag:s22] =	ssyncadd.s32 s4;
	_ =	sdelay $0x1  }
0xa1: {  	s23 =	simm.s32 $0x1B8B  }
0xa2: {  	_ =	swait.ge [sflag:s23], $0x1  }
0xa3: {  	[sflag:s23] =	ssyncset.done $0x0  }
0xa4: {  	s25 =	simm.s32 $0x1B8E;
	s24 =	sld [smem:$0x3FFE];
	[sflag:s23] =	ssyncadd.s32 $0xFFFFFFFF  }
0xa5: {  	s26 =	simm.s32 $execute0_lowered;
	[smem:$0x3FD2] =	sst s25  }
0xa6: {  	s5 =	sshll.u32 s26, $0x1;
	_ =	strace $0x80000046;
	[dreg:$0x1] =	wrdreg $0xFFFFFFFF  }
0xa7: {  	s28 =	simm.s32 $_size_execute0_lowered;
	s3 =	sadd.s32 s3, s5;
	[dreg:$0x0] =	wrdreg $0x0  }
0xa8: {  	s5 =	sshll.u32 s28, $0x1;
	[dreg:$0x2] =	wrdreg s3  }
0xa9: {  	[dreg:$0x3] =	wrdreg s5  }
0xaa: {  	[dreg:$0x4] =	wrdreg $0xC0  }
0xab: {  	_ =	task [dreg:s7], $0x5FFFF  }
0xac: {  	[dreg:$0x1] =	wrdreg $0xFFFFFFFF  }
0xad: {  	[dreg:$0x0] =	wrdreg $0x60  }
0xae: {  	[dreg:$0x2] =	wrdreg s2  }
0xaf: {  	[dreg:$0x3] =	wrdreg s24  }
0xb0: {  	[dreg:$0x4] =	wrdreg $0x9  }
0xb1: {  	_ =	task.clear_ibuf [dreg:s7], $0x5FFFF;
	_ =	strace $0x90000046  }
0xb2: {  	s29 =	simm.s32 $0x9;
	_ =	strace $0x80000048  }
0xb3: {  	_ =	swait.ge [sflag:s29], $0x1  }
0xb4: {  	[sflag:s29] =	ssyncadd.s32 $0xFFFFFFFF  }
0xb5: {  	_ =	strace $0x90000048  }
0xb6: {  	_ =	sfence  }
0xb7: {  	s30 =	sld [smem:$0x0];
	_ =	sdelay $0x2  }
0xb8: {  	s31 =	sshll.u32 s1, $0xD;
	s1 =	sshrl.u32 s1, $0x2  }
0xb9: {  	s3 =	sand.u32 $0x4000, s31;
	s1 =	sadd.s32 s1, s30  }
0xba: {  	s0 =	sor.u32 s3, s0;
	s1 =	sshll.u32 s1, $0x11  }
0xbb: {  	s0 =	sor.u32 s1, s0  }
0xbc: {  	s0 =	sadd.s32 $0x8F2B, s0  }
0xbd: {  	[sflag:s0] =	ssyncadd.remote.s32 $0x1  }
0xbe: {  	_ =	sfence.sel $0xFFFF  }
0xbf: {  	[dreg:$0x0] =	wrdreg $0xFFFFFFFF;
	(pc) =	sbr.abs _section_cstart, $3  }
0xc0: {  	[dreg:$0x1] =	wrdreg $0xFFFFFFFF  }
0xc1: {  	_ =	task.clear_ibuf [dreg:s7], $0x2FFFF;
	_ =	strace $0x9FFFFFFF  }
0xc2: {  	(tm) =	ssettm $0x7FFFFFFF  }
0xc3: {  	_ =	shalt  }
tec
execute0_lowered:
.L_overlay_start_1:
0x0: {  	(tag) =	ssettag $0x1  }
0x1: {  	s1 =	srdreg.scid  }
0x2: {  	s2 =	rddreg [dreg:$0x0];
	s0 =	stileid.u32  }
0x3: {  	s11 =	rddreg [dreg:$0x1];
	s5 =	simm.s32 $0x2;
	s1 =	sshll.u32 s1, $0x9  }
0x4: {  	s9 =	simm.s32 $0x3;
	s3 =	sshll.u32 s0, $0xA;
	s4 =	sand.u32 $0x200, s1  }
0x5: {  	s13 =	simm.s32 $0x0;
	s15 =	simm.s32 $0x0;
	s3 =	sor.u32 s3, s4  }
0x6: {  	s14 =	simm.s32 $0x0;
	s1 =	rddreg [dreg:$0x2];
	s4 =	sshrl.u32 s3, $0x3  }
0x7: {  	_ =	strace $0x80000047;
	s6 =	ssub.s32 $0x4000, s3;
	s8 =	sadd.s32 s4, s11  }
0x8: {  	s4 =	simm.s32 $0x1;
	s7 =	sand.u32 $0x3E00, s6;
	s10 =	sshrl.u32 s6, $0xE  }
.Ltmp0:
0x9: {  	s6 =	sadd.s32 $0x1600, s11;
	[sflag:s4] =	ssyncpa.u1 $0x0;
	(pc) =	sbr.rel .LBB2_1-.Ltmp0, $4  }
0xa: {  	p0 =	sne.s32 s7, $0x0;
	s7 =	simm.s32 $0x1;
	s8 =	sadd.s32 $0xE00, s8  }
0xb: {  	[sflag:s5] =	ssyncpa.u1 $0x0;
	s7 =	simm.s32 @!p0 $0x0;
	p0 =	por $0x0, $0x0  }
0xc: {  	[sflag:s9] =	ssyncpa.u1 $0x0;
	s7 =	sadd.s32 s7, s10;
	s9 =	sadd.s32 $0x5600, s11  }
0xd: {  	vm0 =	vmmov $0xffff;
	s10 =	sadd.s32 $0x9600, s11;
	s11 =	sadd.s32 $0xD600, s11;
	s12 =	sadd.s32 $0x1, s7  }
.LBB2_4:
0xe: {  	_ =	sdelay $0x3  }
0xf: {  	[tilespmem:s21], [sflag:$0x1] =	stream.indirect_vreg.gather [hbm4b:s2+s13], $0x1, v0, vm0, $0x4038;
	[tilespmem:$0x8400] =	vst v63  }
0x10: {  	s18 =	sshll.u32 s15, $0x3  }
0x11: {  	s24 =	sand.u32 $0x78, s15;
	s18 =	sand.u32 $0x7FFFFC00, s18  }
0x12: {  	_ =	swait.ge [sflag:s4], $0x4000;
	s15 =	sor.u32 s24, s18  }
0x13: {  	[sflag:s4] =	ssyncset.done $0x0;
	s15 =	sshrl.u32 s15, $0x3  }
0x14: {  	[sflag:s4] =	ssyncadd.s32 $0xFFFFC000;
	s25 =	sadd.s32 s6, s15  }
0x15: {  	[hbm:s25] =	stream.linear.scatter [tilespmem:s17], [sflag:$0x3], $0x1000, $0x38;
	[tilespmem:$0x8400] =	vst v63  }
0x16: {  	s26 =	sadd.s32 $0x1400, s16;
	s28 =	sadd.s32 s15, s9  }
0x17: {  	[hbm:s28] =	stream.linear.scatter [tilespmem:s26], [sflag:$0x3], $0x1000, $0x38;
	[tilespmem:$0x8400] =	vst v63  }
0x18: {  	s29 =	sadd.s32 $0x2400, s16;
	s30 =	sadd.s32 s15, s10  }
0x19: {  	[hbm:s30] =	stream.linear.scatter [tilespmem:s29], [sflag:$0x3], $0x1000, $0x38;
	[tilespmem:$0x8400] =	vst v63  }
0x1a: {  	s31 =	sadd.s32 $0x3400, s16;
	s15 =	sadd.s32 s15, s11  }
0x1b: {  	[hbm:s15] =	stream.linear.scatter [tilespmem:s31], [sflag:$0x3], $0x1000, $0x38;
	[tilespmem:$0x8400] =	vst v63  }
.LBB2_5:
0x1c: {  	p2 =	sne.s32 s14, s12  }
.Ltmp1:
0x1d: {  	p1 =	slt.u32 s14, $0x2;
	(pc) =	sbr.rel @!p2 .LBB2_6-.Ltmp1, $4  }
0x1e: {  	s15 =	simm.s32 @!p1 $0x3  }
0x1f: {  	_ =	swait.ge @!p1 [sflag:s15], $0x4000  }
0x20: {  	s16 =	sadd.s32 $0x1, s14;
	p0 =	por !p0, !p0;
	[sflag:s15] =	ssyncset.done @!p1 $0x0  }
0x21: {  	s14 =	smov.u32 s16;
	[sflag:s15] =	ssyncadd.s32 @!p1 $0xFFFFC000;
	s15 =	smov.u32 s3  }
.LBB2_1:
0x22: {  	p1 =	sge.u32 s14, s7  }
0x23: {  	s16 =	sxor.u32 @!p1 $0xFFFFFFFF, s14  }
0x24: {  	s16 =	sshll.u32 @!p1 s16, $0x9  }
0x25: {  	s31 =	sadd.s32 $0xFFFFFFFF, s14;
	s17 =	simm.s32 @!p1 $0x0;
	s16 =	sand.u32 @!p1 $0x200, s16  }
0x26: {  	[tilespmem:s16], [sflag:$0x2] =	stream.linear.gather @!p1 [hbm4b:s8+s17], $0x200, $0x38;
	[tilespmem:$0x8400] =	vst v63  }
0x27: {  	p1 =	sge.u32 s31, s7  }
.Ltmp2:
0x28: {  	_ = 	snop;
	(pc) =	sbr.rel @p1 .LBB2_5-.Ltmp2, $1  }
0x29: {  	_ =	sdelay $0x3  }
0x2a: {  	s16 =	simm.s32 $0x1;
	_ =	swait.ge [sflag:s5], $0x200  }
0x2b: {  	s16 =	simm.s32 @!p0 $0x0;
	[sflag:s5] =	ssyncset.done $0x0  }
0x2c: {  	s19 =	sshll.u32 s16, $0x9;
	[sflag:s5] =	ssyncadd.s32 $0xFFFFFE00  }
0x2d: {  	v0 =	vld.msk [tilespmem:s19+$0x0 ss:$0x1], $0xffff;
	_ =	sdelay $0x4  }
0x2e: {  	vm1 =	vgt.s32 v0, $0x0  }
0x2f: {  	v0 =	vnsel vm1, $0x0, v0  }
0x30: {  	v0 =	vmin.u32 v0, $0xF423F  }
0x31: {  	v1 =	vshll.u32 v0, $0x3  }
0x32: {  	v0 =	vand.u32 $0x7F, v0;
	v1 =	vand.u32 $0x7FFC00, v1  }
0x33: {  	s22 =	sshll.u32 s14, $0xE;
	v0 =	vor.u32 v0, v1  }
0x34: {  	s18 =	simm.s32 $0x0;
	s16 =	sand.u32 $0x4000, s22  }
0x35: {  	s20 =	sand.u32 $0xC00, s18;
	s17 =	sor.u32 $0x400, s16  }
0x36: {  	s21 =	sand.u32 $0x70, s18;
	(ifvalue) =	ssetifvalue $0x7FFFFFFF;
	s20 =	sadd.s32 s20, s17;
	v1 =	vor.u32 $0x80, v0  }
0x37: {  	(ifvalue) =	ssetifvalue $0x7FFFFFFF;
	s20 =	sadd.s32 s21, s20  }
0x38: {  	[tilespmem:s20], [sflag:$0x1] =	stream.indirect_vreg.gather [hbm4b:s2+s13], $0x1, v0, vm0, $0x4038;
	[tilespmem:$0x8400] =	vst v63  }
0x39: {  	v2 =	vor.u32 $0x100, v0;
	(ifvalue) =	ssetifvalue $0x7FFFFFFF  }
0x3a: {  	s21 =	sadd.s32 $0x80, s20;
	(ifvalue) =	ssetifvalue $0x7FFFFFFF  }
0x3b: {  	[tilespmem:s21], [sflag:$0x1] =	stream.indirect_vreg.gather [hbm4b:s2+s13], $0x1, v1, vm0, $0x4038;
	[tilespmem:$0x8400] =	vst v63  }
0x3c: {  	v1 =	vor.u32 $0x180, v0;
	(ifvalue) =	ssetifvalue $0x7FFFFFFF  }
0x3d: {  	s23 =	sadd.s32 $0x100, s20;
	(ifvalue) =	ssetifvalue $0x7FFFFFFF  }
0x3e: {  	[tilespmem:s23], [sflag:$0x1] =	stream.indirect_vreg.gather [hbm4b:s2+s13], $0x1, v2, vm0, $0x4038;
	[tilespmem:$0x8400] =	vst v63  }
0x3f: {  	v2 =	vor.u32 $0x200, v0;
	(ifvalue) =	ssetifvalue $0x7FFFFFFF  }
0x40: {  	s24 =	sadd.s32 $0x180, s20;
	(ifvalue) =	ssetifvalue $0x7FFFFFFF  }
0x41: {  	[tilespmem:s24], [sflag:$0x1] =	stream.indirect_vreg.gather [hbm4b:s2+s13], $0x1, v1, vm0, $0x4038;
	[tilespmem:$0x8400] =	vst v63  }
0x42: {  	(ifvalue) =	ssetifvalue $0x7FFFFFFF;
	v1 =	vor.u32 $0x280, v0  }
0x43: {  	s25 =	sadd.s32 $0x200, s20;
	(ifvalue) =	ssetifvalue $0x7FFFFFFF  }
0x44: {  	[tilespmem:s25], [sflag:$0x1] =	stream.indirect_vreg.gather [hbm4b:s2+s13], $0x1, v2, vm0, $0x4038;
	[tilespmem:$0x8400] =	vst v63  }
0x45: {  	(ifvalue) =	ssetifvalue $0x7FFFFFFF;
	v2 =	vor.u32 $0x300, v0  }
0x46: {  	s26 =	sadd.s32 $0x280, s20;
	(ifvalue) =	ssetifvalue $0x7FFFFFFF  }
0x47: {  	[tilespmem:s26], [sflag:$0x1] =	stream.indirect_vreg.gather [hbm4b:s2+s13], $0x1, v1, vm0, $0x4038;
	[tilespmem:$0x8400] =	vst v63  }
0x48: {  	(ifvalue) =	ssetifvalue $0x7FFFFFFF;
	v1 =	vor.u32 $0x380, v0  }
0x49: {  	s18 =	sor.u32 s18, s18;
	s28 =	sadd.s32 $0x300, s20;
	(ifvalue) =	ssetifvalue $0x7FFFFFFF  }
0x4a: {  	[tilespmem:s28], [sflag:$0x1] =	stream.indirect_vreg.gather [hbm4b:s2+s13], $0x1, v2, vm0, $0x4038;
	[tilespmem:$0x8400] =	vst v63  }
0x4b: {  	s18 =	sor.u32 $0x380, s18;
	(ifvalue) =	ssetifvalue $0x7FFFFFFF;
	v2 =	vadd.s32 $0x7A1400, v0  }
0x4c: {  	s18 =	sadd.s32 s18, s17;
	(ifvalue) =	ssetifvalue $0x7FFFFFFF  }
0x4d: {  	[tilespmem:s18], [sflag:$0x1] =	stream.indirect_vreg.gather [hbm4b:s2+s13], $0x1, v1, vm0, $0x4038;
	[tilespmem:$0x8400] =	vst v63  }
0x4e: {  	(ifvalue) =	ssetifvalue $0x7FFFFFFF;
	v1 =	vadd.s32 $0x7A1480, v0  }
0x4f: {  	s29 =	sadd.s32 $0x1000, s20;
	(ifvalue) =	ssetifvalue $0x7FFFFFFF  }
0x50: {  	[tilespmem:s29], [sflag:$0x1] =	stream.indirect_vreg.gather [hbm4b:s2+s13], $0x1, v2, vm0, $0x4038;
	[tilespmem:$0x8400] =	vst v63  }
0x51: {  	(ifvalue) =	ssetifvalue $0x7FFFFFFF;
	v2 =	vadd.s32 $0x7A1500, v0  }
0x52: {  	s30 =	sadd.s32 $0x1080, s20;
	(ifvalue) =	ssetifvalue $0x7FFFFFFF  }
0x53: {  	[tilespmem:s30], [sflag:$0x1] =	stream.indirect_vreg.gather [hbm4b:s2+s13], $0x1, v1, vm0, $0x4038;
	[tilespmem:$0x8400] =	vst v63  }
0x54: {  	(ifvalue) =	ssetifvalue $0x7FFFFFFF;
	v1 =	vadd.s32 $0x7A1580, v0  }
0x55: {  	s31 =	sadd.s32 $0x1100, s20;
	(ifvalue) =	ssetifvalue $0x7FFFFFFF  }
0x56: {  	[tilespmem:s31], [sflag:$0x1] =	stream.indirect_vreg.gather [hbm4b:s2+s13], $0x1, v2, vm0, $0x4038;
	[tilespmem:$0x8400] =	vst v63  }
0x57: {  	(ifvalue) =	ssetifvalue $0x7FFFFFFF;
	v2 =	vadd.s32 $0x7A1600, v0  }
0x58: {  	s21 =	sadd.s32 $0x1180, s20;
	(ifvalue) =	ssetifvalue $0x7FFFFFFF  }
0x59: {  	[tilespmem:s21], [sflag:$0x1] =	stream.indirect_vreg.gather [hbm4b:s2+s13], $0x1, v1, vm0, $0x4038;
	[tilespmem:$0x8400] =	vst v63  }
0x5a: {  	(ifvalue) =	ssetifvalue $0x7FFFFFFF;
	v1 =	vadd.s32 $0x7A1680, v0  }
0x5b: {  	s22 =	sadd.s32 $0x1200, s20;
	(ifvalue) =	ssetifvalue $0x7FFFFFFF  }
0x5c: {  	[tilespmem:s22], [sflag:$0x1] =	stream.indirect_vreg.gather [hbm4b:s2+s13], $0x1, v2, vm0, $0x4038;
	[tilespmem:$0x8400] =	vst v63  }
0x5d: {  	(ifvalue) =	ssetifvalue $0x7FFFFFFF;
	v2 =	vadd.s32 $0x7A1700, v0  }
0x5e: {  	s23 =	sadd.s32 $0x1280, s20;
	(ifvalue) =	ssetifvalue $0x7FFFFFFF  }
0x5f: {  	[tilespmem:s23], [sflag:$0x1] =	stream.indirect_vreg.gather [hbm4b:s2+s13], $0x1, v1, vm0, $0x4038;
	[tilespmem:$0x8400] =	vst v63  }
0x60: {  	(ifvalue) =	ssetifvalue $0x7FFFFFFF;
	v1 =	vadd.s32 $0x7A1780, v0  }
0x61: {  	s24 =	sadd.s32 $0x1300, s20;
	(ifvalue) =	ssetifvalue $0x7FFFFFFF  }
0x62: {  	[tilespmem:s24], [sflag:$0x1] =	stream.indirect_vreg.gather [hbm4b:s2+s13], $0x1, v2, vm0, $0x4038;
	[tilespmem:$0x8400] =	vst v63  }
0x63: {  	(ifvalue) =	ssetifvalue $0x7FFFFFFF;
	v2 =	vadd.s32 $0xF42800, v0  }
0x64: {  	s25 =	sadd.s32 $0x1380, s20;
	(ifvalue) =	ssetifvalue $0x7FFFFFFF  }
0x65: {  	[tilespmem:s25], [sflag:$0x1] =	stream.indirect_vreg.gather [hbm4b:s2+s13], $0x1, v1, vm0, $0x4038;
	[tilespmem:$0x8400] =	vst v63  }
0x66: {  	(ifvalue) =	ssetifvalue $0x7FFFFFFF;
	v1 =	vadd.s32 $0xF42880, v0  }
0x67: {  	s26 =	sadd.s32 $0x2000, s20;
	(ifvalue) =	ssetifvalue $0x7FFFFFFF  }
0x68: {  	[tilespmem:s26], [sflag:$0x1] =	stream.indirect_vreg.gather [hbm4b:s2+s13], $0x1, v2, vm0, $0x4038;
	[tilespmem:$0x8400] =	vst v63  }
0x69: {  	(ifvalue) =	ssetifvalue $0x7FFFFFFF;
	v2 =	vadd.s32 $0xF42900, v0  }
0x6a: {  	s28 =	sadd.s32 $0x2080, s20;
	(ifvalue) =	ssetifvalue $0x7FFFFFFF  }
0x6b: {  	[tilespmem:s28], [sflag:$0x1] =	stream.indirect_vreg.gather [hbm4b:s2+s13], $0x1, v1, vm0, $0x4038;
	[tilespmem:$0x8400] =	vst v63  }
0x6c: {  	(ifvalue) =	ssetifvalue $0x7FFFFFFF;
	v1 =	vadd.s32 $0xF42980, v0  }
0x6d: {  	s29 =	sadd.s32 $0x2100, s20;
	(ifvalue) =	ssetifvalue $0x7FFFFFFF  }
0x6e: {  	[tilespmem:s29], [sflag:$0x1] =	stream.indirect_vreg.gather [hbm4b:s2+s13], $0x1, v2, vm0, $0x4038;
	[tilespmem:$0x8400] =	vst v63  }
0x6f: {  	(ifvalue) =	ssetifvalue $0x7FFFFFFF;
	v2 =	vadd.s32 $0xF42A00, v0  }
0x70: {  	s30 =	sadd.s32 $0x2180, s20;
	(ifvalue) =	ssetifvalue $0x7FFFFFFF  }
0x71: {  	[tilespmem:s30], [sflag:$0x1] =	stream.indirect_vreg.gather [hbm4b:s2+s13], $0x1, v1, vm0, $0x4038;
	[tilespmem:$0x8400] =	vst v63  }
0x72: {  	(ifvalue) =	ssetifvalue $0x7FFFFFFF;
	v1 =	vadd.s32 $0xF42A80, v0  }
0x73: {  	s31 =	sadd.s32 $0x2200, s20;
	(ifvalue) =	ssetifvalue $0x7FFFFFFF  }
0x74: {  	[tilespmem:s31], [sflag:$0x1] =	stream.indirect_vreg.gather [hbm4b:s2+s13], $0x1, v2, vm0, $0x4038;
	[tilespmem:$0x8400] =	vst v63  }
0x75: {  	(ifvalue) =	ssetifvalue $0x7FFFFFFF;
	v2 =	vadd.s32 $0xF42B00, v0  }
0x76: {  	s21 =	sadd.s32 $0x2280, s20;
	(ifvalue) =	ssetifvalue $0x7FFFFFFF  }
0x77: {  	[tilespmem:s21], [sflag:$0x1] =	stream.indirect_vreg.gather [hbm4b:s2+s13], $0x1, v1, vm0, $0x4038;
	[tilespmem:$0x8400] =	vst v63  }
0x78: {  	(ifvalue) =	ssetifvalue $0x7FFFFFFF;
	v1 =	vadd.s32 $0xF42B80, v0  }
0x79: {  	s22 =	sadd.s32 $0x2300, s20;
	(ifvalue) =	ssetifvalue $0x7FFFFFFF  }
0x7a: {  	[tilespmem:s22], [sflag:$0x1] =	stream.indirect_vreg.gather [hbm4b:s2+s13], $0x1, v2, vm0, $0x4038;
	[tilespmem:$0x8400] =	vst v63  }
0x7b: {  	(ifvalue) =	ssetifvalue $0x7FFFFFFF;
	v2 =	vadd.s32 $0x16E3C00, v0  }
0x7c: {  	s23 =	sadd.s32 $0x2380, s20;
	(ifvalue) =	ssetifvalue $0x7FFFFFFF  }
0x7d: {  	[tilespmem:s23], [sflag:$0x1] =	stream.indirect_vreg.gather [hbm4b:s2+s13], $0x1, v1, vm0, $0x4038;
	[tilespmem:$0x8400] =	vst v63  }
0x7e: {  	(ifvalue) =	ssetifvalue $0x7FFFFFFF;
	v1 =	vadd.s32 $0x16E3C80, v0  }
0x7f: {  	s24 =	sadd.s32 $0x3000, s20;
	(ifvalue) =	ssetifvalue $0x7FFFFFFF  }
0x80: {  	[tilespmem:s24], [sflag:$0x1] =	stream.indirect_vreg.gather [hbm4b:s2+s13], $0x1, v2, vm0, $0x4038;
	[tilespmem:$0x8400] =	vst v63  }
0x81: {  	(ifvalue) =	ssetifvalue $0x7FFFFFFF;
	v2 =	vadd.s32 $0x16E3D00, v0  }
0x82: {  	s25 =	sadd.s32 $0x3080, s20;
	(ifvalue) =	ssetifvalue $0x7FFFFFFF  }
0x83: {  	[tilespmem:s25], [sflag:$0x1] =	stream.indirect_vreg.gather [hbm4b:s2+s13], $0x1, v1, vm0, $0x4038;
	[tilespmem:$0x8400] =	vst v63  }
0x84: {  	(ifvalue) =	ssetifvalue $0x7FFFFFFF;
	v1 =	vadd.s32 $0x16E3D80, v0  }
0x85: {  	s26 =	sadd.s32 $0x3100, s20;
	(ifvalue) =	ssetifvalue $0x7FFFFFFF  }
0x86: {  	[tilespmem:s26], [sflag:$0x1] =	stream.indirect_vreg.gather [hbm4b:s2+s13], $0x1, v2, vm0, $0x4038;
	[tilespmem:$0x8400] =	vst v63  }
0x87: {  	(ifvalue) =	ssetifvalue $0x7FFFFFFF;
	v2 =	vadd.s32 $0x16E3E00, v0  }
0x88: {  	s28 =	sadd.s32 $0x3180, s20;
	(ifvalue) =	ssetifvalue $0x7FFFFFFF  }
0x89: {  	[tilespmem:s28], [sflag:$0x1] =	stream.indirect_vreg.gather [hbm4b:s2+s13], $0x1, v1, vm0, $0x4038;
	[tilespmem:$0x8400] =	vst v63  }
0x8a: {  	(ifvalue) =	ssetifvalue $0x7FFFFFFF;
	v1 =	vadd.s32 $0x16E3E80, v0  }
0x8b: {  	s29 =	sadd.s32 $0x3200, s20;
	(ifvalue) =	ssetifvalue $0x7FFFFFFF  }
0x8c: {  	[tilespmem:s29], [sflag:$0x1] =	stream.indirect_vreg.gather [hbm4b:s2+s13], $0x1, v2, vm0, $0x4038;
	[tilespmem:$0x8400] =	vst v63  }
0x8d: {  	(ifvalue) =	ssetifvalue $0x7FFFFFFF;
	v2 =	vadd.s32 $0x16E3F00, v0  }
0x8e: {  	s30 =	sadd.s32 $0x3280, s20;
	(ifvalue) =	ssetifvalue $0x7FFFFFFF  }
0x8f: {  	[tilespmem:s30], [sflag:$0x1] =	stream.indirect_vreg.gather [hbm4b:s2+s13], $0x1, v1, vm0, $0x4038;
	[tilespmem:$0x8400] =	vst v63  }
0x90: {  	v0 =	vadd.s32 $0x16E3F80, v0;
	(ifvalue) =	ssetifvalue $0x7FFFFFFF  }
0x91: {  	s31 =	sadd.s32 $0x3300, s20;
	(ifvalue) =	ssetifvalue $0x7FFFFFFF  }
0x92: {  	[tilespmem:s31], [sflag:$0x1] =	stream.indirect_vreg.gather [hbm4b:s2+s13], $0x1, v2, vm0, $0x4038;
	[tilespmem:$0x8400] =	vst v63  }
0x93: {  	s19 =	sadd.s32 $0x10, s19;
	s18 =	simm.s32 $0x10;
	(ifvalue) =	ssetifvalue $0x7FFFFFFF  }
0x94: {  	s21 =	sadd.s32 $0x3380, s20;
	s20 =	simm.s32 $0x80;
	(ifvalue) =	ssetifvalue $0x7FFFFFFF  }
.LBB2_3:
0x95: {  	[tilespmem:s21], [sflag:$0x1] =	stream.indirect_vreg.gather [hbm4b:s2+s13], $0x1, v0, vm0, $0x4038;
	[tilespmem:$0x8400] =	vst v63  }
0x96: {  	p1 =	sne.s32 s18, $0x1F0;
	s22 =	smov.u32 s18;
	s18 =	sadd.s32 $0x10, s18;
	v0 =	vld.msk [tilespmem:s19+$0x0 ss:$0x1], $0xffff  }
0x97: {  	(ifvalue) =	ssetifvalue $0x7FFFFFFF;
	_ =	sdelay $0x4  }
0x98: {  	vm1 =	vgt.s32 v0, $0x0  }
0x99: {  	v0 =	vnsel vm1, $0x0, v0  }
0x9a: {  	v0 =	vmin.u32 v0, $0xF423F  }
0x9b: {  	v1 =	vshll.u32 v0, $0x3  }
0x9c: {  	v0 =	vand.u32 $0x7F, v0;
	v1 =	vand.u32 $0x7FFC00, v1  }
0x9d: {  	v0 =	vor.u32 v0, v1;
	_ =	sdelay $0x1  }
0x9e: {  	s21 =	sand.u32 $0xC00, s20  }
0x9f: {  	s23 =	sand.u32 $0x70, s22;
	s21 =	sadd.s32 s21, s17;
	v1 =	vor.u32 $0x80, v0  }
0xa0: {  	s21 =	sadd.s32 s23, s21;
	(ifvalue) =	ssetifvalue $0x7FFFFFFF  }
0xa1: {  	[tilespmem:s21], [sflag:$0x1] =	stream.indirect_vreg.gather [hbm4b:s2+s13], $0x1, v0, vm0, $0x4038;
	[tilespmem:$0x8400] =	vst v63  }
0xa2: {  	v2 =	vor.u32 $0x100, v0;
	(ifvalue) =	ssetifvalue $0x7FFFFFFF  }
0xa3: {  	s23 =	sadd.s32 $0x80, s21;
	(ifvalue) =	ssetifvalue $0x7FFFFFFF  }
0xa4: {  	[tilespmem:s23], [sflag:$0x1] =	stream.indirect_vreg.gather [hbm4b:s2+s13], $0x1, v1, vm0, $0x4038;
	[tilespmem:$0x8400] =	vst v63  }
0xa5: {  	v1 =	vor.u32 $0x180, v0;
	(ifvalue) =	ssetifvalue $0x7FFFFFFF  }
0xa6: {  	s23 =	sadd.s32 $0x100, s21;
	(ifvalue) =	ssetifvalue $0x7FFFFFFF  }
0xa7: {  	[tilespmem:s23], [sflag:$0x1] =	stream.indirect_vreg.gather [hbm4b:s2+s13], $0x1, v2, vm0, $0x4038;
	[tilespmem:$0x8400] =	vst v63  }
0xa8: {  	v2 =	vor.u32 $0x200, v0;
	(ifvalue) =	ssetifvalue $0x7FFFFFFF  }
0xa9: {  	s23 =	sadd.s32 $0x180, s21;
	(ifvalue) =	ssetifvalue $0x7FFFFFFF  }
0xaa: {  	[tilespmem:s23], [sflag:$0x1] =	stream.indirect_vreg.gather [hbm4b:s2+s13], $0x1, v1, vm0, $0x4038;
	[tilespmem:$0x8400] =	vst v63  }
0xab: {  	v1 =	vor.u32 $0x280, v0;
	(ifvalue) =	ssetifvalue $0x7FFFFFFF  }
0xac: {  	s23 =	sadd.s32 $0x200, s21;
	(ifvalue) =	ssetifvalue $0x7FFFFFFF  }
0xad: {  	[tilespmem:s23], [sflag:$0x1] =	stream.indirect_vreg.gather [hbm4b:s2+s13], $0x1, v2, vm0, $0x4038;
	[tilespmem:$0x8400] =	vst v63  }
0xae: {  	v2 =	vor.u32 $0x300, v0;
	(ifvalue) =	ssetifvalue $0x7FFFFFFF  }
0xaf: {  	s23 =	sadd.s32 $0x280, s21;
	(ifvalue) =	ssetifvalue $0x7FFFFFFF  }
0xb0: {  	[tilespmem:s23], [sflag:$0x1] =	stream.indirect_vreg.gather [hbm4b:s2+s13], $0x1, v1, vm0, $0x4038;
	[tilespmem:$0x8400] =	vst v63  }
0xb1: {  	v1 =	vor.u32 $0x380, v0;
	(ifvalue) =	ssetifvalue $0x7FFFFFFF  }
0xb2: {  	s22 =	sor.u32 s20, s22;
	s23 =	sadd.s32 $0x300, s21;
	(ifvalue) =	ssetifvalue $0x7FFFFFFF  }
0xb3: {  	[tilespmem:s23], [sflag:$0x1] =	stream.indirect_vreg.gather [hbm4b:s2+s13], $0x1, v2, vm0, $0x4038;
	[tilespmem:$0x8400] =	vst v63  }
0xb4: {  	s22 =	sor.u32 $0x380, s22;
	v2 =	vadd.s32 $0x7A1400, v0;
	(ifvalue) =	ssetifvalue $0x7FFFFFFF  }
0xb5: {  	s22 =	sadd.s32 s22, s17;
	(ifvalue) =	ssetifvalue $0x7FFFFFFF  }
0xb6: {  	[tilespmem:s22], [sflag:$0x1] =	stream.indirect_vreg.gather [hbm4b:s2+s13], $0x1, v1, vm0, $0x4038;
	[tilespmem:$0x8400] =	vst v63  }
0xb7: {  	v1 =	vadd.s32 $0x7A1480, v0;
	(ifvalue) =	ssetifvalue $0x7FFFFFFF  }
0xb8: {  	s22 =	sadd.s32 $0x1000, s21;
	(ifvalue) =	ssetifvalue $0x7FFFFFFF  }
0xb9: {  	[tilespmem:s22], [sflag:$0x1] =	stream.indirect_vreg.gather [hbm4b:s2+s13], $0x1, v2, vm0, $0x4038;
	[tilespmem:$0x8400] =	vst v63  }
0xba: {  	v2 =	vadd.s32 $0x7A1500, v0;
	(ifvalue) =	ssetifvalue $0x7FFFFFFF  }
0xbb: {  	s22 =	sadd.s32 $0x1080, s21;
	(ifvalue) =	ssetifvalue $0x7FFFFFFF  }
0xbc: {  	[tilespmem:s22], [sflag:$0x1] =	stream.indirect_vreg.gather [hbm4b:s2+s13], $0x1, v1, vm0, $0x4038;
	[tilespmem:$0x8400] =	vst v63  }
0xbd: {  	v1 =	vadd.s32 $0x7A1580, v0;
	(ifvalue) =	ssetifvalue $0x7FFFFFFF  }
0xbe: {  	s22 =	sadd.s32 $0x1100, s21;
	(ifvalue) =	ssetifvalue $0x7FFFFFFF  }
0xbf: {  	[tilespmem:s22], [sflag:$0x1] =	stream.indirect_vreg.gather [hbm4b:s2+s13], $0x1, v2, vm0, $0x4038;
	[tilespmem:$0x8400] =	vst v63  }
0xc0: {  	v2 =	vadd.s32 $0x7A1600, v0;
	(ifvalue) =	ssetifvalue $0x7FFFFFFF  }
0xc1: {  	s22 =	sadd.s32 $0x1180, s21;
	(ifvalue) =	ssetifvalue $0x7FFFFFFF  }
0xc2: {  	[tilespmem:s22], [sflag:$0x1] =	stream.indirect_vreg.gather [hbm4b:s2+s13], $0x1, v1, vm0, $0x4038;
	[tilespmem:$0x8400] =	vst v63  }
0xc3: {  	v1 =	vadd.s32 $0x7A1680, v0;
	(ifvalue) =	ssetifvalue $0x7FFFFFFF  }
0xc4: {  	s22 =	sadd.s32 $0x1200, s21;
	(ifvalue) =	ssetifvalue $0x7FFFFFFF  }
0xc5: {  	[tilespmem:s22], [sflag:$0x1] =	stream.indirect_vreg.gather [hbm4b:s2+s13], $0x1, v2, vm0, $0x4038;
	[tilespmem:$0x8400] =	vst v63  }
0xc6: {  	v2 =	vadd.s32 $0x7A1700, v0;
	(ifvalue) =	ssetifvalue $0x7FFFFFFF  }
0xc7: {  	s22 =	sadd.s32 $0x1280, s21;
	(ifvalue) =	ssetifvalue $0x7FFFFFFF  }
0xc8: {  	[tilespmem:s22], [sflag:$0x1] =	stream.indirect_vreg.gather [hbm4b:s2+s13], $0x1, v1, vm0, $0x4038;
	[tilespmem:$0x8400] =	vst v63  }
0xc9: {  	v1 =	vadd.s32 $0x7A1780, v0;
	(ifvalue) =	ssetifvalue $0x7FFFFFFF  }
0xca: {  	s22 =	sadd.s32 $0x1300, s21;
	(ifvalue) =	ssetifvalue $0x7FFFFFFF  }
0xcb: {  	[tilespmem:s22], [sflag:$0x1] =	stream.indirect_vreg.gather [hbm4b:s2+s13], $0x1, v2, vm0, $0x4038;
	[tilespmem:$0x8400] =	vst v63  }
0xcc: {  	v2 =	vadd.s32 $0xF42800, v0;
	(ifvalue) =	ssetifvalue $0x7FFFFFFF  }
0xcd: {  	s22 =	sadd.s32 $0x1380, s21;
	(ifvalue) =	ssetifvalue $0x7FFFFFFF  }
0xce: {  	[tilespmem:s22], [sflag:$0x1] =	stream.indirect_vreg.gather [hbm4b:s2+s13], $0x1, v1, vm0, $0x4038;
	[tilespmem:$0x8400] =	vst v63  }
0xcf: {  	v1 =	vadd.s32 $0xF42880, v0;
	(ifvalue) =	ssetifvalue $0x7FFFFFFF  }
0xd0: {  	s22 =	sadd.s32 $0x2000, s21;
	(ifvalue) =	ssetifvalue $0x7FFFFFFF  }
0xd1: {  	[tilespmem:s22], [sflag:$0x1] =	stream.indirect_vreg.gather [hbm4b:s2+s13], $0x1, v2, vm0, $0x4038;
	[tilespmem:$0x8400] =	vst v63  }
0xd2: {  	v2 =	vadd.s32 $0xF42900, v0;
	(ifvalue) =	ssetifvalue $0x7FFFFFFF  }
0xd3: {  	s22 =	sadd.s32 $0x2080, s21;
	(ifvalue) =	ssetifvalue $0x7FFFFFFF  }
0xd4: {  	[tilespmem:s22], [sflag:$0x1] =	stream.indirect_vreg.gather [hbm4b:s2+s13], $0x1, v1, vm0, $0x4038;
	[tilespmem:$0x8400] =	vst v63  }
0xd5: {  	v1 =	vadd.s32 $0xF42980, v0;
	(ifvalue) =	ssetifvalue $0x7FFFFFFF  }
0xd6: {  	s22 =	sadd.s32 $0x2100, s21;
	(ifvalue) =	ssetifvalue $0x7FFFFFFF  }
0xd7: {  	[tilespmem:s22], [sflag:$0x1] =	stream.indirect_vreg.gather [hbm4b:s2+s13], $0x1, v2, vm0, $0x4038;
	[tilespmem:$0x8400] =	vst v63  }
0xd8: {  	v2 =	vadd.s32 $0xF42A00, v0;
	(ifvalue) =	ssetifvalue $0x7FFFFFFF  }
0xd9: {  	s22 =	sadd.s32 $0x2180, s21;
	(ifvalue) =	ssetifvalue $0x7FFFFFFF  }
0xda: {  	[tilespmem:s22], [sflag:$0x1] =	stream.indirect_vreg.gather [hbm4b:s2+s13], $0x1, v1, vm0, $0x4038;
	[tilespmem:$0x8400] =	vst v63  }
0xdb: {  	v1 =	vadd.s32 $0xF42A80, v0;
	(ifvalue) =	ssetifvalue $0x7FFFFFFF  }
0xdc: {  	s22 =	sadd.s32 $0x2200, s21;
	(ifvalue) =	ssetifvalue $0x7FFFFFFF  }
0xdd: {  	[tilespmem:s22], [sflag:$0x1] =	stream.indirect_vreg.gather [hbm4b:s2+s13], $0x1, v2, vm0, $0x4038;
	[tilespmem:$0x8400] =	vst v63  }
0xde: {  	v2 =	vadd.s32 $0xF42B00, v0;
	(ifvalue) =	ssetifvalue $0x7FFFFFFF  }
0xdf: {  	s22 =	sadd.s32 $0x2280, s21;
	(ifvalue) =	ssetifvalue $0x7FFFFFFF  }
0xe0: {  	[tilespmem:s22], [sflag:$0x1] =	stream.indirect_vreg.gather [hbm4b:s2+s13], $0x1, v1, vm0, $0x4038;
	[tilespmem:$0x8400] =	vst v63  }
0xe1: {  	v1 =	vadd.s32 $0xF42B80, v0;
	(ifvalue) =	ssetifvalue $0x7FFFFFFF  }
0xe2: {  	s22 =	sadd.s32 $0x2300, s21;
	(ifvalue) =	ssetifvalue $0x7FFFFFFF  }
0xe3: {  	[tilespmem:s22], [sflag:$0x1] =	stream.indirect_vreg.gather [hbm4b:s2+s13], $0x1, v2, vm0, $0x4038;
	[tilespmem:$0x8400] =	vst v63  }
0xe4: {  	v2 =	vadd.s32 $0x16E3C00, v0;
	(ifvalue) =	ssetifvalue $0x7FFFFFFF  }
0xe5: {  	s22 =	sadd.s32 $0x2380, s21;
	(ifvalue) =	ssetifvalue $0x7FFFFFFF  }
0xe6: {  	[tilespmem:s22], [sflag:$0x1] =	stream.indirect_vreg.gather [hbm4b:s2+s13], $0x1, v1, vm0, $0x4038;
	[tilespmem:$0x8400] =	vst v63  }
0xe7: {  	v1 =	vadd.s32 $0x16E3C80, v0;
	(ifvalue) =	ssetifvalue $0x7FFFFFFF  }
0xe8: {  	s22 =	sadd.s32 $0x3000, s21;
	(ifvalue) =	ssetifvalue $0x7FFFFFFF  }
0xe9: {  	[tilespmem:s22], [sflag:$0x1] =	stream.indirect_vreg.gather [hbm4b:s2+s13], $0x1, v2, vm0, $0x4038;
	[tilespmem:$0x8400] =	vst v63  }
0xea: {  	v2 =	vadd.s32 $0x16E3D00, v0;
	(ifvalue) =	ssetifvalue $0x7FFFFFFF  }
0xeb: {  	s22 =	sadd.s32 $0x3080, s21;
	(ifvalue) =	ssetifvalue $0x7FFFFFFF  }
0xec: {  	[tilespmem:s22], [sflag:$0x1] =	stream.indirect_vreg.gather [hbm4b:s2+s13], $0x1, v1, vm0, $0x4038;
	[tilespmem:$0x8400] =	vst v63  }
0xed: {  	v1 =	vadd.s32 $0x16E3D80, v0;
	(ifvalue) =	ssetifvalue $0x7FFFFFFF  }
0xee: {  	s22 =	sadd.s32 $0x3100, s21;
	(ifvalue) =	ssetifvalue $0x7FFFFFFF  }
0xef: {  	[tilespmem:s22], [sflag:$0x1] =	stream.indirect_vreg.gather [hbm4b:s2+s13], $0x1, v2, vm0, $0x4038;
	[tilespmem:$0x8400] =	vst v63  }
0xf0: {  	v2 =	vadd.s32 $0x16E3E00, v0;
	(ifvalue) =	ssetifvalue $0x7FFFFFFF  }
0xf1: {  	s22 =	sadd.s32 $0x3180, s21;
	(ifvalue) =	ssetifvalue $0x7FFFFFFF  }
0xf2: {  	[tilespmem:s22], [sflag:$0x1] =	stream.indirect_vreg.gather [hbm4b:s2+s13], $0x1, v1, vm0, $0x4038;
	[tilespmem:$0x8400] =	vst v63  }
0xf3: {  	v1 =	vadd.s32 $0x16E3E80, v0;
	(ifvalue) =	ssetifvalue $0x7FFFFFFF  }
0xf4: {  	s22 =	sadd.s32 $0x3200, s21;
	(ifvalue) =	ssetifvalue $0x7FFFFFFF  }
0xf5: {  	[tilespmem:s22], [sflag:$0x1] =	stream.indirect_vreg.gather [hbm4b:s2+s13], $0x1, v2, vm0, $0x4038;
	[tilespmem:$0x8400] =	vst v63  }
0xf6: {  	v2 =	vadd.s32 $0x16E3F00, v0;
	(ifvalue) =	ssetifvalue $0x7FFFFFFF  }
0xf7: {  	s22 =	sadd.s32 $0x3280, s21;
	(ifvalue) =	ssetifvalue $0x7FFFFFFF  }
0xf8: {  	[tilespmem:s22], [sflag:$0x1] =	stream.indirect_vreg.gather [hbm4b:s2+s13], $0x1, v1, vm0, $0x4038;
	[tilespmem:$0x8400] =	vst v63  }
.Ltmp3:
0xf9: {  	v0 =	vadd.s32 $0x16E3F80, v0;
	(ifvalue) =	ssetifvalue $0x7FFFFFFF;
	(pc) =	sbr.rel @p1 .LBB2_3-.Ltmp3, $4  }
0xfa: {  	s22 =	sadd.s32 $0x3300, s21;
	(ifvalue) =	ssetifvalue $0x7FFFFFFF  }
0xfb: {  	[tilespmem:s22], [sflag:$0x1] =	stream.indirect_vreg.gather [hbm4b:s2+s13], $0x1, v2, vm0, $0x4038;
	[tilespmem:$0x8400] =	vst v63  }
0xfc: {  	s19 =	sadd.s32 $0x10, s19;
	(ifvalue) =	ssetifvalue $0x7FFFFFFF  }
0xfd: {  	s20 =	sadd.s32 $0x80, s20;
	s21 =	sadd.s32 $0x3380, s21;
	(ifvalue) =	ssetifvalue $0x7FFFFFFF  }
.Ltmp4:
0xfe: {  	_ = 	snop;
	(pc) =	sbr.rel .LBB2_4-.Ltmp4, $1  }
0xff: {  	_ =	sdelay $0x3  }
.LBB2_6:
0x100: {  	_ =	sfence.sel $0x180000  }
0x101: {  	s2 =	simm.s32 $0x2;
	[bflag:$0x0] =	sbarrier.arrive $0xFFFF  }
0x102: {  	s30 =	simm.s32 $0x3;
	[sflag:s2] =	ssyncpa.u1 $0x1  }
0x103: {  	s31 =	simm.s32 $0x1;
	[sflag:s30] =	ssyncpa.u1 $0x1  }
0x104: {  	[sflag:s31] =	ssyncpa.u1 $0x1  }
0x105: {  	p0 =	sne.s32 s0, $0x0;
	_ =	strace $0x90000047  }
0x106: {  	s0 =	sadd.s32 @!p0 $0x100000, s1;
	[bflag:$0x2] =	sbarrier.arrive $0xFFFF  }
0x107: {  	[sflag:s0] =	ssyncadd.tile.s32 @!p0 $0x1;
	_ =	shalt  }
.Lfunc_end2:
_tile_overlayer_lowered:
.L_overlay_start_2:
0x108: {  	(tag) =	ssettag $0x2  }
0x109: {  	s0 =	rddreg [dreg:$0x0];
	s2 =	stileid.u32  }
0x10a: {  	s1 =	rddreg [dreg:$0x1];
	p0 =	sne.s32 s2, $0x0  }
0x10b: {  	s3 =	rddreg [dreg:$0x2];
	[bflag:$0x3] =	sbarrier.arrive $0xFFFF;
	s2 =	simm.s32 @!p0 $0x1C01  }
0x10c: {  	[timem:s3], [sflag:s2] =	dma.local @!p0 [hbm:s0], s1  }
0x10d: {  	s0 =	simm.s32 @!p0 $0x1  }
0x10e: {  	_ =	swait.ge @!p0 [sflag:s0], s1  }
0x10f: {  	s1 =	ssub.s32 @!p0 $0x0, s1;
	[sflag:s0] =	ssyncset.done @!p0 $0x0  }
0x110: {  	[sflag:s0] =	ssyncadd.s32 @!p0 s1  }
0x111: {  	[bflag:$0x3] =	sbarrier.arrive $0xFFFF  }
0x112: {  	_ =	shalt  }

// kernel: kernel.5.cloned.1.call-start
scs
__scs_entry_jumppad:
0x0: {  	(pc) =	sbr.rel $0x88, $3  }
0x1: {  	(tag) =	ssettag $0x0;
	lr =	simm.s32 $0x1  }
0x2: {  	[smem:$0x3F9D] =	sst lr;
	_ =	strace $0xD0000000  }
0x3: {  	_ = 	snop  }
0x4: {  	_ = 	snop  }
0x5: {  	_ = 	snop  }
0x6: {  	_ = 	snop  }
0x7: {  	_ = 	snop  }
__scs_overlays_trampoline_lowered:
0x8: {  	[smem:$0x3FAC] =	sst s0  }
0x9: {  	[smem:$0x3FAD] =	sst s1  }
0xa: {  	[smem:$0x3FAE] =	sst s2  }
0xb: {  	[smem:$0x3FAF] =	sst s3  }
0xc: {  	[smem:$0x3FB0] =	sst s4  }
0xd: {  	[smem:$0x3FB1] =	sst s5  }
0xe: {  	[smem:$0x3FB2] =	sst s6  }
0xf: {  	[smem:$0x3FB3] =	sst s7  }
0x10: {  	[smem:$0x3FB4] =	sst s8  }
0x11: {  	[smem:$0x3FB5] =	sst s9;
	s0 =	simm.s32 @!p0 $0x0  }
0x12: {  	s1 =	sld [smem:$0x3F9B];
	s0 =	simm.s32 @p0 $0x1  }
0x13: {  	[smem:$0x3FB6] =	sst s0;
	s0 =	simm.s32 @!p1 $0x0  }
0x14: {  	s2 =	sld [smem:$0x3F9A];
	s0 =	simm.s32 @p1 $0x1  }
0x15: {  	[smem:$0x3FB7] =	sst s0;
	s0 =	simm.s32 @!p2 $0x0  }
0x16: {  	s3 =	sld [smem:$0x3FDB];
	s0 =	simm.s32 @p2 $0x1  }
0x17: {  	s4 =	simm.s32 $0x1BF5;
	[smem:$0x3FB9] =	sst s0  }
0x18: {  	s0 =	sld [smem:$0x3F9C];
	_ =	swait.ge [sflag:s4], $0x0  }
0x19: {  	s7 =	sld [smem:$0x3F9D]  }
0x1a: {  	s8 =	sadd.s32 $0xFFFFE003, lr  }
0x1b: {  	s9 =	sadd.s32 $0xFFFFFEF7, lr;
	s5 =	simm.s32 $0xFFFFFFFF;
	p2 =	slt.u32 s8, $0xFFFFF086  }
0x1c: {  	p1 =	slt.u32 s9, $0xF7A;
	s5 =	simm.s32 @!p2 $0x0  }
0x1d: {  	s5 =	simm.s32 @p1 $0x1;
	p0 =	seq.s32 s7, s2  }
0x1e: {  	s7 =	smul.u32 @!p0 $0xF7A, s2;
	p2 =	seq.s32 @!p0 s5, $0x0  }
0x1f: {  	s9 =	smul.u32 $0xF7A, s1;
	s8 =	simm.s32 @!p0 $0x1BF5;
	p2 =	por !p2, p0  }
0x20: {  	[sflag:s8] =	ssyncset.s32 @!p0 $0xFFFFF086;
	s6 =	sadd.s32 @!p0 s3, s7;
	s7 =	simm.s32 @!p0 $0x108  }
0x21: {  	s3 =	sadd.s32 s3, s9;
	s6 =	sadd.s32 @!p0 $0x88, s6;
	s7 =	simm.s32 @p2 $0x1082  }
0x22: {  	[simem:s7], [sflag:s8] =	dma.local @!p0 [hbm:s6], $0xF7A  }
0x23: {  	s9 =	sor.u32 $0xD0000000, s2;
	s6 =	simm.s32 $0x108;
	_ =	swait.ge @!p0 [sflag:s8], $0x0  }
0x24: {  	s3 =	sadd.s32 $0x88, s3;
	s6 =	simm.s32 @!p1 $0x1082;
	[sflag:s4] =	ssyncset.s32 $0xFFFFF086  }
0x25: {  	[simem:s6], [sflag:s4] =	dma.local [hbm:s3], $0xF7A  }
0x26: {  	[smem:$0x3F9D] =	sst s1;
	(tag) =	ssettag s2;
	_ =	strace s9  }
0x27: {  	s1 =	sld [smem:$0x3FAD]  }
0x28: {  	s2 =	sld [smem:$0x3FAE]  }
0x29: {  	s4 =	sld [smem:$0x3FB0]  }
0x2a: {  	p0 =	seq.s32 s5, $0x0;
	s5 =	sld [smem:$0x3FB1]  }
0x2b: {  	s6 =	sld [smem:$0x3FB2]  }
0x2c: {  	s7 =	sld [smem:$0x3FB3]  }
0x2d: {  	s3 =	simm.s32 $0x108;
	s8 =	sld [smem:$0x3FB4]  }
0x2e: {  	s3 =	simm.s32 @!p0 $0x1082;
	s9 =	sld [smem:$0x3FB5]  }
0x2f: {  	lr =	sadd.s32 s0, s3;
	s0 =	sld [smem:$0x3FAC]  }
0x30: {  	s3 =	sld [smem:$0x3FAF]  }
0x31: {  	[smem:$0x3FB8] =	sst s10  }
0x32: {  	s10 =	sld [smem:$0x3FB6];
	_ =	sdelay $0x3  }
0x33: {  	p0 =	seq.s32 s10, $0x1;
	s10 =	sld [smem:$0x3FB8];
	_ =	sdelay $0x3  }
0x34: {  	[smem:$0x3FB8] =	sst s10  }
0x35: {  	s10 =	sld [smem:$0x3FB7];
	_ =	sdelay $0x3  }
0x36: {  	p1 =	seq.s32 s10, $0x1;
	s10 =	sld [smem:$0x3FB8];
	_ =	sdelay $0x3  }
0x37: {  	[smem:$0x3FB8] =	sst s10  }
0x38: {  	s10 =	sld [smem:$0x3FB9]  }
0x39: {  	_ = 	snop;
	(pc) =	sbr.ind lr, $3  }
0x3a: {  	_ = 	snop  }
0x3b: {  	_ = 	snop  }
0x3c: {  	p2 =	seq.s32 s10, $0x1;
	s10 =	sld [smem:$0x3FB8]  }
0x3d: {  	_ =	shalt  }
0x3e: {  	_ =	shalt  }
0x3f: {  	_ =	shalt  }
0x40: {  	_ =	shalt  }
0x41: {  	_ =	shalt  }
0x42: {  	_ =	shalt  }
0x43: {  	_ =	shalt  }
0x44: {  	_ =	shalt  }
0x45: {  	_ =	shalt  }
0x46: {  	_ =	shalt  }
0x47: {  	_ =	shalt  }
0x48: {  	_ =	shalt  }
0x49: {  	_ =	shalt  }
0x4a: {  	_ =	shalt  }
0x4b: {  	_ =	shalt  }
0x4c: {  	_ =	shalt  }
0x4d: {  	_ =	shalt  }
0x4e: {  	_ =	shalt  }
0x4f: {  	_ =	shalt  }
0x50: {  	_ =	shalt  }
0x51: {  	_ =	shalt  }
0x52: {  	_ =	shalt  }
0x53: {  	_ =	shalt  }
0x54: {  	_ =	shalt  }
0x55: {  	_ =	shalt  }
0x56: {  	_ =	shalt  }
0x57: {  	_ =	shalt  }
0x58: {  	_ =	shalt  }
0x59: {  	_ =	shalt  }
0x5a: {  	_ =	shalt  }
0x5b: {  	_ =	shalt  }
0x5c: {  	_ =	shalt  }
0x5d: {  	_ =	shalt  }
0x5e: {  	_ =	shalt  }
0x5f: {  	_ =	shalt  }
0x60: {  	_ =	shalt  }
0x61: {  	_ =	shalt  }
0x62: {  	_ =	shalt  }
0x63: {  	_ =	shalt  }
0x64: {  	_ =	shalt  }
0x65: {  	_ =	shalt  }
0x66: {  	_ =	shalt  }
0x67: {  	_ =	shalt  }
0x68: {  	_ =	shalt  }
0x69: {  	_ =	shalt  }
0x6a: {  	_ =	shalt  }
0x6b: {  	_ =	shalt  }
0x6c: {  	_ =	shalt  }
0x6d: {  	_ =	shalt  }
0x6e: {  	_ =	shalt  }
0x6f: {  	_ =	shalt  }
0x70: {  	_ =	shalt  }
0x71: {  	_ =	shalt  }
0x72: {  	_ =	shalt  }
0x73: {  	_ =	shalt  }
0x74: {  	_ =	shalt  }
0x75: {  	_ =	shalt  }
0x76: {  	_ =	shalt  }
0x77: {  	_ =	shalt  }
0x78: {  	_ =	shalt  }
0x79: {  	_ =	shalt  }
0x7a: {  	_ =	shalt  }
0x7b: {  	_ =	shalt  }
0x7c: {  	_ =	shalt  }
0x7d: {  	_ =	shalt  }
0x7e: {  	_ =	shalt  }
0x7f: {  	_ =	shalt  }
0x80: {  	_ =	shalt  }
0x81: {  	_ =	shalt  }
0x82: {  	_ =	shalt  }
0x83: {  	_ =	shalt  }
0x84: {  	_ =	shalt  }
0x85: {  	_ =	shalt  }
0x86: {  	_ =	shalt  }
0x87: {  	_ =	shalt  }
.Lfunc_end0:
.L_simem_size_0:
called_computation.1_lowered:
.L_overlay_start_0:
0x88: {  	s2 =	sld [smem:$0x3FD9]  }
0x89: {  	s3 =	sld [smem:$0x3FFE];
	_ =	sdelay $0x1  }
0x8a: {  	s1 =	srdreg.scid  }
0x8b: {  	s0 =	sand.u32 $0x1, s1  }
0x8c: {  	s16 =	sshll.u32 s0, $0xA;
	s2 =	sadd.s32 s3, s2  }
0x8d: {  	s2 =	sadd.s32 s2, s16  }
0x8e: {  	[smem:$0x3FC4] =	sst s2  }
0x8f: {  	_ = 	snop  }
0x90: {  	(tm) =	ssettm $0x1  }
0x91: {  	s17 =	sld [smem:$0x3FFB];
	_ =	sdelay $0x3  }
0x92: {  	_ =	strace s17  }
0x93: {  	s2 =	sld [smem:$0x3FFC];
	_ =	sdelay $0x3  }
0x94: {  	_ =	strace s2  }
0x95: {  	s2 =	sld [smem:$0x3FFD];
	_ =	sdelay $0x3  }
0x96: {  	_ =	strace s2  }
0x97: {  	_ =	strace $0x8FFFFFFF  }
0x98: {  	s18 =	sld [smem:$0x3FDB];
	_ =	sdelay $0x1  }
0x99: {  	s19 =	simm.s32 $_scs_section_size  }
0x9a: {  	s4 =	simm.s32 $_size__tile_overlayer_lowered;
	s5 =	simm.s32 $_tile_overlayer_lowered  }
0x9b: {  	s22 =	simm.s32 $0x1BFF;
	s21 =	sshll.u32 s5, $0x1;
	s2 =	sadd.s32 s19, s18  }
0x9c: {  	s6 =	simm.s32 $0x0;
	s20 =	sshll.u32 s4, $0x1;
	s4 =	sadd.s32 s21, s2  }
0x9d: {  	[timem:s6], [sflag:s22] =	dma.local [hbm:s4], s20  }
0x9e: {  	_ =	swait.ge [sflag:s22], s20  }
0x9f: {  	s3 =	ssub.s32 $0x0, s20;
	[sflag:s22] =	ssyncset.done $0x0  }
0xa0: {  	[sflag:s22] =	ssyncadd.s32 s3;
	_ =	sdelay $0x1  }
0xa1: {  	s23 =	simm.s32 $0x1B8B  }
0xa2: {  	_ =	swait.ge [sflag:s23], $0x1  }
0xa3: {  	[sflag:s23] =	ssyncset.done $0x0  }
0xa4: {  	s25 =	simm.s32 $0x1B8E;
	s24 =	sld [smem:$0x3FFE];
	[sflag:s23] =	ssyncadd.s32 $0xFFFFFFFF  }
0xa5: {  	s26 =	simm.s32 $execute0_lowered;
	[smem:$0x3FD2] =	sst s25  }
0xa6: {  	s4 =	sshll.u32 s26, $0x1;
	_ =	strace $0x80000049;
	[dreg:$0x1] =	wrdreg $0xFFFFFFFF  }
0xa7: {  	s28 =	simm.s32 $_size_execute0_lowered;
	s2 =	sadd.s32 s2, s4;
	[dreg:$0x0] =	wrdreg $0x0  }
0xa8: {  	s4 =	sshll.u32 s28, $0x1;
	[dreg:$0x2] =	wrdreg s2  }
0xa9: {  	[dreg:$0x3] =	wrdreg s4  }
0xaa: {  	[dreg:$0x4] =	wrdreg $0xC0  }
0xab: {  	_ =	task [dreg:s6], $0x5FFFF  }
0xac: {  	[dreg:$0x1] =	wrdreg $0xFFFFFFFF  }
0xad: {  	[dreg:$0x0] =	wrdreg $0x60  }
0xae: {  	[dreg:$0x2] =	wrdreg s24  }
0xaf: {  	[dreg:$0x3] =	wrdreg $0x9  }
0xb0: {  	_ =	task.clear_ibuf [dreg:s6], $0x4FFFF;
	_ =	strace $0x90000049  }
0xb1: {  	s29 =	simm.s32 $0x9;
	_ =	strace $0x8000004B  }
0xb2: {  	_ =	swait.ge [sflag:s29], $0x1  }
0xb3: {  	[sflag:s29] =	ssyncadd.s32 $0xFFFFFFFF  }
0xb4: {  	_ =	strace $0x9000004B  }
0xb5: {  	_ =	sfence  }
0xb6: {  	s30 =	sld [smem:$0x0];
	_ =	sdelay $0x2  }
0xb7: {  	s31 =	sshll.u32 s1, $0xD;
	s1 =	sshrl.u32 s1, $0x2  }
0xb8: {  	s3 =	sand.u32 $0x4000, s31;
	s1 =	sadd.s32 s1, s30  }
0xb9: {  	s0 =	sor.u32 s3, s0;
	s1 =	sshll.u32 s1, $0x11  }
0xba: {  	s0 =	sor.u32 s1, s0  }
0xbb: {  	s0 =	sadd.s32 $0x8F2B, s0  }
0xbc: {  	[sflag:s0] =	ssyncadd.remote.s32 $0x1  }
0xbd: {  	_ =	sfence.sel $0xFFFF  }
0xbe: {  	[dreg:$0x0] =	wrdreg $0xFFFFFFFF;
	(pc) =	sbr.abs _section_cstart, $3  }
0xbf: {  	[dreg:$0x1] =	wrdreg $0xFFFFFFFF  }
0xc0: {  	_ =	task.clear_ibuf [dreg:s6], $0x2FFFF;
	_ =	strace $0x9FFFFFFF  }
0xc1: {  	(tm) =	ssettm $0x7FFFFFFF  }
tec
execute0_lowered:
.L_overlay_start_1:
0x0: {  	(tag) =	ssettag $0x1  }
0x1: {  	v0 =	vlaneseq.u32  }
0x2: {  	v1 =	vshrl.u32 v0, $0x1  }
0x3: {  	v0 =	vshrl.u32 v0, $0x3;
	v1 =	vand.u32 $0x3, v1  }
0x4: {  	v0 =	vmul.u32 $0x80, v0;
	v3 =	vmul.u32 $0x20, v1;
	_ =	sdelay $0x1  }
0x5: {  	[tilespmem:$0x1FDE0] =	vst v0;
	v31 =	vor.u32 $0x1, v3  }
0x6: {  	v32 =	vor.u32 $0x2, v3;
	[tilespmem:$0x1FDF0] =	vst v31  }
0x7: {  	v33 =	vor.u32 $0x3, v3;
	[tilespmem:$0x1FE00] =	vst v32  }
0x8: {  	v34 =	vor.u32 $0x4, v3;
	[tilespmem:$0x1FE10] =	vst v33  }
0x9: {  	v35 =	vor.u32 $0x5, v3;
	[tilespmem:$0x1FE20] =	vst v34  }
0xa: {  	v36 =	vor.u32 $0x6, v3;
	[tilespmem:$0x1FE30] =	vst v35  }
0xb: {  	v37 =	vor.u32 $0x7, v3;
	[tilespmem:$0x1FE40] =	vst v36  }
0xc: {  	v38 =	vor.u32 $0x8, v3;
	[tilespmem:$0x1FE50] =	vst v37  }
0xd: {  	v39 =	vor.u32 $0x9, v3;
	[tilespmem:$0x1FE60] =	vst v38  }
0xe: {  	v40 =	vor.u32 $0xA, v3;
	[tilespmem:$0x1FE70] =	vst v39  }
0xf: {  	v59 =	vimm.s32 $0x33320100;
	v41 =	vor.u32 $0xB, v3;
	[tilespmem:$0x1FE80] =	vst v40  }
0x10: {  	v60 =	vimm.s32 $0x2000;
	vm0 =	vcmask $0xF00;
	v42 =	vor.u32 $0xC, v3;
	[tilespmem:$0x1FE90] =	vst v41  }
0x11: {  	v61 =	vimm.s32 $0x97966564;
	vm1 =	vcmask $0x700;
	v43 =	vor.u32 $0xD, v3;
	[tilespmem:$0x1FEA0] =	vst v42  }
0x12: {  	vm13 =	vcmask $0xB08;
	vm14 =	vcmask $0xF0C;
	v44 =	vor.u32 $0xE, v3;
	[tilespmem:$0x1FEB0] =	vst v43  }
0x13: {  	vm15 =	vcmask $0x1310;
	vm4 =	vcmask $0x1F10;
	v45 =	vor.u32 $0xF, v3;
	[tilespmem:$0x1FEC0] =	vst v44  }
0x14: {  	vm5 =	vcmask $0x1714;
	vm6 =	vcmask $0x1B18;
	v46 =	vor.u32 $0x10, v3;
	[tilespmem:$0x1FED0] =	vst v45  }
0x15: {  	v62 =	vimm.s32 $0xFBFAC9C8;
	vm7 =	vcmask $0x1F1C;
	v47 =	vor.u32 $0x11, v3;
	[tilespmem:$0x1FEE0] =	vst v46  }
0x16: {  	vm8 =	vcmask $0x2320;
	vm9 =	vcmask $0x2724;
	v48 =	vor.u32 $0x12, v3;
	[tilespmem:$0x1FEF0] =	vst v47  }
0x17: {  	vm10 =	vcmask $0x2B28;
	v1 =	vunpack.c.0.s8.s32 v60;
	v49 =	vor.u32 $0x13, v3;
	[tilespmem:$0x1FF00] =	vst v48  }
0x18: {  	vm11 =	vcmask $0x2F20;
	vm12 =	vcmask $0x2F2C;
	v50 =	vor.u32 $0x14, v3;
	[tilespmem:$0x1FF10] =	vst v49  }
0x19: {  	s4 =	rddreg [dreg:$0x0];
	s11 =	simm.s32 $0xA800;
	v0 =	vunpack.c.0.s8.s32 v59;
	v51 =	vor.u32 $0x15, v3;
	v1 =	vnsel vm1, $0x2BE0, v1;
	[tilespmem:$0x1FF20] =	vst v50  }
0x1a: {  	s2 =	simm.s32 $0x0;
	s12 =	simm.s32 $0x4068;
	s13 =	simm.s32 $0xB480;
	v52 =	vor.u32 $0x16, v3;
	v53 =	vor.u32 $0x17, v3;
	[tilespmem:$0x1FF30] =	vst v51;
	v1 =	vsel vm13, $0x640, v1  }
0x1b: {  	s3 =	srdreg.scid;
	s14 =	simm.s32 $0x40D0;
	s15 =	simm.s32 $0xC100;
	v54 =	vor.u32 $0x18, v3;
	v2 =	vor.u32 $0x1D, v3;
	[tilespmem:$0x1FF40] =	vst v52;
	v1 =	vsel vm14, $0x660, v1  }
0x1c: {  	s16 =	simm.s32 $0x4138;
	s17 =	simm.s32 $0xCD80;
	s18 =	simm.s32 $0xDA00;
	v55 =	vor.u32 $0x19, v3;
	[tilespmem:$0x1FFB0] =	vst v2;
	v2 =	vunpack.c.0.s8.s32 v61;
	v1 =	vsel vm15, $0xC80, v1  }
0x1d: {  	s1 =	stileid.u32;
	s19 =	simm.s32 $0xE680;
	s20 =	simm.s32 $0xF300;
	v56 =	vor.u32 $0x1A, v3;
	v57 =	vor.u32 $0x1B, v3;
	[tilespmem:$0x1FF50] =	vst v53;
	v1 =	vsel vm5, $0xCA0, v1  }
0x1e: {  	s21 =	simm.s32 $0xFF80;
	s22 =	simm.s32 $0x1;
	s23 =	simm.s32 $0x10C00;
	[tilespmem:$0x1FF60] =	vst v54;
	v0 =	vnsel vm0, $0x15F, v0;
	v2 =	vand.u32 $0xFF, v2;
	v1 =	vsel vm6, $0x12C0, v1  }
0x1f: {  	[smem:$0x7FF] =	sst s2;
	s3 =	sand.u32 $0x1, s3;
	s5 =	sshll.u32 s1, $0x1;
	[tilespmem:$0x1FF70] =	vst v55;
	v0 =	vsel vm4, v2, v0;
	v2 =	vunpack.c.0.s8.s32 v62;
	v1 =	vsel vm7, $0x12E0, v1  }
0x20: {  	s5 =	sor.u32 s3, s5;
	s8 =	ssub.s32 $0x2, s3;
	s3 =	sadd.s32 $0x2B600, s4;
	v58 =	vor.u32 $0x1C, v3;
	v4 =	vor.u32 $0x1E, v3;
	[tilespmem:$0x1FF80] =	vst v56;
	v1 =	vsel vm8, $0x1900, v1  }
0x21: {  	s6 =	sshll.u32 s5, $0xB;
	s7 =	smul.u32 $0xD00, s5;
	s9 =	sshrl.u32 s8, $0x1;
	v63 =	vor.u32 $0x1F, v3;
	[tilespmem:$0x1FF90] =	vst v57;
	v2 =	vand.u32 $0xFF, v2;
	v1 =	vsel vm9, $0x1920, v1  }
0x22: {  	s5 =	smul.u32 $0xC80, s5;
	s8 =	ssub.s32 s8, s9;
	s9 =	simm.s32 $0x4000;
	[tilespmem:$0x1FFA0] =	vst v58;
	vm13 =	vcmask $0x3330;
	v0 =	vsel vm11, v2, v0;
	v1 =	vsel vm10, $0x1F40, v1  }
0x23: {  	s24 =	simm.s32 $0x2;
	s6 =	sadd.s32 s6, s4;
	_ =	strace $0x8000004A;
	[tilespmem:$0x1FFC0] =	vst v4;
	vm14 =	vcmask $0x3734;
	v0 =	vsel vm13, $0x12C, v0;
	v1 =	vsel vm12, $0x1F60, v1  }
0x24: {  	s7 =	sadd.s32 s7, s4;
	s10 =	sadd.s32 s5, s4;
	s4 =	sadd.s32 $0xE00, s6;
	[tilespmem:$0x1FFD0] =	vst v3;
	vm15 =	vcmask $0x3B38;
	v0 =	vsel vm14, $0x12D, v0;
	v1 =	vsel vm13, $0x2580, v1  }
0x25: {  	s25 =	simm.s32 $0x0;
	s5 =	sadd.s32 $0x11600, s7;
	s6 =	sadd.s32 $0x40B600, s10;
	[tilespmem:$0x1FFE0] =	vst v63;
	v0 =	vsel vm15, $0x15E, v0;
	v1 =	vsel vm14, $0x25A0, v1  }
0x26: {  	s7 =	smax.u32 s8, $0x1;
	s8 =	simm.s32 $0x3;
	s10 =	simm.s32 $0x64;
	[tilespmem:$0x1FFF0] =	vst v0;
	v36 =	vsel vm15, $0x2BC0, v1  }
.LBB2_1:
0x27: {  	[tilespmem:s2], [sflag:$0x3] =	stream.linear.gather [hbm4b:s4+s2], $0x4000, $0x38;
	[tilespmem:$0x17000] =	vst v63  }
0x28: {  	_ =	swait.ge [sflag:s8], $0x4000  }
0x29: {  	[sflag:s8] =	ssyncset.done $0x0  }
0x2a: {  	[sflag:s8] =	ssyncadd.s32 $0xFFFFC000  }
0x2b: {  	[tilespmem:s9], [sflag:$0x3] =	stream.linear.gather [hbm4b:s5+s2], $0x6800, $0x38;
	[tilespmem:$0x17000] =	vst v63  }
0x2c: {  	_ =	swait.ge [sflag:s8], $0x6800  }
0x2d: {  	[sflag:s8] =	ssyncset.done $0x0  }
0x2e: {  	[sflag:s8] =	ssyncadd.s32 $0xFFFF9800  }
0x2f: {  	[tilespmem:s11], [sflag:$0x1] =	stream.indirect.gather [hbm4b:s3+s10], $0x20, s9, s10, $0xb8;
	[tilespmem:$0x17000] =	vst v63  }
0x30: {  	_ = 	snop  }
0x31: {  	[tilespmem:s13], [sflag:$0x1] =	stream.indirect.gather [hbm4b:s3+s10], $0x20, s12, s10, $0xb8;
	[tilespmem:$0x17000] =	vst v63  }
0x32: {  	_ = 	snop  }
0x33: {  	[tilespmem:s15], [sflag:$0x1] =	stream.indirect.gather [hbm4b:s3+s10], $0x20, s14, s10, $0xb8;
	[tilespmem:$0x17000] =	vst v63  }
0x34: {  	s26 =	simm.s32 $0x0  }
0x35: {  	[tilespmem:s17], [sflag:$0x1] =	stream.indirect.gather [hbm4b:s3+s10], $0x20, s16, s10, $0xb8;
	[tilespmem:$0x17000] =	vst v63  }
.LBB2_2:
0x36: {  	s28 =	sshllo.u32 s26, $0x1  }
0x37: {  	s29 =	smul.u32 $0x680, s28;
	_ =	sdelay $0x1  }
0x38: {  	s29 =	sshra.s32 s29, $0x2  }
0x39: {  	s30 =	sadd.s32 $0x4000, s29  }
0x3a: {  	[tilespmem:s18], [sflag:$0x2] =	stream.indirect.gather [hbm4b:s3+s10], $0x20, s30, s10, $0xb8;
	[tilespmem:$0x17000] =	vst v63  }
0x3b: {  	s30 =	sadd.s32 $0x4068, s29  }
0x3c: {  	[tilespmem:s19], [sflag:$0x2] =	stream.indirect.gather [hbm4b:s3+s10], $0x20, s30, s10, $0xb8;
	[tilespmem:$0x17000] =	vst v63  }
0x3d: {  	s30 =	sadd.s32 $0x40D0, s29  }
0x3e: {  	[tilespmem:s20], [sflag:$0x2] =	stream.indirect.gather [hbm4b:s3+s10], $0x20, s30, s10, $0xb8;
	[tilespmem:$0x17000] =	vst v63  }
0x3f: {  	s29 =	sadd.s32 $0x4138, s29  }
0x40: {  	[tilespmem:s21], [sflag:$0x2] =	stream.indirect.gather [hbm4b:s3+s10], $0x20, s29, s10, $0xb8;
	[tilespmem:$0x17000] =	vst v63  }
0x41: {  	_ =	swait.ge [sflag:s22], $0xC80  }
0x42: {  	[sflag:s22] =	ssyncset.done $0x0  }
0x43: {  	[sflag:s22] =	ssyncadd.s32 $0xFFFFF380  }
0x44: {  	_ =	swait.ge [sflag:s22], $0xC80  }
0x45: {  	[sflag:s22] =	ssyncset.done $0x0  }
0x46: {  	[sflag:s22] =	ssyncadd.s32 $0xFFFFF380  }
0x47: {  	_ =	swait.ge [sflag:s22], $0xC80  }
0x48: {  	v1 =	vld [tilespmem:$0x1FDE0];
	_ =	sdelay $0x1  }
0x49: {  	s29 =	sshll.u32 s26, $0x2;
	v2 =	vld [tilespmem:$0x1FDF0]  }
0x4a: {  	v0 =	vmov s29  }
0x4b: {  	v0 =	vshll.u32 v0, $0x7;
	[sflag:s22] =	ssyncset.done $0x0  }
0x4c: {  	[sflag:s22] =	ssyncadd.s32 $0xFFFFF380;
	v0 =	vor.u32 v1, v0;
	v1 =	vld [tilespmem:$0x1FFD0]  }
0x4d: {  	_ =	swait.ge [sflag:s22], $0xC80  }
0x4e: {  	v2 =	vor.u32 v2, v0;
	v3 =	vld [tilespmem:$0x1FE00];
	_ =	sdelay $0x1  }
0x4f: {  	v4 =	vld [tilespmem:$0x1FE10]  }
0x50: {  	[sflag:s22] =	ssyncset.done $0x0;
	v1 =	vor.u32 v1, v0  }
0x51: {  	s29 =	simm.s32 $0x0;
	v5 =	vld [tilespmem:$0x1FE20];
	[sflag:s22] =	ssyncadd.s32 $0xFFFFF380  }
0x52: {  	v3 =	vor.u32 v3, v0;
	v28 =	vld.idx.msk [tilespmem:v2+s29+$0x0], $0xffff  }
0x53: {  	v2 =	vld [tilespmem:$0x1FE40]  }
0x54: {  	v4 =	vor.u32 v4, v0  }
0x55: {  	v27 =	vld.idx.msk [tilespmem:v1+s29+$0x0], $0xffff  }
0x56: {  	v5 =	vor.u32 v5, v0;
	v1 =	vld [tilespmem:$0x1FE30]  }
0x57: {  	v32 =	vld.idx.msk [tilespmem:v3+s29+$0x0], $0xffff  }
0x58: {  	v2 =	vor.u32 v2, v0;
	v3 =	vld [tilespmem:$0x1FE50]  }
0x59: {  	v35 =	vld.idx.msk [tilespmem:v4+s29+$0x0], $0xffff  }
0x5a: {  	v4 =	vld [tilespmem:$0x1FE60]  }
0x5b: {  	v54 =	vld.idx.msk [tilespmem:v5+s29+$0x0], $0xffff  }
0x5c: {  	v5 =	vld [tilespmem:$0x1FE70];
	v1 =	vor.u32 v1, v0  }
0x5d: {  	v60 =	vld.idx.msk [tilespmem:v2+s29+$0x0], $0xffff  }
0x5e: {  	v3 =	vor.u32 v3, v0;
	v2 =	vld [tilespmem:$0x1FE90];
	_ =	sdelay $0x1  }
0x5f: {  	v4 =	vor.u32 v4, v0  }
0x60: {  	v5 =	vor.u32 v5, v0;
	v58 =	vld.idx.msk [tilespmem:v1+s29+$0x0], $0xffff  }
0x61: {  	v1 =	vld [tilespmem:$0x1FE80]  }
0x62: {  	v6 =	vor.u32 v2, v0;
	v2 =	vld.idx.msk [tilespmem:v3+s29+$0x0], $0xffff  }
0x63: {  	v3 =	vld [tilespmem:$0x1FEA0]  }
0x64: {  	v4 =	vld.idx.msk [tilespmem:v4+s29+$0x0], $0xffff  }
0x65: {  	v46 =	vld.idx.msk [tilespmem:v5+s29+$0x0], $0xffff  }
0x66: {  	v5 =	vld [tilespmem:$0x1FEC0];
	_ =	sdelay $0x2  }
0x67: {  	v1 =	vor.u32 v1, v0  }
0x68: {  	v3 =	vor.u32 v3, v0  }
0x69: {  	[tilespmem:$0x1FDB0] =	vst v4;
	v4 =	vld [tilespmem:$0x1FEB0];
	v5 =	vor.u32 v5, v0  }
0x6a: {  	v47 =	vld.idx.msk [tilespmem:v6+s29+$0x0], $0xffff  }
0x6b: {  	v6 =	vld [tilespmem:$0x1FEE0]  }
0x6c: {  	v1 =	vld.idx.msk [tilespmem:v1+s29+$0x0], $0xffff  }
0x6d: {  	v3 =	vld.idx.msk [tilespmem:v3+s29+$0x0], $0xffff  }
0x6e: {  	v42 =	vld.idx.msk [tilespmem:v5+s29+$0x0], $0xffff  }
0x6f: {  	v4 =	vor.u32 v4, v0;
	v5 =	vld [tilespmem:$0x1FF10];
	_ =	sdelay $0x2  }
0x70: {  	v6 =	vor.u32 v6, v0;
	[tilespmem:$0x1FDC0] =	vst v1;
	v1 =	vld [tilespmem:$0x1FED0]  }
0x71: {  	[tilespmem:$0x1FDD0] =	vst v3;
	v3 =	vld [tilespmem:$0x1FEF0]  }
0x72: {  	v48 =	vld.idx.msk [tilespmem:v4+s29+$0x0], $0xffff;
	v5 =	vor.u32 v5, v0  }
0x73: {  	v4 =	vld [tilespmem:$0x1FF00];
	_ =	sdelay $0x1  }
0x74: {  	v43 =	vld.idx.msk [tilespmem:v6+s29+$0x0], $0xffff;
	v1 =	vor.u32 v1, v0  }
0x75: {  	v6 =	vld [tilespmem:$0x1FF30]  }
0x76: {  	v3 =	vor.u32 v3, v0;
	v51 =	vld.idx.msk [tilespmem:v5+s29+$0x0], $0xffff  }
0x77: {  	v4 =	vor.u32 v4, v0;
	v5 =	vld [tilespmem:$0x1FF60];
	_ =	sdelay $0x1  }
0x78: {  	v49 =	vld.idx.msk [tilespmem:v1+s29+$0x0], $0xffff  }
0x79: {  	v6 =	vor.u32 v6, v0;
	v1 =	vld [tilespmem:$0x1FF20]  }
0x7a: {  	v50 =	vld.idx.msk [tilespmem:v3+s29+$0x0], $0xffff  }
0x7b: {  	v44 =	vld.idx.msk [tilespmem:v4+s29+$0x0], $0xffff;
	v5 =	vor.u32 v5, v0  }
0x7c: {  	v4 =	vld [tilespmem:$0x1FF50]  }
0x7d: {  	v3 =	vld [tilespmem:$0x1FF40]  }
0x7e: {  	v52 =	vld.idx.msk [tilespmem:v6+s29+$0x0], $0xffff;
	v1 =	vor.u32 v1, v0  }
0x7f: {  	v6 =	vld [tilespmem:$0x1FF80]  }
0x80: {  	v56 =	vld.idx.msk [tilespmem:v5+s29+$0x0], $0xffff  }
0x81: {  	v4 =	vor.u32 v4, v0;
	v5 =	vld [tilespmem:$0x1FFB0];
	_ =	sdelay $0x1  }
0x82: {  	v3 =	vor.u32 v3, v0;
	v45 =	vld.idx.msk [tilespmem:v1+s29+$0x0], $0xffff  }
0x83: {  	v1 =	vld [tilespmem:$0x1FF70]  }
0x84: {  	v6 =	vor.u32 v6, v0  }
0x85: {  	v55 =	vld.idx.msk [tilespmem:v4+s29+$0x0], $0xffff;
	v7 =	vor.u32 v5, v0;
	v5 =	vmov s29  }
0x86: {  	v4 =	vld [tilespmem:$0x1FFA0];
	v5 =	vshll.u32 v5, $0x5  }
0x87: {  	v53 =	vld.idx.msk [tilespmem:v3+s29+$0x0], $0xffff;
	v5 =	vadd.s32 v36, v5  }
0x88: {  	v3 =	vld [tilespmem:$0x1FF90];
	v1 =	vor.u32 v1, v0  }
0x89: {  	v59 =	vld.idx.msk [tilespmem:v6+s29+$0x0], $0xffff  }
0x8a: {  	v6 =	vld [tilespmem:$0x1FFE0];
	v8 =	vor.u32 $0x5, v5  }
0x8b: {  	v4 =	vor.u32 v4, v0;
	v63 =	vld.idx.msk [tilespmem:v7+s29+$0x0], $0xffff  }
0x8c: {  	v12 =	vor.u32 $0xD, v5;
	v17 =	vld.idx.msk [tilespmem:v5+s11+$0x0], $0xffff  }
0x8d: {  	v14 =	vor.u32 $0xF, v5;
	v57 =	vld.idx.msk [tilespmem:v1+s29+$0x0], $0xffff  }
0x8e: {  	v19 =	vor.u32 $0x16, v5;
	v1 =	vld [tilespmem:$0x1FFC0]  }
0x8f: {  	v20 =	vor.u32 $0x17, v5;
	v24 =	vld.idx.msk [tilespmem:v8+s11+$0x0], $0xffff  }
0x90: {  	v62 =	vld.idx.msk [tilespmem:v4+s29+$0x0], $0xffff;
	v4 =	vor.u32 $0x1, v5  }
0x91: {  	v3 =	vor.u32 v3, v0;
	v13 =	vld.idx.msk [tilespmem:v12+s11+$0x0], $0xffff  }
0x92: {  	v7 =	vor.u32 $0x3, v5;
	v14 =	vld.idx.msk [tilespmem:v14+s11+$0x0], $0xffff  }
0x93: {  	v19 =	vld.idx.msk [tilespmem:v19+s11+$0x0], $0xffff;
	v1 =	vor.u32 v1, v0;
	v0 =	vor.u32 v6, v0  }
0x94: {  	v22 =	vor.u32 $0x14, v5;
	v20 =	vld.idx.msk [tilespmem:v20+s11+$0x0], $0xffff  }
0x95: {  	v18 =	vld.idx.msk [tilespmem:v4+s11+$0x0], $0xffff;
	v4 =	vor.u32 $0x6, v5  }
0x96: {  	v61 =	vld.idx.msk [tilespmem:v3+s29+$0x0], $0xffff;
	v6 =	vor.u32 $0x2, v5  }
0x97: {  	v30 =	vld.idx.msk [tilespmem:v7+s11+$0x0], $0xffff  }
0x98: {  	v3 =	vld.idx.msk [tilespmem:v0+s29+$0x0], $0xffff;
	v0 =	vor.u32 $0x4, v5  }
0x99: {  	v38 =	vmov v27;
	v31 =	vor.u32 $0x15, v5;
	v27 =	vmul.f32 v17, v27;
	v17 =	vld.idx.msk [tilespmem:v22+s11+$0x0], $0xffff  }
0x9a: {  	v33 =	vld.idx.msk [tilespmem:v4+s11+$0x0], $0xffff;
	v4 =	vor.u32 $0xB, v5  }
0x9b: {  	v29 =	vld.idx.msk [tilespmem:v6+s11+$0x0], $0xffff;
	v6 =	vor.u32 $0x7, v5  }
0x9c: {  	v7 =	vor.u32 $0x8, v5;
	v1 =	vld.idx.msk [tilespmem:v1+s29+$0x0], $0xffff  }
0x9d: {  	v23 =	vld.idx.msk [tilespmem:v0+s11+$0x0], $0xffff;
	v0 =	vor.u32 $0x9, v5  }
0x9e: {  	v39 =	vmov v28;
	v8 =	vor.u32 $0xA, v5;
	v28 =	vmul.f32 v18, v28;
	v18 =	vld.idx.msk [tilespmem:v31+s11+$0x0], $0xffff  }
0x9f: {  	v11 =	vld.idx.msk [tilespmem:v4+s11+$0x0], $0xffff;
	v4 =	vor.u32 $0x10, v5  }
0xa0: {  	v34 =	vld.idx.msk [tilespmem:v6+s11+$0x0], $0xffff  }
0xa1: {  	v10 =	vor.u32 $0xC, v5;
	v6 =	vld.idx.msk [tilespmem:v7+s11+$0x0], $0xffff  }
0xa2: {  	v9 =	vld.idx.msk [tilespmem:v0+s11+$0x0], $0xffff;
	v0 =	vor.u32 $0xE, v5  }
0xa3: {  	v15 =	vor.u32 $0x11, v5;
	v7 =	vld.idx.msk [tilespmem:v8+s11+$0x0], $0xffff  }
0xa4: {  	v16 =	vor.u32 $0x12, v5;
	v12 =	vld.idx.msk [tilespmem:v4+s11+$0x0], $0xffff  }
0xa5: {  	v21 =	vor.u32 $0x13, v5;
	v4 =	vld [tilespmem:$0x1FFF0]  }
0xa6: {  	v26 =	vor.u32 $0x18, v5;
	v8 =	vld.idx.msk [tilespmem:v10+s11+$0x0], $0xffff  }
0xa7: {  	v25 =	vor.u32 $0x19, v5;
	v22 =	vor.u32 $0x1B, v5;
	v30 =	vmul.f32 v30, v35;
	v10 =	vld.idx.msk [tilespmem:v0+s11+$0x0], $0xffff  }
0xa8: {  	s30 =	smul.u32 $0x320, s26;
	v40 =	vmovc v32;
	v29 =	vmul.f32 v29, v32;
	v32 =	vmul.f32 v24, v58;
	v24 =	vor.u32 $0x1D, v5;
	v0 =	vld.idx.msk [tilespmem:v15+s11+$0x0], $0xffff  }
0xa9: {  	v33 =	vmul.f32 v33, v60;
	v31 =	vmul.f32 v23, v54;
	v23 =	vor.u32 $0x1C, v5;
	v15 =	vld.idx.msk [tilespmem:v16+s11+$0x0], $0xffff  }
0xaa: {  	v41 =	vmovc v35;
	v34 =	vmul.f32 v34, v2;
	v16 =	vld.idx.msk [tilespmem:v21+s11+$0x0], $0xffff;
	v21 =	vor.u32 $0x1A, v5;
	v4 =	vadd.s32 s30, v4;
	s30 =	simm.s32 $0x2  }
.LBB2_3:
0xab: {  	v27 =	vadd.f32 v28, v27;
	v28 =	vadd.f32 v30, v29  }
0xac: {  	v35 =	vor.u32 $0x1E, v5;
	v5 =	vor.u32 $0x1F, v5;
	v29 =	vadd.f32 v32, v31;
	v31 =	vld [tilespmem:$0x1FDB0]  }
0xad: {  	v27 =	vadd.f32 v28, v27;
	v28 =	vld [tilespmem:$0x1FDC0];
	_ =	sdelay $0x1  }
0xae: {  	v21 =	vld.idx.msk [tilespmem:v21+s11+$0x0], $0xffff  }
0xaf: {  	v22 =	vld.idx.msk [tilespmem:v22+s11+$0x0], $0xffff;
	v30 =	vadd.f32 v34, v33;
	v9 =	vmul.f32 v9, v46  }
0xb0: {  	v11 =	vmul.f32 v11, v47;
	v5 =	vld.idx.msk [tilespmem:v5+s11+$0x0], $0xffff;
	v6 =	vmul.f32 v6, v31  }
0xb1: {  	v13 =	vmul.f32 v13, v48;
	v7 =	vmul.f32 v7, v28;
	v28 =	vadd.f32 v30, v29;
	v29 =	vld [tilespmem:$0x1FDD0]  }
0xb2: {  	v6 =	vadd.f32 v9, v6;
	v9 =	vmul.f32 v10, v42;
	v10 =	vmul.f32 v14, v49;
	v14 =	vld.idx.msk [tilespmem:v24+s11+$0x0], $0xffff  }
0xb3: {  	v26 =	vld.idx.msk [tilespmem:v26+s11+$0x0], $0xffff;
	v0 =	vmul.f32 v0, v50;
	v7 =	vadd.f32 v11, v7;
	v11 =	vmul.f32 v12, v43  }
0xb4: {  	v25 =	vld.idx.msk [tilespmem:v25+s11+$0x0], $0xffff;
	v9 =	vadd.f32 v10, v9;
	v10 =	vmul.f32 v17, v45;
	v17 =	vmul.f32 v20, v55  }
0xb5: {  	v12 =	vld.idx.msk [tilespmem:v35+s11+$0x0], $0xffff;
	v5 =	vmul.f32 v5, v3;
	v6 =	vadd.f32 v7, v6;
	v7 =	vmul.f32 v19, v53  }
0xb6: {  	v23 =	vld.idx.msk [tilespmem:v23+s11+$0x0], $0xffff;
	v0 =	vadd.f32 v0, v11;
	v11 =	vmul.f32 v21, v59;
	v8 =	vmul.f32 v8, v29  }
0xb7: {  	v19 =	vmul.f32 v22, v61;
	v14 =	vmul.f32 v14, v63  }
0xb8: {  	v7 =	vadd.f32 v17, v7;
	v8 =	vadd.f32 v13, v8;
	v13 =	vmul.f32 v15, v44  }
0xb9: {  	v11 =	vadd.f32 v19, v11;
	v15 =	vmul.f32 v16, v51;
	v16 =	vmul.f32 v18, v52  }
0xba: {  	v18 =	vmul.f32 v25, v57;
	v12 =	vmul.f32 v12, v1;
	v8 =	vadd.f32 v9, v8  }
0xbb: {  	v9 =	vmul.f32 v26, v56;
	v13 =	vadd.f32 v15, v13;
	v15 =	vmul.f32 v23, v62  }
0xbc: {  	v10 =	vadd.f32 v16, v10;
	v5 =	vadd.f32 v5, v12  }
0xbd: {  	v9 =	vadd.f32 v18, v9;
	v14 =	vadd.f32 v14, v15  }
0xbe: {  	v0 =	vadd.f32 v13, v0;
	v7 =	vadd.f32 v7, v10  }
0xbf: {  	v9 =	vadd.f32 v11, v9;
	v5 =	vadd.f32 v5, v14  }
0xc0: {  	v10 =	vadd.f32 v28, v27;
	v6 =	vadd.f32 v8, v6  }
0xc1: {  	v8 =	vmov s30;
	v0 =	vadd.f32 v7, v0;
	v7 =	vadd.f32 v5, v9  }
0xc2: {  	v5 =	vshll.u32 v8, $0x5;
	v8 =	vadd.s32 s29, v4  }
0xc3: {  	v6 =	vadd.f32 v6, v10;
	v5 =	vadd.s32 v36, v5;
	v0 =	vadd.f32 v7, v0  }
0xc4: {  	v7 =	vor.u32 $0x1, v5  }
0xc5: {  	v9 =	vor.u32 $0x2, v5;
	v0 =	vadd.f32 v0, v6  }
0xc6: {  	v10 =	vor.u32 $0x4, v5  }
0xc7: {  	v12 =	vor.u32 $0xD, v5;
	[tilespmem:v8+s23+$0x0] =	vst.idx.msk $0xffff, v0  }
0xc8: {  	v15 =	vor.u32 $0x10, v5;
	v17 =	vld.idx.msk [tilespmem:v5+s11+$0x0], $0xffff  }
0xc9: {  	v21 =	vor.u32 $0x12, v5;
	v18 =	vld.idx.msk [tilespmem:v7+s11+$0x0], $0xffff  }
0xca: {  	v6 =	vor.u32 $0x3, v5;
	v19 =	vld.idx.msk [tilespmem:v9+s11+$0x0], $0xffff  }
0xcb: {  	v0 =	vor.u32 $0x5, v5;
	v23 =	vld.idx.msk [tilespmem:v10+s11+$0x0], $0xffff  }
0xcc: {  	v8 =	vor.u32 $0x7, v5;
	v13 =	vld.idx.msk [tilespmem:v12+s11+$0x0], $0xffff  }
0xcd: {  	v7 =	vor.u32 $0x6, v5;
	v12 =	vld.idx.msk [tilespmem:v15+s11+$0x0], $0xffff  }
0xce: {  	v9 =	vor.u32 $0x9, v5;
	v15 =	vld.idx.msk [tilespmem:v21+s11+$0x0], $0xffff  }
0xcf: {  	v10 =	vor.u32 $0xB, v5;
	v20 =	vld.idx.msk [tilespmem:v6+s11+$0x0], $0xffff  }
0xd0: {  	v14 =	vor.u32 $0xE, v5;
	v24 =	vld.idx.msk [tilespmem:v0+s11+$0x0], $0xffff  }
0xd1: {  	v29 =	vor.u32 $0x14, v5;
	v34 =	vld.idx.msk [tilespmem:v8+s11+$0x0], $0xffff  }
0xd2: {  	v31 =	vor.u32 $0x15, v5;
	v33 =	vld.idx.msk [tilespmem:v7+s11+$0x0], $0xffff  }
0xd3: {  	v0 =	vor.u32 $0xA, v5;
	v9 =	vld.idx.msk [tilespmem:v9+s11+$0x0], $0xffff  }
0xd4: {  	v35 =	vor.u32 $0x16, v5;
	v11 =	vld.idx.msk [tilespmem:v10+s11+$0x0], $0xffff  }
0xd5: {  	v6 =	vor.u32 $0x8, v5;
	v10 =	vld.idx.msk [tilespmem:v14+s11+$0x0], $0xffff  }
0xd6: {  	v37 =	vmov v36;
	v36 =	vor.u32 $0x17, v5;
	v27 =	vmul.f32 v17, v38;
	v17 =	vld.idx.msk [tilespmem:v29+s11+$0x0], $0xffff  }
0xd7: {  	v8 =	vor.u32 $0xC, v5;
	v28 =	vmul.f32 v18, v39;
	v18 =	vld.idx.msk [tilespmem:v31+s11+$0x0], $0xffff  }
0xd8: {  	v7 =	vld.idx.msk [tilespmem:v0+s11+$0x0], $0xffff;
	v0 =	vor.u32 $0xF, v5  }
0xd9: {  	v16 =	vor.u32 $0x11, v5;
	v29 =	vmul.f32 v19, v40;
	v19 =	vld.idx.msk [tilespmem:v35+s11+$0x0], $0xffff  }
0xda: {  	p0 =	sne.s32 s30, $0x30;
	v22 =	vor.u32 $0x13, v5;
	v6 =	vld.idx.msk [tilespmem:v6+s11+$0x0], $0xffff  }
.Ltmp0:
0xdb: {  	v30 =	vmul.f32 v20, v41;
	v20 =	vld.idx.msk [tilespmem:v36+s11+$0x0], $0xffff;
	(pc) =	sbr.rel @p0 .LBB2_3-.Ltmp0, $4  }
0xdc: {  	v26 =	vor.u32 $0x18, v5;
	v8 =	vld.idx.msk [tilespmem:v8+s11+$0x0], $0xffff  }
0xdd: {  	v25 =	vor.u32 $0x19, v5;
	v21 =	vor.u32 $0x1A, v5;
	v31 =	vmul.f32 v23, v54;
	v14 =	vld.idx.msk [tilespmem:v0+s11+$0x0], $0xffff  }
0xde: {  	v23 =	vor.u32 $0x1C, v5;
	v32 =	vmul.f32 v24, v58;
	v34 =	vmul.f32 v34, v2;
	v0 =	vld.idx.msk [tilespmem:v16+s11+$0x0], $0xffff  }
0xdf: {  	s29 =	smov.u32 s30;
	s30 =	sadd.s32 $0x2, s30;
	v36 =	vmovc v37;
	v24 =	vor.u32 $0x1D, v5;
	v33 =	vmul.f32 v33, v60;
	v16 =	vld.idx.msk [tilespmem:v22+s11+$0x0], $0xffff;
	v22 =	vor.u32 $0x1B, v5  }
0xe0: {  	_ = 	snop  }
0xe1: {  	v2 =	vor.u32 $0x1E, v5;
	v27 =	vadd.f32 v28, v27;
	v28 =	vadd.f32 v30, v29  }
0xe2: {  	v5 =	vor.u32 $0x1F, v5;
	v29 =	vadd.f32 v32, v31;
	v31 =	vld [tilespmem:$0x1FDB0]  }
0xe3: {  	v27 =	vadd.f32 v28, v27;
	v28 =	vld [tilespmem:$0x1FDC0]  }
0xe4: {  	v21 =	vld.idx.msk [tilespmem:v21+s11+$0x0], $0xffff  }
0xe5: {  	v9 =	vmul.f32 v9, v46;
	v11 =	vmul.f32 v11, v47;
	v22 =	vld.idx.msk [tilespmem:v22+s11+$0x0], $0xffff  }
0xe6: {  	v13 =	vmul.f32 v13, v48;
	v10 =	vmul.f32 v10, v42;
	v30 =	vadd.f32 v34, v33;
	v2 =	vld.idx.msk [tilespmem:v2+s11+$0x0], $0xffff  }
0xe7: {  	v14 =	vmul.f32 v14, v49;
	v6 =	vmul.f32 v6, v31;
	v5 =	vld.idx.msk [tilespmem:v5+s11+$0x0], $0xffff  }
0xe8: {  	v12 =	vmul.f32 v12, v43;
	v7 =	vmul.f32 v7, v28;
	v28 =	vadd.f32 v30, v29;
	v29 =	vld [tilespmem:$0x1FDD0]  }
0xe9: {  	v0 =	vmul.f32 v0, v50;
	v10 =	vadd.f32 v14, v10;
	v6 =	vadd.f32 v9, v6;
	v9 =	vld.idx.msk [tilespmem:v23+s11+$0x0], $0xffff  }
0xea: {  	v26 =	vld.idx.msk [tilespmem:v26+s11+$0x0], $0xffff;
	v14 =	vmul.f32 v17, v45;
	v17 =	vmul.f32 v20, v55;
	v7 =	vadd.f32 v11, v7  }
0xeb: {  	v25 =	vld.idx.msk [tilespmem:v25+s11+$0x0], $0xffff;
	v0 =	vadd.f32 v0, v12;
	v12 =	vmul.f32 v21, v59;
	v1 =	vmul.f32 v2, v1  }
0xec: {  	v11 =	vld.idx.msk [tilespmem:v24+s11+$0x0], $0xffff;
	v2 =	vmul.f32 v5, v3;
	v6 =	vadd.f32 v7, v6;
	v7 =	vmul.f32 v19, v53  }
0xed: {  	v19 =	vmul.f32 v22, v61;
	v8 =	vmul.f32 v8, v29  }
0xee: {  	v9 =	vmul.f32 v9, v62;
	v1 =	vadd.f32 v2, v1;
	v3 =	vadd.f32 v17, v7  }
0xef: {  	v8 =	vadd.f32 v13, v8;
	v13 =	vmul.f32 v15, v44;
	v15 =	vmul.f32 v16, v51  }
0xf0: {  	v7 =	vadd.f32 v19, v12;
	v16 =	vmul.f32 v18, v52;
	v18 =	vmul.f32 v25, v57  }
0xf1: {  	v11 =	vmul.f32 v11, v63;
	v8 =	vadd.f32 v10, v8;
	v10 =	vmul.f32 v26, v56  }
0xf2: {  	v13 =	vadd.f32 v15, v13;
	v14 =	vadd.f32 v16, v14  }
0xf3: {  	v9 =	vadd.f32 v11, v9;
	v5 =	vadd.f32 v18, v10  }
0xf4: {  	v0 =	vadd.f32 v13, v0;
	v2 =	vadd.f32 v3, v14  }
0xf5: {  	v1 =	vadd.f32 v1, v9;
	v3 =	vadd.f32 v7, v5  }
0xf6: {  	v6 =	vadd.f32 v8, v6;
	v5 =	vadd.f32 v28, v27  }
0xf7: {  	v0 =	vadd.f32 v2, v0;
	v1 =	vadd.f32 v1, v3  }
0xf8: {  	v2 =	vadd.s32 s29, v4  }
0xf9: {  	p0 =	seq.s32 s26, $0x1F;
	v3 =	vadd.f32 v6, v5;
	v0 =	vadd.f32 v1, v0  }
0xfa: {  	s29 =	smul.u32 @!p0 $0xD00, s26  }
0xfb: {  	v0 =	vadd.f32 v0, v3  }
0xfc: {  	s29 =	sshra.s32 @!p0 s29, $0x2  }
0xfd: {  	s31 =	simm.s32 @!p0 $0x64;
	s0 =	simm.s32 @!p0 $0xA800;
	s30 =	sadd.s32 @!p0 $0x4340, s29;
	[tilespmem:v2+s23+$0x0] =	vst.idx.msk $0xffff, v0  }
0xfe: {  	[tilespmem:s0], [sflag:$0x1] =	stream.indirect.gather @!p0 [hbm4b:s3+s31], $0x20, s30, s31, $0xb8;
	[tilespmem:$0x17000] =	vst v63  }
0xff: {  	s0 =	sadd.s32 @!p0 $0x43A8, s29;
	s30 =	simm.s32 @!p0 $0xB480  }
0x100: {  	[tilespmem:s30], [sflag:$0x1] =	stream.indirect.gather @!p0 [hbm4b:s3+s31], $0x20, s0, s31, $0xb8;
	[tilespmem:$0x17000] =	vst v63  }
0x101: {  	s0 =	sadd.s32 @!p0 $0x4410, s29;
	s30 =	simm.s32 @!p0 $0xC100  }
0x102: {  	[tilespmem:s30], [sflag:$0x1] =	stream.indirect.gather @!p0 [hbm4b:s3+s31], $0x20, s0, s31, $0xb8;
	[tilespmem:$0x17000] =	vst v63  }
0x103: {  	s0 =	sadd.s32 @!p0 $0x4478, s29;
	s29 =	simm.s32 @!p0 $0xCD80  }
0x104: {  	[tilespmem:s29], [sflag:$0x1] =	stream.indirect.gather @!p0 [hbm4b:s3+s31], $0x20, s0, s31, $0xb8;
	[tilespmem:$0x17000] =	vst v63  }
0x105: {  	_ =	swait.ge [sflag:s24], $0xC80  }
0x106: {  	[sflag:s24] =	ssyncset.done $0x0  }
0x107: {  	[sflag:s24] =	ssyncadd.s32 $0xFFFFF380  }
0x108: {  	_ =	swait.ge [sflag:s24], $0xC80  }
0x109: {  	[sflag:s24] =	ssyncset.done $0x0  }
0x10a: {  	[sflag:s24] =	ssyncadd.s32 $0xFFFFF380  }
0x10b: {  	_ =	swait.ge [sflag:s24], $0xC80  }
0x10c: {  	v1 =	vld [tilespmem:$0x1FDE0];
	_ =	sdelay $0x1  }
0x10d: {  	s30 =	sshll.u32 s28, $0x1  }
0x10e: {  	v0 =	vmov s30;
	v2 =	vld [tilespmem:$0x1FDF0]  }
0x10f: {  	v0 =	vshll.u32 v0, $0x7  }
0x110: {  	[sflag:s24] =	ssyncset.done $0x0;
	v0 =	vor.u32 v1, v0;
	v1 =	vld [tilespmem:$0x1FFD0]  }
0x111: {  	[sflag:s24] =	ssyncadd.s32 $0xFFFFF380  }
0x112: {  	_ =	swait.ge [sflag:s24], $0xC80  }
0x113: {  	v2 =	vor.u32 v2, v0;
	v3 =	vld [tilespmem:$0x1FE00];
	_ =	sdelay $0x1  }
0x114: {  	v4 =	vld [tilespmem:$0x1FE10];
	v1 =	vor.u32 v1, v0  }
0x115: {  	[sflag:s24] =	ssyncset.done $0x0  }
0x116: {  	s29 =	simm.s32 $0x0;
	v5 =	vld [tilespmem:$0x1FE20];
	[sflag:s24] =	ssyncadd.s32 $0xFFFFF380  }
0x117: {  	v3 =	vor.u32 v3, v0;
	v28 =	vld.idx.msk [tilespmem:v2+s29+$0x0], $0xffff  }
0x118: {  	v2 =	vld [tilespmem:$0x1FE40]  }
0x119: {  	v4 =	vor.u32 v4, v0;
	v27 =	vld.idx.msk [tilespmem:v1+s29+$0x0], $0xffff  }
0x11a: {  	v1 =	vld [tilespmem:$0x1FE30]  }
0x11b: {  	v5 =	vor.u32 v5, v0  }
0x11c: {  	v32 =	vld.idx.msk [tilespmem:v3+s29+$0x0], $0xffff  }
0x11d: {  	v2 =	vor.u32 v2, v0;
	v3 =	vld [tilespmem:$0x1FE50]  }
0x11e: {  	v35 =	vld.idx.msk [tilespmem:v4+s29+$0x0], $0xffff  }
0x11f: {  	v4 =	vld [tilespmem:$0x1FE60];
	v1 =	vor.u32 v1, v0  }
0x120: {  	v54 =	vld.idx.msk [tilespmem:v5+s29+$0x0], $0xffff  }
0x121: {  	v5 =	vld [tilespmem:$0x1FE70]  }
0x122: {  	v60 =	vld.idx.msk [tilespmem:v2+s29+$0x0], $0xffff  }
0x123: {  	v2 =	vld [tilespmem:$0x1FE90]  }
0x124: {  	v58 =	vld.idx.msk [tilespmem:v1+s29+$0x0], $0xffff  }
0x125: {  	v3 =	vor.u32 v3, v0;
	v1 =	vld [tilespmem:$0x1FE80];
	_ =	sdelay $0x1  }
0x126: {  	v4 =	vor.u32 v4, v0  }
0x127: {  	v5 =	vor.u32 v5, v0;
	_ =	sdelay $0x1  }
0x128: {  	v6 =	vor.u32 v2, v0;
	v2 =	vld.idx.msk [tilespmem:v3+s29+$0x0], $0xffff;
	v1 =	vor.u32 v1, v0  }
0x129: {  	v3 =	vld [tilespmem:$0x1FEA0]  }
0x12a: {  	v4 =	vld.idx.msk [tilespmem:v4+s29+$0x0], $0xffff  }
0x12b: {  	v46 =	vld.idx.msk [tilespmem:v5+s29+$0x0], $0xffff  }
0x12c: {  	v5 =	vld [tilespmem:$0x1FEC0]  }
0x12d: {  	v1 =	vld.idx.msk [tilespmem:v1+s29+$0x0], $0xffff;
	_ =	sdelay $0x1  }
0x12e: {  	v3 =	vor.u32 v3, v0  }
0x12f: {  	[tilespmem:$0x1FD80] =	vst v4;
	v4 =	vld [tilespmem:$0x1FEB0]  }
0x130: {  	v5 =	vor.u32 v5, v0  }
0x131: {  	[tilespmem:$0x1FD90] =	vst v1;
	v1 =	vld [tilespmem:$0x1FED0]  }
0x132: {  	v47 =	vld.idx.msk [tilespmem:v6+s29+$0x0], $0xffff  }
0x133: {  	v3 =	vld.idx.msk [tilespmem:v3+s29+$0x0], $0xffff  }
0x134: {  	v6 =	vld [tilespmem:$0x1FEE0];
	v4 =	vor.u32 v4, v0  }
0x135: {  	v42 =	vld.idx.msk [tilespmem:v5+s29+$0x0], $0xffff  }
0x136: {  	v5 =	vld [tilespmem:$0x1FF10];
	v1 =	vor.u32 v1, v0;
	_ =	sdelay $0x1  }
0x137: {  	[tilespmem:$0x1FDA0] =	vst v3;
	v3 =	vld [tilespmem:$0x1FEF0]  }
0x138: {  	v6 =	vor.u32 v6, v0;
	v48 =	vld.idx.msk [tilespmem:v4+s29+$0x0], $0xffff  }
0x139: {  	v4 =	vld [tilespmem:$0x1FF00]  }
0x13a: {  	v5 =	vor.u32 v5, v0;
	v49 =	vld.idx.msk [tilespmem:v1+s29+$0x0], $0xffff  }
0x13b: {  	v1 =	vld [tilespmem:$0x1FF20]  }
0x13c: {  	v3 =	vor.u32 v3, v0  }
0x13d: {  	v43 =	vld.idx.msk [tilespmem:v6+s29+$0x0], $0xffff  }
0x13e: {  	v6 =	vld [tilespmem:$0x1FF30];
	v4 =	vor.u32 v4, v0  }
0x13f: {  	v51 =	vld.idx.msk [tilespmem:v5+s29+$0x0], $0xffff  }
0x140: {  	v5 =	vld [tilespmem:$0x1FF60];
	v1 =	vor.u32 v1, v0  }
0x141: {  	v50 =	vld.idx.msk [tilespmem:v3+s29+$0x0], $0xffff  }
0x142: {  	v3 =	vld [tilespmem:$0x1FF40]  }
0x143: {  	v6 =	vor.u32 v6, v0;
	v44 =	vld.idx.msk [tilespmem:v4+s29+$0x0], $0xffff  }
0x144: {  	v4 =	vld [tilespmem:$0x1FF50]  }
0x145: {  	v5 =	vor.u32 v5, v0;
	v45 =	vld.idx.msk [tilespmem:v1+s29+$0x0], $0xffff  }
0x146: {  	v1 =	vld [tilespmem:$0x1FF70]  }
0x147: {  	v3 =	vor.u32 v3, v0  }
0x148: {  	v52 =	vld.idx.msk [tilespmem:v6+s29+$0x0], $0xffff  }
0x149: {  	v6 =	vld [tilespmem:$0x1FF80];
	v4 =	vor.u32 v4, v0  }
0x14a: {  	v56 =	vld.idx.msk [tilespmem:v5+s29+$0x0], $0xffff  }
0x14b: {  	v5 =	vld [tilespmem:$0x1FFB0];
	v1 =	vor.u32 v1, v0  }
0x14c: {  	v53 =	vld.idx.msk [tilespmem:v3+s29+$0x0], $0xffff  }
0x14d: {  	v3 =	vld [tilespmem:$0x1FF90]  }
0x14e: {  	v55 =	vld.idx.msk [tilespmem:v4+s29+$0x0], $0xffff  }
0x14f: {  	v4 =	vld [tilespmem:$0x1FFA0]  }
0x150: {  	v57 =	vld.idx.msk [tilespmem:v1+s29+$0x0], $0xffff  }
0x151: {  	v1 =	vld [tilespmem:$0x1FFC0]  }
0x152: {  	v6 =	vor.u32 v6, v0;
	v7 =	vor.u32 v5, v0;
	v5 =	vld [tilespmem:$0x1FFE0]  }
0x153: {  	v3 =	vor.u32 v3, v0  }
0x154: {  	v4 =	vor.u32 v4, v0;
	_ =	sdelay $0x1  }
0x155: {  	v8 =	vor.u32 v1, v0;
	v1 =	vmov s29  }
0x156: {  	v59 =	vld.idx.msk [tilespmem:v6+s29+$0x0], $0xffff;
	v0 =	vor.u32 v5, v0;
	v1 =	vshll.u32 v1, $0x5  }
0x157: {  	v61 =	vld.idx.msk [tilespmem:v3+s29+$0x0], $0xffff;
	v5 =	vadd.s32 v36, v1  }
0x158: {  	v62 =	vld.idx.msk [tilespmem:v4+s29+$0x0], $0xffff;
	v4 =	vor.u32 $0x1, v5  }
0x159: {  	v1 =	vld.idx.msk [tilespmem:v7+s29+$0x0], $0xffff;
	v6 =	vor.u32 $0x2, v5  }
0x15a: {  	v7 =	vor.u32 $0x3, v5;
	v63 =	vld.idx.msk [tilespmem:v8+s29+$0x0], $0xffff  }
0x15b: {  	v12 =	vor.u32 $0xD, v5;
	v3 =	vld.idx.msk [tilespmem:v0+s29+$0x0], $0xffff  }
0x15c: {  	v14 =	vor.u32 $0xF, v5;
	v17 =	vld.idx.msk [tilespmem:v5+s18+$0x0], $0xffff  }
0x15d: {  	v19 =	vor.u32 $0x16, v5;
	v18 =	vld.idx.msk [tilespmem:v4+s18+$0x0], $0xffff  }
0x15e: {  	v20 =	vor.u32 $0x17, v5;
	v29 =	vld.idx.msk [tilespmem:v6+s18+$0x0], $0xffff  }
0x15f: {  	v4 =	vor.u32 $0x6, v5;
	v30 =	vld.idx.msk [tilespmem:v7+s18+$0x0], $0xffff  }
0x160: {  	v0 =	vor.u32 $0x4, v5;
	v13 =	vld.idx.msk [tilespmem:v12+s18+$0x0], $0xffff  }
0x161: {  	v8 =	vor.u32 $0x5, v5;
	v14 =	vld.idx.msk [tilespmem:v14+s18+$0x0], $0xffff  }
0x162: {  	v22 =	vor.u32 $0x14, v5;
	v19 =	vld.idx.msk [tilespmem:v19+s18+$0x0], $0xffff  }
0x163: {  	v6 =	vor.u32 $0x7, v5;
	v20 =	vld.idx.msk [tilespmem:v20+s18+$0x0], $0xffff  }
0x164: {  	v33 =	vld.idx.msk [tilespmem:v4+s18+$0x0], $0xffff;
	v4 =	vor.u32 $0xB, v5  }
0x165: {  	v7 =	vor.u32 $0x8, v5;
	v23 =	vld.idx.msk [tilespmem:v0+s18+$0x0], $0xffff  }
0x166: {  	v31 =	vor.u32 $0x15, v5;
	v24 =	vld.idx.msk [tilespmem:v8+s18+$0x0], $0xffff  }
0x167: {  	v38 =	vmov v27;
	v0 =	vor.u32 $0x9, v5;
	v27 =	vmul.f32 v17, v27;
	v17 =	vld.idx.msk [tilespmem:v22+s18+$0x0], $0xffff  }
0x168: {  	v8 =	vor.u32 $0xA, v5;
	v34 =	vld.idx.msk [tilespmem:v6+s18+$0x0], $0xffff  }
0x169: {  	v11 =	vld.idx.msk [tilespmem:v4+s18+$0x0], $0xffff;
	v4 =	vor.u32 $0x10, v5  }
0x16a: {  	v6 =	vld.idx.msk [tilespmem:v7+s18+$0x0], $0xffff  }
0x16b: {  	v39 =	vmov v28;
	v10 =	vor.u32 $0xC, v5;
	v28 =	vmul.f32 v18, v28;
	v18 =	vld.idx.msk [tilespmem:v31+s18+$0x0], $0xffff  }
0x16c: {  	v9 =	vld.idx.msk [tilespmem:v0+s18+$0x0], $0xffff;
	v0 =	vor.u32 $0xE, v5  }
0x16d: {  	v15 =	vor.u32 $0x11, v5;
	v7 =	vld.idx.msk [tilespmem:v8+s18+$0x0], $0xffff  }
0x16e: {  	v16 =	vor.u32 $0x12, v5;
	v12 =	vld.idx.msk [tilespmem:v4+s18+$0x0], $0xffff  }
0x16f: {  	v21 =	vor.u32 $0x13, v5;
	v4 =	vld [tilespmem:$0x1FFF0]  }
0x170: {  	v26 =	vor.u32 $0x18, v5;
	v8 =	vld.idx.msk [tilespmem:v10+s18+$0x0], $0xffff  }
0x171: {  	v25 =	vor.u32 $0x19, v5;
	v29 =	vmul.f32 v29, v32;
	v30 =	vmul.f32 v30, v35;
	v10 =	vld.idx.msk [tilespmem:v0+s18+$0x0], $0xffff  }
0x172: {  	s31 =	smul.u32 $0x190, s28;
	v40 =	vmovc v32;
	v22 =	vor.u32 $0x1B, v5;
	v31 =	vmul.f32 v23, v54;
	v32 =	vmul.f32 v24, v58;
	v0 =	vld.idx.msk [tilespmem:v15+s18+$0x0], $0xffff  }
0x173: {  	v23 =	vor.u32 $0x1C, v5;
	v24 =	vor.u32 $0x1D, v5;
	v33 =	vmul.f32 v33, v60;
	v15 =	vld.idx.msk [tilespmem:v16+s18+$0x0], $0xffff  }
0x174: {  	s28 =	simm.s32 $0x2;
	v41 =	vmovc v35;
	v34 =	vmul.f32 v34, v2;
	v16 =	vld.idx.msk [tilespmem:v21+s18+$0x0], $0xffff;
	v21 =	vor.u32 $0x1A, v5;
	v4 =	vadd.s32 s31, v4  }
.LBB2_5:
0x175: {  	v27 =	vadd.f32 v28, v27;
	v28 =	vadd.f32 v30, v29  }
0x176: {  	v35 =	vor.u32 $0x1E, v5;
	v5 =	vor.u32 $0x1F, v5;
	v29 =	vadd.f32 v32, v31;
	v31 =	vld [tilespmem:$0x1FD80]  }
0x177: {  	v27 =	vadd.f32 v28, v27;
	v28 =	vld [tilespmem:$0x1FD90];
	_ =	sdelay $0x1  }
0x178: {  	v21 =	vld.idx.msk [tilespmem:v21+s18+$0x0], $0xffff  }
0x179: {  	v22 =	vld.idx.msk [tilespmem:v22+s18+$0x0], $0xffff;
	v30 =	vadd.f32 v34, v33;
	v9 =	vmul.f32 v9, v46  }
0x17a: {  	v11 =	vmul.f32 v11, v47;
	v5 =	vld.idx.msk [tilespmem:v5+s18+$0x0], $0xffff;
	v6 =	vmul.f32 v6, v31  }
0x17b: {  	v13 =	vmul.f32 v13, v48;
	v7 =	vmul.f32 v7, v28;
	v28 =	vadd.f32 v30, v29;
	v29 =	vld [tilespmem:$0x1FDA0]  }
0x17c: {  	v6 =	vadd.f32 v9, v6;
	v9 =	vmul.f32 v10, v42;
	v10 =	vmul.f32 v14, v49;
	v14 =	vld.idx.msk [tilespmem:v24+s18+$0x0], $0xffff  }
0x17d: {  	v26 =	vld.idx.msk [tilespmem:v26+s18+$0x0], $0xffff;
	v0 =	vmul.f32 v0, v50;
	v7 =	vadd.f32 v11, v7;
	v11 =	vmul.f32 v12, v43  }
0x17e: {  	v25 =	vld.idx.msk [tilespmem:v25+s18+$0x0], $0xffff;
	v9 =	vadd.f32 v10, v9;
	v10 =	vmul.f32 v17, v45;
	v17 =	vmul.f32 v20, v55  }
0x17f: {  	v12 =	vld.idx.msk [tilespmem:v35+s18+$0x0], $0xffff;
	v5 =	vmul.f32 v5, v3;
	v6 =	vadd.f32 v7, v6;
	v7 =	vmul.f32 v19, v53  }
0x180: {  	v23 =	vld.idx.msk [tilespmem:v23+s18+$0x0], $0xffff;
	v0 =	vadd.f32 v0, v11;
	v11 =	vmul.f32 v21, v59;
	v8 =	vmul.f32 v8, v29  }
0x181: {  	v19 =	vmul.f32 v22, v61;
	v14 =	vmul.f32 v14, v1  }
0x182: {  	v7 =	vadd.f32 v17, v7;
	v8 =	vadd.f32 v13, v8;
	v13 =	vmul.f32 v15, v44  }
0x183: {  	v11 =	vadd.f32 v19, v11;
	v15 =	vmul.f32 v16, v51;
	v16 =	vmul.f32 v18, v52  }
0x184: {  	v18 =	vmul.f32 v25, v57;
	v12 =	vmul.f32 v12, v63;
	v8 =	vadd.f32 v9, v8  }
0x185: {  	v9 =	vmul.f32 v26, v56;
	v13 =	vadd.f32 v15, v13;
	v15 =	vmul.f32 v23, v62  }
0x186: {  	v10 =	vadd.f32 v16, v10;
	v5 =	vadd.f32 v5, v12  }
0x187: {  	v9 =	vadd.f32 v18, v9;
	v14 =	vadd.f32 v14, v15  }
0x188: {  	v0 =	vadd.f32 v13, v0;
	v7 =	vadd.f32 v7, v10  }
0x189: {  	v9 =	vadd.f32 v11, v9;
	v5 =	vadd.f32 v5, v14  }
0x18a: {  	v10 =	vadd.f32 v28, v27;
	v6 =	vadd.f32 v8, v6  }
0x18b: {  	v8 =	vmov s28;
	v0 =	vadd.f32 v7, v0;
	v7 =	vadd.f32 v5, v9  }
0x18c: {  	v5 =	vshll.u32 v8, $0x5;
	v8 =	vadd.s32 s29, v4  }
0x18d: {  	v6 =	vadd.f32 v6, v10;
	v5 =	vadd.s32 v36, v5;
	v0 =	vadd.f32 v7, v0  }
0x18e: {  	v7 =	vor.u32 $0x1, v5  }
0x18f: {  	v9 =	vor.u32 $0x2, v5;
	v0 =	vadd.f32 v0, v6  }
0x190: {  	v10 =	vor.u32 $0x4, v5  }
0x191: {  	v12 =	vor.u32 $0xD, v5;
	[tilespmem:v8+s23+$0x0] =	vst.idx.msk $0xffff, v0  }
0x192: {  	v15 =	vor.u32 $0x10, v5;
	v17 =	vld.idx.msk [tilespmem:v5+s18+$0x0], $0xffff  }
0x193: {  	v21 =	vor.u32 $0x12, v5;
	v18 =	vld.idx.msk [tilespmem:v7+s18+$0x0], $0xffff  }
0x194: {  	v6 =	vor.u32 $0x3, v5;
	v19 =	vld.idx.msk [tilespmem:v9+s18+$0x0], $0xffff  }
0x195: {  	v0 =	vor.u32 $0x5, v5;
	v23 =	vld.idx.msk [tilespmem:v10+s18+$0x0], $0xffff  }
0x196: {  	v8 =	vor.u32 $0x7, v5;
	v13 =	vld.idx.msk [tilespmem:v12+s18+$0x0], $0xffff  }
0x197: {  	v7 =	vor.u32 $0x6, v5;
	v12 =	vld.idx.msk [tilespmem:v15+s18+$0x0], $0xffff  }
0x198: {  	v9 =	vor.u32 $0x9, v5;
	v15 =	vld.idx.msk [tilespmem:v21+s18+$0x0], $0xffff  }
0x199: {  	v10 =	vor.u32 $0xB, v5;
	v20 =	vld.idx.msk [tilespmem:v6+s18+$0x0], $0xffff  }
0x19a: {  	v14 =	vor.u32 $0xE, v5;
	v24 =	vld.idx.msk [tilespmem:v0+s18+$0x0], $0xffff  }
0x19b: {  	v29 =	vor.u32 $0x14, v5;
	v34 =	vld.idx.msk [tilespmem:v8+s18+$0x0], $0xffff  }
0x19c: {  	v31 =	vor.u32 $0x15, v5;
	v33 =	vld.idx.msk [tilespmem:v7+s18+$0x0], $0xffff  }
0x19d: {  	v0 =	vor.u32 $0xA, v5;
	v9 =	vld.idx.msk [tilespmem:v9+s18+$0x0], $0xffff  }
0x19e: {  	v35 =	vor.u32 $0x16, v5;
	v11 =	vld.idx.msk [tilespmem:v10+s18+$0x0], $0xffff  }
0x19f: {  	v6 =	vor.u32 $0x8, v5;
	v10 =	vld.idx.msk [tilespmem:v14+s18+$0x0], $0xffff  }
0x1a0: {  	v36 =	vor.u32 $0x17, v5;
	v27 =	vmul.f32 v17, v38;
	v17 =	vld.idx.msk [tilespmem:v29+s18+$0x0], $0xffff  }
0x1a1: {  	v8 =	vor.u32 $0xC, v5;
	v28 =	vmul.f32 v18, v39;
	v18 =	vld.idx.msk [tilespmem:v31+s18+$0x0], $0xffff  }
0x1a2: {  	v7 =	vld.idx.msk [tilespmem:v0+s18+$0x0], $0xffff;
	v0 =	vor.u32 $0xF, v5  }
0x1a3: {  	v16 =	vor.u32 $0x11, v5;
	v29 =	vmul.f32 v19, v40;
	v19 =	vld.idx.msk [tilespmem:v35+s18+$0x0], $0xffff  }
0x1a4: {  	p0 =	sne.s32 s28, $0x30;
	v22 =	vor.u32 $0x13, v5;
	v6 =	vld.idx.msk [tilespmem:v6+s18+$0x0], $0xffff  }
.Ltmp1:
0x1a5: {  	v30 =	vmul.f32 v20, v41;
	v20 =	vld.idx.msk [tilespmem:v36+s18+$0x0], $0xffff;
	(pc) =	sbr.rel @p0 .LBB2_5-.Ltmp1, $4  }
0x1a6: {  	v26 =	vor.u32 $0x18, v5;
	v8 =	vld.idx.msk [tilespmem:v8+s18+$0x0], $0xffff  }
0x1a7: {  	v25 =	vor.u32 $0x19, v5;
	v21 =	vor.u32 $0x1A, v5;
	v31 =	vmul.f32 v23, v54;
	v14 =	vld.idx.msk [tilespmem:v0+s18+$0x0], $0xffff  }
0x1a8: {  	v23 =	vor.u32 $0x1C, v5;
	v32 =	vmul.f32 v24, v58;
	v34 =	vmul.f32 v34, v2;
	v0 =	vld.idx.msk [tilespmem:v16+s18+$0x0], $0xffff  }
0x1a9: {  	s29 =	smov.u32 s28;
	s28 =	sadd.s32 $0x2, s28;
	v36 =	vmovc v37;
	v24 =	vor.u32 $0x1D, v5;
	v33 =	vmul.f32 v33, v60;
	v16 =	vld.idx.msk [tilespmem:v22+s18+$0x0], $0xffff;
	v22 =	vor.u32 $0x1B, v5  }
0x1aa: {  	_ =	sdelay $0x3  }
0x1ab: {  	v26 =	vld.idx.msk [tilespmem:v26+s18+$0x0], $0xffff  }
0x1ac: {  	v25 =	vld.idx.msk [tilespmem:v25+s18+$0x0], $0xffff  }
0x1ad: {  	v2 =	vor.u32 $0x1E, v5;
	v37 =	vld [tilespmem:$0x1FD80];
	v9 =	vmul.f32 v9, v46;
	v11 =	vmul.f32 v11, v47  }
0x1ae: {  	v27 =	vadd.f32 v28, v27;
	v38 =	vld [tilespmem:$0x1FD90];
	v13 =	vmul.f32 v13, v48;
	v10 =	vmul.f32 v10, v42  }
0x1af: {  	v54 =	vadd.f32 v30, v29;
	v40 =	vld [tilespmem:$0x1FDA0];
	v12 =	vmul.f32 v12, v43;
	v46 =	vmul.f32 v15, v44  }
0x1b0: {  	v58 =	vor.u32 $0x1F, v5;
	v21 =	vld.idx.msk [tilespmem:v21+s18+$0x0], $0xffff;
	v48 =	vmul.f32 v17, v45;
	v14 =	vmul.f32 v14, v49  }
0x1b1: {  	v60 =	vadd.f32 v32, v31;
	v22 =	vld.idx.msk [tilespmem:v22+s18+$0x0], $0xffff;
	v49 =	vmul.f32 v18, v52;
	v0 =	vmul.f32 v0, v50  }
0x1b2: {  	v41 =	vld.idx.msk [tilespmem:v23+s18+$0x0], $0xffff;
	v35 =	vadd.f32 v34, v33;
	v50 =	vmul.f32 v19, v53;
	v47 =	vmul.f32 v16, v51  }
0x1b3: {  	v42 =	vld.idx.msk [tilespmem:v24+s18+$0x0], $0xffff;
	v27 =	vadd.f32 v54, v27;
	v51 =	vmul.f32 v20, v55;
	v6 =	vmul.f32 v6, v37  }
0x1b4: {  	v39 =	vadd.f32 v35, v60;
	v7 =	vmul.f32 v7, v38;
	v8 =	vmul.f32 v8, v40;
	v2 =	vld.idx.msk [tilespmem:v2+s18+$0x0], $0xffff  }
0x1b5: {  	v10 =	vadd.f32 v14, v10;
	v5 =	vld.idx.msk [tilespmem:v58+s18+$0x0], $0xffff;
	v52 =	vmul.f32 v26, v56;
	v53 =	vmul.f32 v25, v57  }
0x1b6: {  	v0 =	vadd.f32 v0, v12;
	v54 =	vmul.f32 v21, v59;
	v56 =	vadd.f32 v49, v48  }
0x1b7: {  	v55 =	vmul.f32 v22, v61;
	v57 =	vadd.f32 v51, v50;
	v6 =	vadd.f32 v9, v6  }
0x1b8: {  	v1 =	vmul.f32 v42, v1;
	v7 =	vadd.f32 v11, v7;
	v8 =	vadd.f32 v13, v8  }
0x1b9: {  	v13 =	vadd.f32 v47, v46;
	v9 =	vmul.f32 v41, v62;
	v58 =	vadd.f32 v53, v52  }
0x1ba: {  	v59 =	vadd.f32 v55, v54;
	v2 =	vmul.f32 v2, v63;
	v3 =	vmul.f32 v5, v3  }
0x1bb: {  	v60 =	vadd.f32 v57, v56;
	v6 =	vadd.f32 v7, v6  }
0x1bc: {  	v1 =	vadd.f32 v1, v9;
	v2 =	vadd.f32 v3, v2  }
0x1bd: {  	v8 =	vadd.f32 v10, v8;
	v0 =	vadd.f32 v13, v0  }
0x1be: {  	v61 =	vadd.f32 v59, v58;
	v1 =	vadd.f32 v2, v1  }
0x1bf: {  	v62 =	vadd.f32 v39, v27;
	v6 =	vadd.f32 v8, v6  }
0x1c0: {  	s26 =	sadd.s32 $0x1, s26;
	v0 =	vadd.f32 v60, v0;
	v1 =	vadd.f32 v1, v61  }
0x1c1: {  	p0 =	sne.s32 s26, $0x20;
	v63 =	vadd.s32 s29, v4  }
.Ltmp2:
0x1c2: {  	v2 =	vadd.f32 v6, v62;
	v0 =	vadd.f32 v1, v0;
	(pc) =	sbr.rel @p0 .LBB2_2-.Ltmp2, $3  }
0x1c3: {  	_ = 	snop  }
0x1c4: {  	v0 =	vadd.f32 v0, v2;
	_ =	sdelay $0x1  }
0x1c5: {  	[tilespmem:v63+s23+$0x0] =	vst.idx.msk $0xffff, v0  }
0x1c6: {  	s25 =	sadd.s32 $0x1, s25  }
0x1c7: {  	p0 =	sne.s32 s25, s7  }
.Ltmp3:
0x1c8: {  	_ = 	snop;
	(pc) =	sbr.rel @p0 .LBB2_1-.Ltmp3, $4  }
0x1c9: {  	[hbm4b:s6+s2] =	stream.linear.scatter [tilespmem:s23], [sflag:$0x3], $0x6400, $0x38;
	[tilespmem:$0x17000] =	vst v63  }
0x1ca: {  	_ =	swait.ge [sflag:s8], $0x6400  }
0x1cb: {  	[sflag:s8] =	ssyncset.done $0x0  }
0x1cc: {  	[sflag:s8] =	ssyncadd.s32 $0xFFFF9C00  }
0x1cd: {  	_ =	sfence.sel $0x180000  }
0x1ce: {  	[bflag:$0x0] =	sbarrier.arrive $0xFFFF  }
0x1cf: {  	_ =	strace $0x9000004A  }
0x1d0: {  	[bflag:$0x2] =	sbarrier.arrive $0xFFFF  }
0x1d1: {  	p0 =	sne.s32 s1, $0x0;
	s0 =	rddreg [dreg:$0x1]  }
0x1d2: {  	s0 =	sadd.s32 @!p0 $0x100000, s0  }
0x1d3: {  	[sflag:s0] =	ssyncadd.tile.s32 @!p0 $0x1;
	_ =	shalt  }
.Lfunc_end2:
_tile_overlayer_lowered:
.L_overlay_start_2:
0x1d4: {  	(tag) =	ssettag $0x2  }
0x1d5: {  	s0 =	rddreg [dreg:$0x0];
	s2 =	stileid.u32  }
0x1d6: {  	s1 =	rddreg [dreg:$0x1];
	p0 =	sne.s32 s2, $0x0  }
0x1d7: {  	s3 =	rddreg [dreg:$0x2];
	[bflag:$0x3] =	sbarrier.arrive $0xFFFF;
	s2 =	simm.s32 @!p0 $0x1C03  }
0x1d8: {  	[timem:s3], [sflag:s2] =	dma.local @!p0 [hbm:s0], s1  }
0x1d9: {  	s0 =	simm.s32 @!p0 $0x3  }
0x1da: {  	_ =	swait.ge @!p0 [sflag:s0], s1  }
0x1db: {  	s1 =	ssub.s32 @!p0 $0x0, s1;
	[sflag:s0] =	ssyncset.done @!p0 $0x0  }
0x1dc: {  	[sflag:s0] =	ssyncadd.s32 @!p0 s1  }
0x1dd: {  	[bflag:$0x3] =	sbarrier.arrive $0xFFFF  }
0x1de: {  	_ =	shalt  }

</sc_bundles>
